<compile_context>
chip_gen: v7x
topology: tpu7x:2x2x1
jax: 0.10.2.dev20260603
libtpu: 0.0.44.dev20260713+nightly
codegen_flags: <defaults>
</compile_context>

<pallas_src>
import functools

import jax
import jax.numpy as jnp
import numpy as np
from jax import lax
from jax.experimental import pallas as pl
from jax.experimental.pallas import tpu as pltpu
from jax.experimental.pallas import tpu_sc as plsc

DIM = 64
HALF = DIM // 2
MAX_POS = 8192
THETA = 10000.0
SEQ = 8192

_w = 1.0 / (THETA ** (np.arange(0, DIM, 2, dtype=np.float64) / DIM))
_hi_ang = np.outer(np.arange(MAX_POS // 128) * 128.0, _w)
_lo_ang = np.outer(np.arange(128).astype(np.float64), _w)
_THI = np.concatenate([np.cos(_hi_ang), np.sin(_hi_ang)], axis=1).astype(np.float32)
_TLO = np.concatenate([np.cos(_lo_ang), np.sin(_lo_ang)], axis=1).astype(np.float32)

_NC, _NS = 2, 16
_NW = _NC * _NS
_CHUNK = SEQ // _NW
_G = _CHUNK // 16


@functools.partial(
    pl.kernel,
    mesh=plsc.VectorSubcoreMesh(core_axis_name="c", subcore_axis_name="s"),
    out_type=(
        jax.ShapeDtypeStruct((SEQ, DIM), jnp.float32),
        jax.ShapeDtypeStruct((SEQ, DIM), jnp.float32),
    ),
    scratch_types=[
        pltpu.VMEM((_CHUNK,), jnp.int32),
        pltpu.VMEM(((MAX_POS // 128) * DIM,), jnp.float32),
        pltpu.VMEM((128 * DIM,), jnp.float32),
        pltpu.VMEM((_CHUNK, DIM), jnp.float32),
        pltpu.VMEM((_CHUNK, DIM), jnp.float32),
        pltpu.SemaphoreType.DMA,
        pltpu.SemaphoreType.DMA,
        pltpu.SemaphoreType.DMA,
    ],
    compiler_params=pltpu.CompilerParams(
        use_tc_tiling_on_sc=False, needs_layout_passes=False
    ),
)
def _rope_trig(thi_hbm, tlo_hbm, idx_hbm, cos_out, sin_out,
               idx_v, thi_v, tlo_v, cos_v, sin_v, sem_c, sem_s, sem_t):
    wid = lax.axis_index("s") * _NC + lax.axis_index("c")
    base = wid * _CHUNK
    cp1 = pltpu.async_copy(idx_hbm.at[pl.ds(base, _CHUNK)], idx_v, sem_c)
    cp2 = pltpu.async_copy(thi_hbm, thi_v, sem_s)
    cp3 = pltpu.async_copy(tlo_hbm, tlo_v, sem_t)
    cp1.wait()
    cp2.wait()
    cp3.wait()

    lanes = lax.iota(jnp.int32, 16)

    def _group(g):
        idxv = idx_v[pl.ds(g * 16, 16)]
        for j in range(16):
            p = g * 16 + j
            bvec = jnp.take_along_axis(
                idxv, jnp.full((16,), j, jnp.int32), axis=0,
                mode="promise_in_bounds",
            )
            hi = lax.shift_left(lax.shift_right_logical(bvec, 7), 6) + lanes
            lo = lax.shift_left(lax.bitwise_and(bvec, 127), 6) + lanes
            ch0 = plsc.load_gather(thi_v, [hi])
            ch1 = plsc.load_gather(thi_v, [hi + 16])
            sh0 = plsc.load_gather(thi_v, [hi + 32])
            sh1 = plsc.load_gather(thi_v, [hi + 48])
            cl0 = plsc.load_gather(tlo_v, [lo])
            cl1 = plsc.load_gather(tlo_v, [lo + 16])
            sl0 = plsc.load_gather(tlo_v, [lo + 32])
            sl1 = plsc.load_gather(tlo_v, [lo + 48])
            c0 = ch0 * cl0 - sh0 * sl0
            c1 = ch1 * cl1 - sh1 * sl1
            s0 = sh0 * cl0 + ch0 * sl0
            s1 = sh1 * cl1 + ch1 * sl1
            cos_v[p, pl.ds(0, 16)] = c0
            cos_v[p, pl.ds(16, 16)] = c1
            cos_v[p, pl.ds(32, 16)] = c0
            cos_v[p, pl.ds(48, 16)] = c1
            sin_v[p, pl.ds(0, 16)] = s0
            sin_v[p, pl.ds(16, 16)] = s1
            sin_v[p, pl.ds(32, 16)] = s0
            sin_v[p, pl.ds(48, 16)] = s1

    plsc.parallel_loop(0, _G, 1, unroll=2)(_group)

    cp_c = pltpu.async_copy(cos_v, cos_out.at[pl.ds(base, _CHUNK)], sem_c)
    cp_s = pltpu.async_copy(sin_v, sin_out.at[pl.ds(base, _CHUNK)], sem_s)
    cp_c.wait()
    cp_s.wait()


def kernel(x, position_ids):
    thi = jnp.asarray(_THI.reshape(-1))
    tlo = jnp.asarray(_TLO.reshape(-1))
    idx = position_ids.reshape(SEQ).astype(jnp.int32)
    cos, sin = _rope_trig(thi, tlo, idx)
    cos = cos.reshape(1, 1, SEQ, DIM).astype(x.dtype)
    sin = sin.reshape(1, 1, SEQ, DIM).astype(x.dtype)
    return cos, sin

# --- scband reference (transcript-rebuilt; emitter-appended) ---
"""Pipeline reference for scband-rotary-embedding-16217796510287 (READ-ONLY COPY).

The authoritative reference and input builder live on the scoring server;
editing this copy changes nothing except your own understanding.
"""

import jax, jax.numpy as jnp
import numpy as np

DIM = 64
MAX_POS = 8192
THETA = 10000.0
BATCH = 1
N_HEADS = 16
SEQ = 8192


def setup_inputs(seed: int = 0) -> dict:
    key = jax.random.key(seed)
    k1, k2 = jax.random.split(key)
    x = jax.random.normal(k1, (BATCH, N_HEADS, SEQ, DIM), dtype=jnp.float32)
    position_ids = jax.random.randint(k2, (BATCH, SEQ), 0, MAX_POS, dtype=jnp.int32)
    return {"x": x, "position_ids": position_ids}


def reference(x, position_ids):
    # Precomputed rotary cache (buffers derived from init args)
    inv_freq = 1.0 / (THETA ** (jnp.arange(0, DIM, 2, dtype=jnp.float32) / DIM))
    t = jnp.arange(MAX_POS, dtype=jnp.float32)
    freqs = jnp.einsum('i,j->ij', t, inv_freq)
    emb = jnp.concatenate((freqs, freqs), axis=-1)  # [MAX_POS, DIM]
    cos_cached = jnp.cos(emb)
    sin_cached = jnp.sin(emb)
    # gather along the position axis: (B, 1, S, DIM)
    cos = jnp.take(cos_cached, position_ids, axis=0)[:, None, :, :]
    sin = jnp.take(sin_cached, position_ids, axis=0)[:, None, :, :]
    return (cos.astype(x.dtype), sin.astype(x.dtype))

if __name__ == "__main__":
    import jax
    _d = setup_inputs()
    print(jax.jit(kernel)(*tuple(_d.values())))

</pallas_src>

<mosaic_0001>
#map = affine_map<(d0, d1) -> (0)>
#map1 = affine_map<(d0, d1) -> (0, 0)>
module attributes {stable_mosaic.version = 14 : i64} {
  func.func @_rope_trig(%arg0: i32, %arg1: i32, %arg2: memref<4096xf32, #tpu.memory_space<hbm>>, %arg3: memref<8192xf32, #tpu.memory_space<hbm>>, %arg4: memref<8192xi32, #tpu.memory_space<hbm>>, %arg5: memref<8192x64xf32, #tpu.memory_space<hbm>>, %arg6: memref<8192x64xf32, #tpu.memory_space<hbm>>, %arg7: memref<256xi32, #tpu.memory_space<vmem>>, %arg8: memref<4096xf32, #tpu.memory_space<vmem>>, %arg9: memref<8192xf32, #tpu.memory_space<vmem>>, %arg10: memref<256x64xf32, #tpu.memory_space<vmem>>, %arg11: memref<256x64xf32, #tpu.memory_space<vmem>>, %arg12: memref<!tpu.dma_semaphore, #tpu.memory_space<semaphore_mem>>, %arg13: memref<!tpu.dma_semaphore, #tpu.memory_space<semaphore_mem>>, %arg14: memref<!tpu.dma_semaphore, #tpu.memory_space<semaphore_mem>>) attributes {dimension_semantics = [#tpu.dimension_semantics<core_parallel>, #tpu.dimension_semantics<subcore_parallel>], iteration_bounds = array<i64: 2, 16>, scalar_prefetch = 0 : i64, scratch_operands = 8 : i64, tpu.core_type = #tpu.core_type<sc_vector_subcore>, window_params = [{transform_indices = #map}, {transform_indices = #map}, {transform_indices = #map}, {transform_indices = #map1}, {transform_indices = #map1}]} {
    %mul3A = arith.constant 2 : i32
    %mul3A_0 = arith.muli %arg1, %mul3A : i32
    %add3A = arith.addi %mul3A_0, %arg0 : i32
    %mul3A_1 = arith.constant 256 : i32
    %mul3A_2 = arith.muli %add3A, %mul3A_1 : i32
    %dma_start3A = tpu.memref_slice %arg4[%mul3A_2] : memref<8192xi32, #tpu.memory_space<hbm>> -> memref<256xi32, #tpu.memory_space<hbm>>
    %dma_start3A_3 = tpu.memref_slice %arg4[%mul3A_2] : memref<8192xi32, #tpu.memory_space<hbm>> -> memref<256xi32, #tpu.memory_space<hbm>>
    tpu.enqueue_dma source(%dma_start3A_3 : memref<256xi32, #tpu.memory_space<hbm>>) target(%arg7 : memref<256xi32, #tpu.memory_space<vmem>>) target_semaphore(%arg12 : memref<!tpu.dma_semaphore, #tpu.memory_space<semaphore_mem>>)
    tpu.enqueue_dma source(%arg2 : memref<4096xf32, #tpu.memory_space<hbm>>) target(%arg8 : memref<4096xf32, #tpu.memory_space<vmem>>) target_semaphore(%arg13 : memref<!tpu.dma_semaphore, #tpu.memory_space<semaphore_mem>>)
    tpu.enqueue_dma source(%arg3 : memref<8192xf32, #tpu.memory_space<hbm>>) target(%arg9 : memref<8192xf32, #tpu.memory_space<vmem>>) target_semaphore(%arg14 : memref<!tpu.dma_semaphore, #tpu.memory_space<semaphore_mem>>)
    %dma_wait3A = tpu.memref_slice %arg4[%mul3A_2] : memref<8192xi32, #tpu.memory_space<hbm>> -> memref<256xi32, #tpu.memory_space<hbm>>
    %dma_wait3A_4 = tpu.memref_slice %arg4[%mul3A_2] : memref<8192xi32, #tpu.memory_space<hbm>> -> memref<256xi32, #tpu.memory_space<hbm>>
    tpu.wait_dma2 semaphore(%arg12 : memref<!tpu.dma_semaphore, #tpu.memory_space<semaphore_mem>>) src(%dma_wait3A_4 : memref<256xi32, #tpu.memory_space<hbm>>) dst(%arg7 : memref<256xi32, #tpu.memory_space<vmem>>)
    tpu.wait_dma2 semaphore(%arg13 : memref<!tpu.dma_semaphore, #tpu.memory_space<semaphore_mem>>) src(%arg2 : memref<4096xf32, #tpu.memory_space<hbm>>) dst(%arg8 : memref<4096xf32, #tpu.memory_space<vmem>>)
    tpu.wait_dma2 semaphore(%arg14 : memref<!tpu.dma_semaphore, #tpu.memory_space<semaphore_mem>>) src(%arg3 : memref<8192xf32, #tpu.memory_space<hbm>>) dst(%arg9 : memref<8192xf32, #tpu.memory_space<vmem>>)
    %iota3A = tpu.iota {dimensions = array<i32: 0>} : vector<16xi32>
    %parallel_loop3A = arith.constant 0 : i32
    %parallel_loop3A_5 = arith.constant 16 : i32
    %parallel_loop3A_6 = arith.constant 1 : i32
    scf.for %parallel_loop3A_23 = %parallel_loop3A to %parallel_loop3A_5 step %parallel_loop3A_6  : i32 {
      %parallel_loop3A_24 = arith.constant 16 : i32
      %parallel_loop3A_25 = arith.muli %parallel_loop3A_23, %parallel_loop3A_24 : i32
      %parallel_loop3A_26 = arith.index_cast %parallel_loop3A_25 : i32 to index
      %parallel_loop3A_27 = tpu.vector_load %arg7[%parallel_loop3A_26] {strides = array<i32>} : memref<256xi32, #tpu.memory_space<vmem>>, vector<16xi32>,
      %parallel_loop3A_28 = arith.constant 16 : i32
      %parallel_loop3A_29 = arith.muli %parallel_loop3A_23, %parallel_loop3A_28 : i32
      %parallel_loop3A_30 = arith.constant 0 : i32
      %parallel_loop3A_31 = arith.addi %parallel_loop3A_29, %parallel_loop3A_30 : i32
      %parallel_loop3A_32 = arith.constant 0 : i32
      %parallel_loop3A_33 = vector.broadcast %parallel_loop3A_32 : i32 to vector<16xi32>
      %parallel_loop3A_34 = vector.shape_cast %parallel_loop3A_33 : vector<16xi32> to vector<16x1xi32>
      %parallel_loop3A_35 = vector.shape_cast %parallel_loop3A_34 : vector<16x1xi32> to vector<16xi32>
      %parallel_loop3A_36 = tpu.dynamic_gather %parallel_loop3A_27[%parallel_loop3A_35] in [0] : vector<16xi32>, vector<16xi32> -> vector<16xi32>
      %parallel_loop3A_37 = arith.constant 7 : i32
      %parallel_loop3A_38 = vector.broadcast %parallel_loop3A_37 : i32 to vector<16xi32>
      %parallel_loop3A_39 = arith.shrui %parallel_loop3A_36, %parallel_loop3A_38 : vector<16xi32>
      %parallel_loop3A_40 = arith.constant 6 : i32
      %parallel_loop3A_41 = vector.broadcast %parallel_loop3A_40 : i32 to vector<16xi32>
      %parallel_loop3A_42 = arith.shli %parallel_loop3A_39, %parallel_loop3A_41 : vector<16xi32>
      %parallel_loop3A_43 = arith.addi %parallel_loop3A_42, %iota3A : vector<16xi32>
      %parallel_loop3A_44 = arith.constant 127 : i32
      %parallel_loop3A_45 = vector.broadcast %parallel_loop3A_44 : i32 to vector<16xi32>
      %parallel_loop3A_46 = arith.andi %parallel_loop3A_36, %parallel_loop3A_45 : vector<16xi32>
      %parallel_loop3A_47 = arith.constant 6 : i32
      %parallel_loop3A_48 = vector.broadcast %parallel_loop3A_47 : i32 to vector<16xi32>
      %parallel_loop3A_49 = arith.shli %parallel_loop3A_46, %parallel_loop3A_48 : vector<16xi32>
      %parallel_loop3A_50 = arith.addi %parallel_loop3A_49, %iota3A : vector<16xi32>
      %parallel_loop3A_51 = tpu.vector_load_idx %arg8[%parallel_loop3A_43] : memref<4096xf32, #tpu.memory_space<vmem>>[vector<16xi32>], vector<16xf32>,
      %parallel_loop3A_52 = arith.constant 16 : i32
      %parallel_loop3A_53 = vector.broadcast %parallel_loop3A_52 : i32 to vector<16xi32>
      %parallel_loop3A_54 = arith.addi %parallel_loop3A_43, %parallel_loop3A_53 : vector<16xi32>
      %parallel_loop3A_55 = tpu.vector_load_idx %arg8[%parallel_loop3A_54] : memref<4096xf32, #tpu.memory_space<vmem>>[vector<16xi32>], vector<16xf32>,
      %parallel_loop3A_56 = arith.constant 32 : i32
      %parallel_loop3A_57 = vector.broadcast %parallel_loop3A_56 : i32 to vector<16xi32>
      %parallel_loop3A_58 = arith.addi %parallel_loop3A_43, %parallel_loop3A_57 : vector<16xi32>
      %parallel_loop3A_59 = tpu.vector_load_idx %arg8[%parallel_loop3A_58] : memref<4096xf32, #tpu.memory_space<vmem>>[vector<16xi32>], vector<16xf32>,
      %parallel_loop3A_60 = arith.constant 48 : i32
      %parallel_loop3A_61 = vector.broadcast %parallel_loop3A_60 : i32 to vector<16xi32>
      %parallel_loop3A_62 = arith.addi %parallel_loop3A_43, %parallel_loop3A_61 : vector<16xi32>
      %parallel_loop3A_63 = tpu.vector_load_idx %arg8[%parallel_loop3A_62] : memref<4096xf32, #tpu.memory_space<vmem>>[vector<16xi32>], vector<16xf32>,
      %parallel_loop3A_64 = tpu.vector_load_idx %arg9[%parallel_loop3A_50] : memref<8192xf32, #tpu.memory_space<vmem>>[vector<16xi32>], vector<16xf32>,
      %parallel_loop3A_65 = arith.constant 16 : i32
      %parallel_loop3A_66 = vector.broadcast %parallel_loop3A_65 : i32 to vector<16xi32>
      %parallel_loop3A_67 = arith.addi %parallel_loop3A_50, %parallel_loop3A_66 : vector<16xi32>
      %parallel_loop3A_68 = tpu.vector_load_idx %arg9[%parallel_loop3A_67] : memref<8192xf32, #tpu.memory_space<vmem>>[vector<16xi32>], vector<16xf32>,
      %parallel_loop3A_69 = arith.constant 32 : i32
      %parallel_loop3A_70 = vector.broadcast %parallel_loop3A_69 : i32 to vector<16xi32>
      %parallel_loop3A_71 = arith.addi %parallel_loop3A_50, %parallel_loop3A_70 : vector<16xi32>
      %parallel_loop3A_72 = tpu.vector_load_idx %arg9[%parallel_loop3A_71] : memref<8192xf32, #tpu.memory_space<vmem>>[vector<16xi32>], vector<16xf32>,
      %parallel_loop3A_73 = arith.constant 48 : i32
      %parallel_loop3A_74 = vector.broadcast %parallel_loop3A_73 : i32 to vector<16xi32>
      %parallel_loop3A_75 = arith.addi %parallel_loop3A_50, %parallel_loop3A_74 : vector<16xi32>
      %parallel_loop3A_76 = tpu.vector_load_idx %arg9[%parallel_loop3A_75] : memref<8192xf32, #tpu.memory_space<vmem>>[vector<16xi32>], vector<16xf32>,
      %parallel_loop3A_77 = arith.mulf %parallel_loop3A_51, %parallel_loop3A_64 : vector<16xf32>
      %parallel_loop3A_78 = arith.mulf %parallel_loop3A_59, %parallel_loop3A_72 : vector<16xf32>
      %parallel_loop3A_79 = arith.subf %parallel_loop3A_77, %parallel_loop3A_78 : vector<16xf32>
      %parallel_loop3A_80 = arith.mulf %parallel_loop3A_55, %parallel_loop3A_68 : vector<16xf32>
      %parallel_loop3A_81 = arith.mulf %parallel_loop3A_63, %parallel_loop3A_76 : vector<16xf32>
      %parallel_loop3A_82 = arith.subf %parallel_loop3A_80, %parallel_loop3A_81 : vector<16xf32>
      %parallel_loop3A_83 = arith.mulf %parallel_loop3A_59, %parallel_loop3A_64 : vector<16xf32>
      %parallel_loop3A_84 = arith.mulf %parallel_loop3A_51, %parallel_loop3A_72 : vector<16xf32>
      %parallel_loop3A_85 = arith.addf %parallel_loop3A_83, %parallel_loop3A_84 : vector<16xf32>
      %parallel_loop3A_86 = arith.mulf %parallel_loop3A_63, %parallel_loop3A_68 : vector<16xf32>
      %parallel_loop3A_87 = arith.mulf %parallel_loop3A_55, %parallel_loop3A_76 : vector<16xf32>
      %parallel_loop3A_88 = arith.addf %parallel_loop3A_86, %parallel_loop3A_87 : vector<16xf32>
      %parallel_loop3A_89 = arith.index_cast %parallel_loop3A_31 : i32 to index
      %parallel_loop3A_90 = arith.constant 0 : index
      %parallel_loop3A_91 = tpu.vector_load %arg10[%parallel_loop3A_89, %parallel_loop3A_90] {strides = array<i32>} : memref<256x64xf32, #tpu.memory_space<vmem>>, vector<16xf32>,
      tpu.vector_store %arg10[%parallel_loop3A_89, %parallel_loop3A_90], %parallel_loop3A_79 {strides = array<i32>} : memref<256x64xf32, #tpu.memory_space<vmem>>, vector<16xf32>,
      %parallel_loop3A_92 = arith.index_cast %parallel_loop3A_31 : i32 to index
      %parallel_loop3A_93 = arith.constant 16 : index
      %parallel_loop3A_94 = tpu.vector_load %arg10[%parallel_loop3A_92, %parallel_loop3A_93] {strides = array<i32>} : memref<256x64xf32, #tpu.memory_space<vmem>>, vector<16xf32>,
      tpu.vector_store %arg10[%parallel_loop3A_92, %parallel_loop3A_93], %parallel_loop3A_82 {strides = array<i32>} : memref<256x64xf32, #tpu.memory_space<vmem>>, vector<16xf32>,
      %parallel_loop3A_95 = arith.index_cast %parallel_loop3A_31 : i32 to index
      %parallel_loop3A_96 = arith.constant 32 : index
      %parallel_loop3A_97 = tpu.vector_load %arg10[%parallel_loop3A_95, %parallel_loop3A_96] {strides = array<i32>} : memref<256x64xf32, #tpu.memory_space<vmem>>, vector<16xf32>,
      tpu.vector_store %arg10[%parallel_loop3A_95, %parallel_loop3A_96], %parallel_loop3A_79 {strides = array<i32>} : memref<256x64xf32, #tpu.memory_space<vmem>>, vector<16xf32>,
      %parallel_loop3A_98 = arith.index_cast %parallel_loop3A_31 : i32 to index
      %parallel_loop3A_99 = arith.constant 48 : index
      %parallel_loop3A_100 = tpu.vector_load %arg10[%parallel_loop3A_98, %parallel_loop3A_99] {strides = array<i32>} : memref<256x64xf32, #tpu.memory_space<vmem>>, vector<16xf32>,
      tpu.vector_store %arg10[%parallel_loop3A_98, %parallel_loop3A_99], %parallel_loop3A_82 {strides = array<i32>} : memref<256x64xf32, #tpu.memory_space<vmem>>, vector<16xf32>,
      %parallel_loop3A_101 = arith.index_cast %parallel_loop3A_31 : i32 to index
      %parallel_loop3A_102 = arith.constant 0 : index
      %parallel_loop3A_103 = tpu.vector_load %arg11[%parallel_loop3A_101, %parallel_loop3A_102] {strides = array<i32>} : memref<256x64xf32, #tpu.memory_space<vmem>>, vector<16xf32>,
      tpu.vector_store %arg11[%parallel_loop3A_101, %parallel_loop3A_102], %parallel_loop3A_85 {strides = array<i32>} : memref<256x64xf32, #tpu.memory_space<vmem>>, vector<16xf32>,
      %parallel_loop3A_104 = arith.index_cast %parallel_loop3A_31 : i32 to index
      %parallel_loop3A_105 = arith.constant 16 : index
      %parallel_loop3A_106 = tpu.vector_load %arg11[%parallel_loop3A_104, %parallel_loop3A_105] {strides = array<i32>} : memref<256x64xf32, #tpu.memory_space<vmem>>, vector<16xf32>,
      tpu.vector_store %arg11[%parallel_loop3A_104, %parallel_loop3A_105], %parallel_loop3A_88 {strides = array<i32>} : memref<256x64xf32, #tpu.memory_space<vmem>>, vector<16xf32>,
      %parallel_loop3A_107 = arith.index_cast %parallel_loop3A_31 : i32 to index
      %parallel_loop3A_108 = arith.constant 32 : index
      %parallel_loop3A_109 = tpu.vector_load %arg11[%parallel_loop3A_107, %parallel_loop3A_108] {strides = array<i32>} : memref<256x64xf32, #tpu.memory_space<vmem>>, vector<16xf32>,
      tpu.vector_store %arg11[%parallel_loop3A_107, %parallel_loop3A_108], %parallel_loop3A_85 {strides = array<i32>} : memref<256x64xf32, #tpu.memory_space<vmem>>, vector<16xf32>,
      %parallel_loop3A_110 = arith.index_cast %parallel_loop3A_31 : i32 to index
      %parallel_loop3A_111 = arith.constant 48 : index
      %parallel_loop3A_112 = tpu.vector_load %arg11[%parallel_loop3A_110, %parallel_loop3A_111] {strides = array<i32>} : memref<256x64xf32, #tpu.memory_space<vmem>>, vector<16xf32>,
      tpu.vector_store %arg11[%parallel_loop3A_110, %parallel_loop3A_111], %parallel_loop3A_88 {strides = array<i32>} : memref<256x64xf32, #tpu.memory_space<vmem>>, vector<16xf32>,
      %parallel_loop3A_113 = arith.constant 16 : i32
      %parallel_loop3A_114 = arith.muli %parallel_loop3A_23, %parallel_loop3A_113 : i32
      %parallel_loop3A_115 = arith.constant 1 : i32
      %parallel_loop3A_116 = arith.addi %parallel_loop3A_114, %parallel_loop3A_115 : i32
      %parallel_loop3A_117 = arith.constant 1 : i32
      %parallel_loop3A_118 = vector.broadcast %parallel_loop3A_117 : i32 to vector<16xi32>
      %parallel_loop3A_119 = vector.shape_cast %parallel_loop3A_118 : vector<16xi32> to vector<16x1xi32>
      %parallel_loop3A_120 = vector.shape_cast %parallel_loop3A_119 : vector<16x1xi32> to vector<16xi32>
      %parallel_loop3A_121 = tpu.dynamic_gather %parallel_loop3A_27[%parallel_loop3A_120] in [0] : vector<16xi32>, vector<16xi32> -> vector<16xi32>
      %parallel_loop3A_122 = arith.constant 7 : i32
      %parallel_loop3A_123 = vector.broadcast %parallel_loop3A_122 : i32 to vector<16xi32>
      %parallel_loop3A_124 = arith.shrui %parallel_loop3A_121, %parallel_loop3A_123 : vector<16xi32>
      %parallel_loop3A_125 = arith.constant 6 : i32
      %parallel_loop3A_126 = vector.broadcast %parallel_loop3A_125 : i32 to vector<16xi32>
      %parallel_loop3A_127 = arith.shli %parallel_loop3A_124, %parallel_loop3A_126 : vector<16xi32>
      %parallel_loop3A_128 = arith.addi %parallel_loop3A_127, %iota3A : vector<16xi32>
      %parallel_loop3A_129 = arith.constant 127 : i32
      %parallel_loop3A_130 = vector.broadcast %parallel_loop3A_129 : i32 to vector<16xi32>
      %parallel_loop3A_131 = arith.andi %parallel_loop3A_121, %parallel_loop3A_130 : vector<16xi32>
      %parallel_loop3A_132 = arith.constant 6 : i32
      %parallel_loop3A_133 = vector.broadcast %parallel_loop3A_132 : i32 to vector<16xi32>
      %parallel_loop3A_134 = arith.shli %parallel_loop3A_131, %parallel_loop3A_133 : vector<16xi32>
      %parallel_loop3A_135 = arith.addi %parallel_loop3A_134, %iota3A : vector<16xi32>
      %parallel_loop3A_136 = tpu.vector_load_idx %arg8[%parallel_loop3A_128] : memref<4096xf32, #tpu.memory_space<vmem>>[vector<16xi32>], vector<16xf32>,
      %parallel_loop3A_137 = arith.constant 16 : i32
      %parallel_loop3A_138 = vector.broadcast %parallel_loop3A_137 : i32 to vector<16xi32>
      %parallel_loop3A_139 = arith.addi %parallel_loop3A_128, %parallel_loop3A_138 : vector<16xi32>
      %parallel_loop3A_140 = tpu.vector_load_idx %arg8[%parallel_loop3A_139] : memref<4096xf32, #tpu.memory_space<vmem>>[vector<16xi32>], vector<16xf32>,
      %parallel_loop3A_141 = arith.constant 32 : i32
      %parallel_loop3A_142 = vector.broadcast %parallel_loop3A_141 : i32 to vector<16xi32>
      %parallel_loop3A_143 = arith.addi %parallel_loop3A_128, %parallel_loop3A_142 : vector<16xi32>
      %parallel_loop3A_144 = tpu.vector_load_idx %arg8[%parallel_loop3A_143] : memref<4096xf32, #tpu.memory_space<vmem>>[vector<16xi32>], vector<16xf32>,
      %parallel_loop3A_145 = arith.constant 48 : i32
      %parallel_loop3A_146 = vector.broadcast %parallel_loop3A_145 : i32 to vector<16xi32>
      %parallel_loop3A_147 = arith.addi %parallel_loop3A_128, %parallel_loop3A_146 : vector<16xi32>
      %parallel_loop3A_148 = tpu.vector_load_idx %arg8[%parallel_loop3A_147] : memref<4096xf32, #tpu.memory_space<vmem>>[vector<16xi32>], vector<16xf32>,
      %parallel_loop3A_149 = tpu.vector_load_idx %arg9[%parallel_loop3A_135] : memref<8192xf32, #tpu.memory_space<vmem>>[vector<16xi32>], vector<16xf32>,
      %parallel_loop3A_150 = arith.constant 16 : i32
      %parallel_loop3A_151 = vector.broadcast %parallel_loop3A_150 : i32 to vector<16xi32>
      %parallel_loop3A_152 = arith.addi %parallel_loop3A_135, %parallel_loop3A_151 : vector<16xi32>
      %parallel_loop3A_153 = tpu.vector_load_idx %arg9[%parallel_loop3A_152] : memref<8192xf32, #tpu.memory_space<vmem>>[vector<16xi32>], vector<16xf32>,
      %parallel_loop3A_154 = arith.constant 32 : i32
      %parallel_loop3A_155 = vector.broadcast %parallel_loop3A_154 : i32 to vector<16xi32>
      %parallel_loop3A_156 = arith.addi %parallel_loop3A_135, %parallel_loop3A_155 : vector<16xi32>
      %parallel_loop3A_157 = tpu.vector_load_idx %arg9[%parallel_loop3A_156] : memref<8192xf32, #tpu.memory_space<vmem>>[vector<16xi32>], vector<16xf32>,
      %parallel_loop3A_158 = arith.constant 48 : i32
      %parallel_loop3A_159 = vector.broadcast %parallel_loop3A_158 : i32 to vector<16xi32>
      %parallel_loop3A_160 = arith.addi %parallel_loop3A_135, %parallel_loop3A_159 : vector<16xi32>
      %parallel_loop3A_161 = tpu.vector_load_idx %arg9[%parallel_loop3A_160] : memref<8192xf32, #tpu.memory_space<vmem>>[vector<16xi32>], vector<16xf32>,
      %parallel_loop3A_162 = arith.mulf %parallel_loop3A_136, %parallel_loop3A_149 : vector<16xf32>
      %parallel_loop3A_163 = arith.mulf %parallel_loop3A_144, %parallel_loop3A_157 : vector<16xf32>
      %parallel_loop3A_164 = arith.subf %parallel_loop3A_162, %parallel_loop3A_163 : vector<16xf32>
      %parallel_loop3A_165 = arith.mulf %parallel_loop3A_140, %parallel_loop3A_153 : vector<16xf32>
      %parallel_loop3A_166 = arith.mulf %parallel_loop3A_148, %parallel_loop3A_161 : vector<16xf32>
      %parallel_loop3A_167 = arith.subf %parallel_loop3A_165, %parallel_loop3A_166 : vector<16xf32>
      %parallel_loop3A_168 = arith.mulf %parallel_loop3A_144, %parallel_loop3A_149 : vector<16xf32>
      %parallel_loop3A_169 = arith.mulf %parallel_loop3A_136, %parallel_loop3A_157 : vector<16xf32>
      %parallel_loop3A_170 = arith.addf %parallel_loop3A_168, %parallel_loop3A_169 : vector<16xf32>
      %parallel_loop3A_171 = arith.mulf %parallel_loop3A_148, %parallel_loop3A_153 : vector<16xf32>
      %parallel_loop3A_172 = arith.mulf %parallel_loop3A_140, %parallel_loop3A_161 : vector<16xf32>
      %parallel_loop3A_173 = arith.addf %parallel_loop3A_171, %parallel_loop3A_172 : vector<16xf32>
      %parallel_loop3A_174 = arith.index_cast %parallel_loop3A_116 : i32 to index
      %parallel_loop3A_175 = arith.constant 0 : index
      %parallel_loop3A_176 = tpu.vector_load %arg10[%parallel_loop3A_174, %parallel_loop3A_175] {strides = array<i32>} : memref<256x64xf32, #tpu.memory_space<vmem>>, vector<16xf32>,
      tpu.vector_store %arg10[%parallel_loop3A_174, %parallel_loop3A_175], %parallel_loop3A_164 {strides = array<i32>} : memref<256x64xf32, #tpu.memory_space<vmem>>, vector<16xf32>,
      %parallel_loop3A_177 = arith.index_cast %parallel_loop3A_116 : i32 to index
      %parallel_loop3A_178 = arith.constant 16 : index
      %parallel_loop3A_179 = tpu.vector_load %arg10[%parallel_loop3A_177, %parallel_loop3A_178] {strides = array<i32>} : memref<256x64xf32, #tpu.memory_space<vmem>>, vector<16xf32>,
      tpu.vector_store %arg10[%parallel_loop3A_177, %parallel_loop3A_178], %parallel_loop3A_167 {strides = array<i32>} : memref<256x64xf32, #tpu.memory_space<vmem>>, vector<16xf32>,
      %parallel_loop3A_180 = arith.index_cast %parallel_loop3A_116 : i32 to index
      %parallel_loop3A_181 = arith.constant 32 : index
      %parallel_loop3A_182 = tpu.vector_load %arg10[%parallel_loop3A_180, %parallel_loop3A_181] {strides = array<i32>} : memref<256x64xf32, #tpu.memory_space<vmem>>, vector<16xf32>,
      tpu.vector_store %arg10[%parallel_loop3A_180, %parallel_loop3A_181], %parallel_loop3A_164 {strides = array<i32>} : memref<256x64xf32, #tpu.memory_space<vmem>>, vector<16xf32>,
      %parallel_loop3A_183 = arith.index_cast %parallel_loop3A_116 : i32 to index
      %parallel_loop3A_184 = arith.constant 48 : index
      %parallel_loop3A_185 = tpu.vector_load %arg10[%parallel_loop3A_183, %parallel_loop3A_184] {strides = array<i32>} : memref<256x64xf32, #tpu.memory_space<vmem>>, vector<16xf32>,
      tpu.vector_store %arg10[%parallel_loop3A_183, %parallel_loop3A_184], %parallel_loop3A_167 {strides = array<i32>} : memref<256x64xf32, #tpu.memory_space<vmem>>, vector<16xf32>,
      %parallel_loop3A_186 = arith.index_cast %parallel_loop3A_116 : i32 to index
      %parallel_loop3A_187 = arith.constant 0 : index
      %parallel_loop3A_188 = tpu.vector_load %arg11[%parallel_loop3A_186, %parallel_loop3A_187] {strides = array<i32>} : memref<256x64xf32, #tpu.memory_space<vmem>>, vector<16xf32>,
      tpu.vector_store %arg11[%parallel_loop3A_186, %parallel_loop3A_187], %parallel_loop3A_170 {strides = array<i32>} : memref<256x64xf32, #tpu.memory_space<vmem>>, vector<16xf32>,
      %parallel_loop3A_189 = arith.index_cast %parallel_loop3A_116 : i32 to index
      %parallel_loop3A_190 = arith.constant 16 : index
      %parallel_loop3A_191 = tpu.vector_load %arg11[%parallel_loop3A_189, %parallel_loop3A_190] {strides = array<i32>} : memref<256x64xf32, #tpu.memory_space<vmem>>, vector<16xf32>,
      tpu.vector_store %arg11[%parallel_loop3A_189, %parallel_loop3A_190], %parallel_loop3A_173 {strides = array<i32>} : memref<256x64xf32, #tpu.memory_space<vmem>>, vector<16xf32>,
      %parallel_loop3A_192 = arith.index_cast %parallel_loop3A_116 : i32 to index
      %parallel_loop3A_193 = arith.constant 32 : index
      %parallel_loop3A_194 = tpu.vector_load %arg11[%parallel_loop3A_192, %parallel_loop3A_193] {strides = array<i32>} : memref<256x64xf32, #tpu.memory_space<vmem>>, vector<16xf32>,
      tpu.vector_store %arg11[%parallel_loop3A_192, %parallel_loop3A_193], %parallel_loop3A_170 {strides = array<i32>} : memref<256x64xf32, #tpu.memory_space<vmem>>, vector<16xf32>,
      %parallel_loop3A_195 = arith.index_cast %parallel_loop3A_116 : i32 to index
      %parallel_loop3A_196 = arith.constant 48 : index
      %parallel_loop3A_197 = tpu.vector_load %arg11[%parallel_loop3A_195, %parallel_loop3A_196] {strides = array<i32>} : memref<256x64xf32, #tpu.memory_space<vmem>>, vector<16xf32>,
      tpu.vector_store %arg11[%parallel_loop3A_195, %parallel_loop3A_196], %parallel_loop3A_173 {strides = array<i32>} : memref<256x64xf32, #tpu.memory_space<vmem>>, vector<16xf32>,
      %parallel_loop3A_198 = arith.constant 16 : i32
      %parallel_loop3A_199 = arith.muli %parallel_loop3A_23, %parallel_loop3A_198 : i32
      %parallel_loop3A_200 = arith.constant 2 : i32
      %parallel_loop3A_201 = arith.addi %parallel_loop3A_199, %parallel_loop3A_200 : i32
      %parallel_loop3A_202 = arith.constant 2 : i32
      %parallel_loop3A_203 = vector.broadcast %parallel_loop3A_202 : i32 to vector<16xi32>
      %parallel_loop3A_204 = vector.shape_cast %parallel_loop3A_203 : vector<16xi32> to vector<16x1xi32>
      %parallel_loop3A_205 = vector.shape_cast %parallel_loop3A_204 : vector<16x1xi32> to vector<16xi32>
      %parallel_loop3A_206 = tpu.dynamic_gather %parallel_loop3A_27[%parallel_loop3A_205] in [0] : vector<16xi32>, vector<16xi32> -> vector<16xi32>
      %parallel_loop3A_207 = arith.constant 7 : i32
      %parallel_loop3A_208 = vector.broadcast %parallel_loop3A_207 : i32 to vector<16xi32>
      %parallel_loop3A_209 = arith.shrui %parallel_loop3A_206, %parallel_loop3A_208 : vector<16xi32>
      %parallel_loop3A_210 = arith.constant 6 : i32
      %parallel_loop3A_211 = vector.broadcast %parallel_loop3A_210 : i32 to vector<16xi32>
      %parallel_loop3A_212 = arith.shli %parallel_loop3A_209, %parallel_loop3A_211 : vector<16xi32>
      %parallel_loop3A_213 = arith.addi %parallel_loop3A_212, %iota3A : vector<16xi32>
      %parallel_loop3A_214 = arith.constant 127 : i32
      %parallel_loop3A_215 = vector.broadcast %parallel_loop3A_214 : i32 to vector<16xi32>
      %parallel_loop3A_216 = arith.andi %parallel_loop3A_206, %parallel_loop3A_215 : vector<16xi32>
      %parallel_loop3A_217 = arith.constant 6 : i32
      %parallel_loop3A_218 = vector.broadcast %parallel_loop3A_217 : i32 to vector<16xi32>
      %parallel_loop3A_219 = arith.shli %parallel_loop3A_216, %parallel_loop3A_218 : vector<16xi32>
      %parallel_loop3A_220 = arith.addi %parallel_loop3A_219, %iota3A : vector<16xi32>
      %parallel_loop3A_221 = tpu.vector_load_idx %arg8[%parallel_loop3A_213] : memref<4096xf32, #tpu.memory_space<vmem>>[vector<16xi32>], vector<16xf32>,
      %parallel_loop3A_222 = arith.constant 16 : i32
      %parallel_loop3A_223 = vector.broadcast %parallel_loop3A_222 : i32 to vector<16xi32>
      %parallel_loop3A_224 = arith.addi %parallel_loop3A_213, %parallel_loop3A_223 : vector<16xi32>
      %parallel_loop3A_225 = tpu.vector_load_idx %arg8[%parallel_loop3A_224] : memref<4096xf32, #tpu.memory_space<vmem>>[vector<16xi32>], vector<16xf32>,
      %parallel_loop3A_226 = arith.constant 32 : i32
      %parallel_loop3A_227 = vector.broadcast %parallel_loop3A_226 : i32 to vector<16xi32>
      %parallel_loop3A_228 = arith.addi %parallel_loop3A_213, %parallel_loop3A_227 : vector<16xi32>
      %parallel_loop3A_229 = tpu.vector_load_idx %arg8[%parallel_loop3A_228] : memref<4096xf32, #tpu.memory_space<vmem>>[vector<16xi32>], vector<16xf32>,
      %parallel_loop3A_230 = arith.constant 48 : i32
      %parallel_loop3A_231 = vector.broadcast %parallel_loop3A_230 : i32 to vector<16xi32>
      %parallel_loop3A_232 = arith.addi %parallel_loop3A_213, %parallel_loop3A_231 : vector<16xi32>
      %parallel_loop3A_233 = tpu.vector_load_idx %arg8[%parallel_loop3A_232] : memref<4096xf32, #tpu.memory_space<vmem>>[vector<16xi32>], vector<16xf32>,
      %parallel_loop3A_234 = tpu.vector_load_idx %arg9[%parallel_loop3A_220] : memref<8192xf32, #tpu.memory_space<vmem>>[vector<16xi32>], vector<16xf32>,
      %parallel_loop3A_235 = arith.constant 16 : i32
      %parallel_loop3A_236 = vector.broadcast %parallel_loop3A_235 : i32 to vector<16xi32>
      %parallel_loop3A_237 = arith.addi %parallel_loop3A_220, %parallel_loop3A_236 : vector<16xi32>
      %parallel_loop3A_238 = tpu.vector_load_idx %arg9[%parallel_loop3A_237] : memref<8192xf32, #tpu.memory_space<vmem>>[vector<16xi32>], vector<16xf32>,
      %parallel_loop3A_239 = arith.constant 32 : i32
      %parallel_loop3A_240 = vector.broadcast %parallel_loop3A_239 : i32 to vector<16xi32>
      %parallel_loop3A_241 = arith.addi %parallel_loop3A_220, %parallel_loop3A_240 : vector<16xi32>
      %parallel_loop3A_242 = tpu.vector_load_idx %arg9[%parallel_loop3A_241] : memref<8192xf32, #tpu.memory_space<vmem>>[vector<16xi32>], vector<16xf32>,
      %parallel_loop3A_243 = arith.constant 48 : i32
      %parallel_loop3A_244 = vector.broadcast %parallel_loop3A_243 : i32 to vector<16xi32>
      %parallel_loop3A_245 = arith.addi %parallel_loop3A_220, %parallel_loop3A_244 : vector<16xi32>
      %parallel_loop3A_246 = tpu.vector_load_idx %arg9[%parallel_loop3A_245] : memref<8192xf32, #tpu.memory_space<vmem>>[vector<16xi32>], vector<16xf32>,
      %parallel_loop3A_247 = arith.mulf %parallel_loop3A_221, %parallel_loop3A_234 : vector<16xf32>
      %parallel_loop3A_248 = arith.mulf %parallel_loop3A_229, %parallel_loop3A_242 : vector<16xf32>
      %parallel_loop3A_249 = arith.subf %parallel_loop3A_247, %parallel_loop3A_248 : vector<16xf32>
      %parallel_loop3A_250 = arith.mulf %parallel_loop3A_225, %parallel_loop3A_238 : vector<16xf32>
      %parallel_loop3A_251 = arith.mulf %parallel_loop3A_233, %parallel_loop3A_246 : vector<16xf32>
      %parallel_loop3A_252 = arith.subf %parallel_loop3A_250, %parallel_loop3A_251 : vector<16xf32>
      %parallel_loop3A_253 = arith.mulf %parallel_loop3A_229, %parallel_loop3A_234 : vector<16xf32>
      %parallel_loop3A_254 = arith.mulf %parallel_loop3A_221, %parallel_loop3A_242 : vector<16xf32>
      %parallel_loop3A_255 = arith.addf %parallel_loop3A_253, %parallel_loop3A_254 : vector<16xf32>
      %parallel_loop3A_256 = arith.mulf %parallel_loop3A_233, %parallel_loop3A_238 : vector<16xf32>
      %parallel_loop3A_257 = arith.mulf %parallel_loop3A_225, %parallel_loop3A_246 : vector<16xf32>
      %parallel_loop3A_258 = arith.addf %parallel_loop3A_256, %parallel_loop3A_257 : vector<16xf32>
      %parallel_loop3A_259 = arith.index_cast %parallel_loop3A_201 : i32 to index
      %parallel_loop3A_260 = arith.constant 0 : index
      %parallel_loop3A_261 = tpu.vector_load %arg10[%parallel_loop3A_259, %parallel_loop3A_260] {strides = array<i32>} : memref<256x64xf32, #tpu.memory_space<vmem>>, vector<16xf32>,
      tpu.vector_store %arg10[%parallel_loop3A_259, %parallel_loop3A_260], %parallel_loop3A_249 {strides = array<i32>} : memref<256x64xf32, #tpu.memory_space<vmem>>, vector<16xf32>,
      %parallel_loop3A_262 = arith.index_cast %parallel_loop3A_201 : i32 to index
      %parallel_loop3A_263 = arith.constant 16 : index
      %parallel_loop3A_264 = tpu.vector_load %arg10[%parallel_loop3A_262, %parallel_loop3A_263] {strides = array<i32>} : memref<256x64xf32, #tpu.memory_space<vmem>>, vector<16xf32>,
      tpu.vector_store %arg10[%parallel_loop3A_262, %parallel_loop3A_263], %parallel_loop3A_252 {strides = array<i32>} : memref<256x64xf32, #tpu.memory_space<vmem>>, vector<16xf32>,
      %parallel_loop3A_265 = arith.index_cast %parallel_loop3A_201 : i32 to index
      %parallel_loop3A_266 = arith.constant 32 : index
      %parallel_loop3A_267 = tpu.vector_load %arg10[%parallel_loop3A_265, %parallel_loop3A_266] {strides = array<i32>} : memref<256x64xf32, #tpu.memory_space<vmem>>, vector<16xf32>,
      tpu.vector_store %arg10[%parallel_loop3A_265, %parallel_loop3A_266], %parallel_loop3A_249 {strides = array<i32>} : memref<256x64xf32, #tpu.memory_space<vmem>>, vector<16xf32>,
      %parallel_loop3A_268 = arith.index_cast %parallel_loop3A_201 : i32 to index
      %parallel_loop3A_269 = arith.constant 48 : index
      %parallel_loop3A_270 = tpu.vector_load %arg10[%parallel_loop3A_268, %parallel_loop3A_269] {strides = array<i32>} : memref<256x64xf32, #tpu.memory_space<vmem>>, vector<16xf32>,
      tpu.vector_store %arg10[%parallel_loop3A_268, %parallel_loop3A_269], %parallel_loop3A_252 {strides = array<i32>} : memref<256x64xf32, #tpu.memory_space<vmem>>, vector<16xf32>,
      %parallel_loop3A_271 = arith.index_cast %parallel_loop3A_201 : i32 to index
      %parallel_loop3A_272 = arith.constant 0 : index
      %parallel_loop3A_273 = tpu.vector_load %arg11[%parallel_loop3A_271, %parallel_loop3A_272] {strides = array<i32>} : memref<256x64xf32, #tpu.memory_space<vmem>>, vector<16xf32>,
      tpu.vector_store %arg11[%parallel_loop3A_271, %parallel_loop3A_272], %parallel_loop3A_255 {strides = array<i32>} : memref<256x64xf32, #tpu.memory_space<vmem>>, vector<16xf32>,
      %parallel_loop3A_274 = arith.index_cast %parallel_loop3A_201 : i32 to index
      %parallel_loop3A_275 = arith.constant 16 : index
      %parallel_loop3A_276 = tpu.vector_load %arg11[%parallel_loop3A_274, %parallel_loop3A_275] {strides = array<i32>} : memref<256x64xf32, #tpu.memory_space<vmem>>, vector<16xf32>,
      tpu.vector_store %arg11[%parallel_loop3A_274, %parallel_loop3A_275], %parallel_loop3A_258 {strides = array<i32>} : memref<256x64xf32, #tpu.memory_space<vmem>>, vector<16xf32>,
      %parallel_loop3A_277 = arith.index_cast %parallel_loop3A_201 : i32 to index
      %parallel_loop3A_278 = arith.constant 32 : index
      %parallel_loop3A_279 = tpu.vector_load %arg11[%parallel_loop3A_277, %parallel_loop3A_278] {strides = array<i32>} : memref<256x64xf32, #tpu.memory_space<vmem>>, vector<16xf32>,
      tpu.vector_store %arg11[%parallel_loop3A_277, %parallel_loop3A_278], %parallel_loop3A_255 {strides = array<i32>} : memref<256x64xf32, #tpu.memory_space<vmem>>, vector<16xf32>,
      %parallel_loop3A_280 = arith.index_cast %parallel_loop3A_201 : i32 to index
      %parallel_loop3A_281 = arith.constant 48 : index
      %parallel_loop3A_282 = tpu.vector_load %arg11[%parallel_loop3A_280, %parallel_loop3A_281] {strides = array<i32>} : memref<256x64xf32, #tpu.memory_space<vmem>>, vector<16xf32>,
      tpu.vector_store %arg11[%parallel_loop3A_280, %parallel_loop3A_281], %parallel_loop3A_258 {strides = array<i32>} : memref<256x64xf32, #tpu.memory_space<vmem>>, vector<16xf32>,
      %parallel_loop3A_283 = arith.constant 16 : i32
      %parallel_loop3A_284 = arith.muli %parallel_loop3A_23, %parallel_loop3A_283 : i32
      %parallel_loop3A_285 = arith.constant 3 : i32
      %parallel_loop3A_286 = arith.addi %parallel_loop3A_284, %parallel_loop3A_285 : i32
      %parallel_loop3A_287 = arith.constant 3 : i32
      %parallel_loop3A_288 = vector.broadcast %parallel_loop3A_287 : i32 to vector<16xi32>
      %parallel_loop3A_289 = vector.shape_cast %parallel_loop3A_288 : vector<16xi32> to vector<16x1xi32>
      %parallel_loop3A_290 = vector.shape_cast %parallel_loop3A_289 : vector<16x1xi32> to vector<16xi32>
      %parallel_loop3A_291 = tpu.dynamic_gather %parallel_loop3A_27[%parallel_loop3A_290] in [0] : vector<16xi32>, vector<16xi32> -> vector<16xi32>
      %parallel_loop3A_292 = arith.constant 7 : i32
      %parallel_loop3A_293 = vector.broadcast %parallel_loop3A_292 : i32 to vector<16xi32>
      %parallel_loop3A_294 = arith.shrui %parallel_loop3A_291, %parallel_loop3A_293 : vector<16xi32>
      %parallel_loop3A_295 = arith.constant 6 : i32
      %parallel_loop3A_296 = vector.broadcast %parallel_loop3A_295 : i32 to vector<16xi32>
      %parallel_loop3A_297 = arith.shli %parallel_loop3A_294, %parallel_loop3A_296 : vector<16xi32>
      %parallel_loop3A_298 = arith.addi %parallel_loop3A_297, %iota3A : vector<16xi32>
      %parallel_loop3A_299 = arith.constant 127 : i32
      %parallel_loop3A_300 = vector.broadcast %parallel_loop3A_299 : i32 to vector<16xi32>
      %parallel_loop3A_301 = arith.andi %parallel_loop3A_291, %parallel_loop3A_300 : vector<16xi32>
      %parallel_loop3A_302 = arith.constant 6 : i32
      %parallel_loop3A_303 = vector.broadcast %parallel_loop3A_302 : i32 to vector<16xi32>
      %parallel_loop3A_304 = arith.shli %parallel_loop3A_301, %parallel_loop3A_303 : vector<16xi32>
      %parallel_loop3A_305 = arith.addi %parallel_loop3A_304, %iota3A : vector<16xi32>
      %parallel_loop3A_306 = tpu.vector_load_idx %arg8[%parallel_loop3A_298] : memref<4096xf32, #tpu.memory_space<vmem>>[vector<16xi32>], vector<16xf32>,
      %parallel_loop3A_307 = arith.constant 16 : i32
      %parallel_loop3A_308 = vector.broadcast %parallel_loop3A_307 : i32 to vector<16xi32>
      %parallel_loop3A_309 = arith.addi %parallel_loop3A_298, %parallel_loop3A_308 : vector<16xi32>
      %parallel_loop3A_310 = tpu.vector_load_idx %arg8[%parallel_loop3A_309] : memref<4096xf32, #tpu.memory_space<vmem>>[vector<16xi32>], vector<16xf32>,
      %parallel_loop3A_311 = arith.constant 32 : i32
      %parallel_loop3A_312 = vector.broadcast %parallel_loop3A_311 : i32 to vector<16xi32>
      %parallel_loop3A_313 = arith.addi %parallel_loop3A_298, %parallel_loop3A_312 : vector<16xi32>
      %parallel_loop3A_314 = tpu.vector_load_idx %arg8[%parallel_loop3A_313] : memref<4096xf32, #tpu.memory_space<vmem>>[vector<16xi32>], vector<16xf32>,
      %parallel_loop3A_315 = arith.constant 48 : i32
      %parallel_loop3A_316 = vector.broadcast %parallel_loop3A_315 : i32 to vector<16xi32>
      %parallel_loop3A_317 = arith.addi %parallel_loop3A_298, %parallel_loop3A_316 : vector<16xi32>
      %parallel_loop3A_318 = tpu.vector_load_idx %arg8[%parallel_loop3A_317] : memref<4096xf32, #tpu.memory_space<vmem>>[vector<16xi32>], vector<16xf32>,
      %parallel_loop3A_319 = tpu.vector_load_idx %arg9[%parallel_loop3A_305] : memref<8192xf32, #tpu.memory_space<vmem>>[vector<16xi32>], vector<16xf32>,
      %parallel_loop3A_320 = arith.constant 16 : i32
      %parallel_loop3A_321 = vector.broadcast %parallel_loop3A_320 : i32 to vector<16xi32>
      %parallel_loop3A_322 = arith.addi %parallel_loop3A_305, %parallel_loop3A_321 : vector<16xi32>
      %parallel_loop3A_323 = tpu.vector_load_idx %arg9[%parallel_loop3A_322] : memref<8192xf32, #tpu.memory_space<vmem>>[vector<16xi32>], vector<16xf32>,
      %parallel_loop3A_324 = arith.constant 32 : i32
      %parallel_loop3A_325 = vector.broadcast %parallel_loop3A_324 : i32 to vector<16xi32>
      %parallel_loop3A_326 = arith.addi %parallel_loop3A_305, %parallel_loop3A_325 : vector<16xi32>
      %parallel_loop3A_327 = tpu.vector_load_idx %arg9[%parallel_loop3A_326] : memref<8192xf32, #tpu.memory_space<vmem>>[vector<16xi32>], vector<16xf32>,
      %parallel_loop3A_328 = arith.constant 48 : i32
      %parallel_loop3A_329 = vector.broadcast %parallel_loop3A_328 : i32 to vector<16xi32>
      %parallel_loop3A_330 = arith.addi %parallel_loop3A_305, %parallel_loop3A_329 : vector<16xi32>
      %parallel_loop3A_331 = tpu.vector_load_idx %arg9[%parallel_loop3A_330] : memref<8192xf32, #tpu.memory_space<vmem>>[vector<16xi32>], vector<16xf32>,
      %parallel_loop3A_332 = arith.mulf %parallel_loop3A_306, %parallel_loop3A_319 : vector<16xf32>
      %parallel_loop3A_333 = arith.mulf %parallel_loop3A_314, %parallel_loop3A_327 : vector<16xf32>
      %parallel_loop3A_334 = arith.subf %parallel_loop3A_332, %parallel_loop3A_333 : vector<16xf32>
      %parallel_loop3A_335 = arith.mulf %parallel_loop3A_310, %parallel_loop3A_323 : vector<16xf32>
      %parallel_loop3A_336 = arith.mulf %parallel_loop3A_318, %parallel_loop3A_331 : vector<16xf32>
      %parallel_loop3A_337 = arith.subf %parallel_loop3A_335, %parallel_loop3A_336 : vector<16xf32>
      %parallel_loop3A_338 = arith.mulf %parallel_loop3A_314, %parallel_loop3A_319 : vector<16xf32>
      %parallel_loop3A_339 = arith.mulf %parallel_loop3A_306, %parallel_loop3A_327 : vector<16xf32>
      %parallel_loop3A_340 = arith.addf %parallel_loop3A_338, %parallel_loop3A_339 : vector<16xf32>
      %parallel_loop3A_341 = arith.mulf %parallel_loop3A_318, %parallel_loop3A_323 : vector<16xf32>
      %parallel_loop3A_342 = arith.mulf %parallel_loop3A_310, %parallel_loop3A_331 : vector<16xf32>
      %parallel_loop3A_343 = arith.addf %parallel_loop3A_341, %parallel_loop3A_342 : vector<16xf32>
      %parallel_loop3A_344 = arith.index_cast %parallel_loop3A_286 : i32 to index
      %parallel_loop3A_345 = arith.constant 0 : index
      %parallel_loop3A_346 = tpu.vector_load %arg10[%parallel_loop3A_344, %parallel_loop3A_345] {strides = array<i32>} : memref<256x64xf32, #tpu.memory_space<vmem>>, vector<16xf32>,
      tpu.vector_store %arg10[%parallel_loop3A_344, %parallel_loop3A_345], %parallel_loop3A_334 {strides = array<i32>} : memref<256x64xf32, #tpu.memory_space<vmem>>, vector<16xf32>,
      %parallel_loop3A_347 = arith.index_cast %parallel_loop3A_286 : i32 to index
      %parallel_loop3A_348 = arith.constant 16 : index
      %parallel_loop3A_349 = tpu.vector_load %arg10[%parallel_loop3A_347, %parallel_loop3A_348] {strides = array<i32>} : memref<256x64xf32, #tpu.memory_space<vmem>>, vector<16xf32>,
      tpu.vector_store %arg10[%parallel_loop3A_347, %parallel_loop3A_348], %parallel_loop3A_337 {strides = array<i32>} : memref<256x64xf32, #tpu.memory_space<vmem>>, vector<16xf32>,
      %parallel_loop3A_350 = arith.index_cast %parallel_loop3A_286 : i32 to index
      %parallel_loop3A_351 = arith.constant 32 : index
      %parallel_loop3A_352 = tpu.vector_load %arg10[%parallel_loop3A_350, %parallel_loop3A_351] {strides = array<i32>} : memref<256x64xf32, #tpu.memory_space<vmem>>, vector<16xf32>,
      tpu.vector_store %arg10[%parallel_loop3A_350, %parallel_loop3A_351], %parallel_loop3A_334 {strides = array<i32>} : memref<256x64xf32, #tpu.memory_space<vmem>>, vector<16xf32>,
      %parallel_loop3A_353 = arith.index_cast %parallel_loop3A_286 : i32 to index
      %parallel_loop3A_354 = arith.constant 48 : index
      %parallel_loop3A_355 = tpu.vector_load %arg10[%parallel_loop3A_353, %parallel_loop3A_354] {strides = array<i32>} : memref<256x64xf32, #tpu.memory_space<vmem>>, vector<16xf32>,
      tpu.vector_store %arg10[%parallel_loop3A_353, %parallel_loop3A_354], %parallel_loop3A_337 {strides = array<i32>} : memref<256x64xf32, #tpu.memory_space<vmem>>, vector<16xf32>,
      %parallel_loop3A_356 = arith.index_cast %parallel_loop3A_286 : i32 to index
      %parallel_loop3A_357 = arith.constant 0 : index
      %parallel_loop3A_358 = tpu.vector_load %arg11[%parallel_loop3A_356, %parallel_loop3A_357] {strides = array<i32>} : memref<256x64xf32, #tpu.memory_space<vmem>>, vector<16xf32>,
      tpu.vector_store %arg11[%parallel_loop3A_356, %parallel_loop3A_357], %parallel_loop3A_340 {strides = array<i32>} : memref<256x64xf32, #tpu.memory_space<vmem>>, vector<16xf32>,
      %parallel_loop3A_359 = arith.index_cast %parallel_loop3A_286 : i32 to index
      %parallel_loop3A_360 = arith.constant 16 : index
      %parallel_loop3A_361 = tpu.vector_load %arg11[%parallel_loop3A_359, %parallel_loop3A_360] {strides = array<i32>} : memref<256x64xf32, #tpu.memory_space<vmem>>, vector<16xf32>,
      tpu.vector_store %arg11[%parallel_loop3A_359, %parallel_loop3A_360], %parallel_loop3A_343 {strides = array<i32>} : memref<256x64xf32, #tpu.memory_space<vmem>>, vector<16xf32>,
      %parallel_loop3A_362 = arith.index_cast %parallel_loop3A_286 : i32 to index
      %parallel_loop3A_363 = arith.constant 32 : index
      %parallel_loop3A_364 = tpu.vector_load %arg11[%parallel_loop3A_362, %parallel_loop3A_363] {strides = array<i32>} : memref<256x64xf32, #tpu.memory_space<vmem>>, vector<16xf32>,
      tpu.vector_store %arg11[%parallel_loop3A_362, %parallel_loop3A_363], %parallel_loop3A_340 {strides = array<i32>} : memref<256x64xf32, #tpu.memory_space<vmem>>, vector<16xf32>,
      %parallel_loop3A_365 = arith.index_cast %parallel_loop3A_286 : i32 to index
      %parallel_loop3A_366 = arith.constant 48 : index
      %parallel_loop3A_367 = tpu.vector_load %arg11[%parallel_loop3A_365, %parallel_loop3A_366] {strides = array<i32>} : memref<256x64xf32, #tpu.memory_space<vmem>>, vector<16xf32>,
      tpu.vector_store %arg11[%parallel_loop3A_365, %parallel_loop3A_366], %parallel_loop3A_343 {strides = array<i32>} : memref<256x64xf32, #tpu.memory_space<vmem>>, vector<16xf32>,
      %parallel_loop3A_368 = arith.constant 16 : i32
      %parallel_loop3A_369 = arith.muli %parallel_loop3A_23, %parallel_loop3A_368 : i32
      %parallel_loop3A_370 = arith.constant 4 : i32
      %parallel_loop3A_371 = arith.addi %parallel_loop3A_369, %parallel_loop3A_370 : i32
      %parallel_loop3A_372 = arith.constant 4 : i32
      %parallel_loop3A_373 = vector.broadcast %parallel_loop3A_372 : i32 to vector<16xi32>
      %parallel_loop3A_374 = vector.shape_cast %parallel_loop3A_373 : vector<16xi32> to vector<16x1xi32>
      %parallel_loop3A_375 = vector.shape_cast %parallel_loop3A_374 : vector<16x1xi32> to vector<16xi32>
      %parallel_loop3A_376 = tpu.dynamic_gather %parallel_loop3A_27[%parallel_loop3A_375] in [0] : vector<16xi32>, vector<16xi32> -> vector<16xi32>
      %parallel_loop3A_377 = arith.constant 7 : i32
      %parallel_loop3A_378 = vector.broadcast %parallel_loop3A_377 : i32 to vector<16xi32>
      %parallel_loop3A_379 = arith.shrui %parallel_loop3A_376, %parallel_loop3A_378 : vector<16xi32>
      %parallel_loop3A_380 = arith.constant 6 : i32
      %parallel_loop3A_381 = vector.broadcast %parallel_loop3A_380 : i32 to vector<16xi32>
      %parallel_loop3A_382 = arith.shli %parallel_loop3A_379, %parallel_loop3A_381 : vector<16xi32>
      %parallel_loop3A_383 = arith.addi %parallel_loop3A_382, %iota3A : vector<16xi32>
      %parallel_loop3A_384 = arith.constant 127 : i32
      %parallel_loop3A_385 = vector.broadcast %parallel_loop3A_384 : i32 to vector<16xi32>
      %parallel_loop3A_386 = arith.andi %parallel_loop3A_376, %parallel_loop3A_385 : vector<16xi32>
      %parallel_loop3A_387 = arith.constant 6 : i32
      %parallel_loop3A_388 = vector.broadcast %parallel_loop3A_387 : i32 to vector<16xi32>
      %parallel_loop3A_389 = arith.shli %parallel_loop3A_386, %parallel_loop3A_388 : vector<16xi32>
      %parallel_loop3A_390 = arith.addi %parallel_loop3A_389, %iota3A : vector<16xi32>
      %parallel_loop3A_391 = tpu.vector_load_idx %arg8[%parallel_loop3A_383] : memref<4096xf32, #tpu.memory_space<vmem>>[vector<16xi32>], vector<16xf32>,
      %parallel_loop3A_392 = arith.constant 16 : i32
      %parallel_loop3A_393 = vector.broadcast %parallel_loop3A_392 : i32 to vector<16xi32>
      %parallel_loop3A_394 = arith.addi %parallel_loop3A_383, %parallel_loop3A_393 : vector<16xi32>
      %parallel_loop3A_395 = tpu.vector_load_idx %arg8[%parallel_loop3A_394] : memref<4096xf32, #tpu.memory_space<vmem>>[vector<16xi32>], vector<16xf32>,
      %parallel_loop3A_396 = arith.constant 32 : i32
      %parallel_loop3A_397 = vector.broadcast %parallel_loop3A_396 : i32 to vector<16xi32>
      %parallel_loop3A_398 = arith.addi %parallel_loop3A_383, %parallel_loop3A_397 : vector<16xi32>
      %parallel_loop3A_399 = tpu.vector_load_idx %arg8[%parallel_loop3A_398] : memref<4096xf32, #tpu.memory_space<vmem>>[vector<16xi32>], vector<16xf32>,
      %parallel_loop3A_400 = arith.constant 48 : i32
      %parallel_loop3A_401 = vector.broadcast %parallel_loop3A_400 : i32 to vector<16xi32>
      %parallel_loop3A_402 = arith.addi %parallel_loop3A_383, %parallel_loop3A_401 : vector<16xi32>
      %parallel_loop3A_403 = tpu.vector_load_idx %arg8[%parallel_loop3A_402] : memref<4096xf32, #tpu.memory_space<vmem>>[vector<16xi32>], vector<16xf32>,
      %parallel_loop3A_404 = tpu.vector_load_idx %arg9[%parallel_loop3A_390] : memref<8192xf32, #tpu.memory_space<vmem>>[vector<16xi32>], vector<16xf32>,
      %parallel_loop3A_405 = arith.constant 16 : i32
      %parallel_loop3A_406 = vector.broadcast %parallel_loop3A_405 : i32 to vector<16xi32>
      %parallel_loop3A_407 = arith.addi %parallel_loop3A_390, %parallel_loop3A_406 : vector<16xi32>
      %parallel_loop3A_408 = tpu.vector_load_idx %arg9[%parallel_loop3A_407] : memref<8192xf32, #tpu.memory_space<vmem>>[vector<16xi32>], vector<16xf32>,
      %parallel_loop3A_409 = arith.constant 32 : i32
      %parallel_loop3A_410 = vector.broadcast %parallel_loop3A_409 : i32 to vector<16xi32>
      %parallel_loop3A_411 = arith.addi %parallel_loop3A_390, %parallel_loop3A_410 : vector<16xi32>
      %parallel_loop3A_412 = tpu.vector_load_idx %arg9[%parallel_loop3A_411] : memref<8192xf32, #tpu.memory_space<vmem>>[vector<16xi32>], vector<16xf32>,
      %parallel_loop3A_413 = arith.constant 48 : i32
      %parallel_loop3A_414 = vector.broadcast %parallel_loop3A_413 : i32 to vector<16xi32>
      %parallel_loop3A_415 = arith.addi %parallel_loop3A_390, %parallel_loop3A_414 : vector<16xi32>
      %parallel_loop3A_416 = tpu.vector_load_idx %arg9[%parallel_loop3A_415] : memref<8192xf32, #tpu.memory_space<vmem>>[vector<16xi32>], vector<16xf32>,
      %parallel_loop3A_417 = arith.mulf %parallel_loop3A_391, %parallel_loop3A_404 : vector<16xf32>
      %parallel_loop3A_418 = arith.mulf %parallel_loop3A_399, %parallel_loop3A_412 : vector<16xf32>
      %parallel_loop3A_419 = arith.subf %parallel_loop3A_417, %parallel_loop3A_418 : vector<16xf32>
      %parallel_loop3A_420 = arith.mulf %parallel_loop3A_395, %parallel_loop3A_408 : vector<16xf32>
      %parallel_loop3A_421 = arith.mulf %parallel_loop3A_403, %parallel_loop3A_416 : vector<16xf32>
      %parallel_loop3A_422 = arith.subf %parallel_loop3A_420, %parallel_loop3A_421 : vector<16xf32>
      %parallel_loop3A_423 = arith.mulf %parallel_loop3A_399, %parallel_loop3A_404 : vector<16xf32>
      %parallel_loop3A_424 = arith.mulf %parallel_loop3A_391, %parallel_loop3A_412 : vector<16xf32>
      %parallel_loop3A_425 = arith.addf %parallel_loop3A_423, %parallel_loop3A_424 : vector<16xf32>
      %parallel_loop3A_426 = arith.mulf %parallel_loop3A_403, %parallel_loop3A_408 : vector<16xf32>
      %parallel_loop3A_427 = arith.mulf %parallel_loop3A_395, %parallel_loop3A_416 : vector<16xf32>
      %parallel_loop3A_428 = arith.addf %parallel_loop3A_426, %parallel_loop3A_427 : vector<16xf32>
      %parallel_loop3A_429 = arith.index_cast %parallel_loop3A_371 : i32 to index
      %parallel_loop3A_430 = arith.constant 0 : index
      %parallel_loop3A_431 = tpu.vector_load %arg10[%parallel_loop3A_429, %parallel_loop3A_430] {strides = array<i32>} : memref<256x64xf32, #tpu.memory_space<vmem>>, vector<16xf32>,
      tpu.vector_store %arg10[%parallel_loop3A_429, %parallel_loop3A_430], %parallel_loop3A_419 {strides = array<i32>} : memref<256x64xf32, #tpu.memory_space<vmem>>, vector<16xf32>,
      %parallel_loop3A_432 = arith.index_cast %parallel_loop3A_371 : i32 to index
      %parallel_loop3A_433 = arith.constant 16 : index
      %parallel_loop3A_434 = tpu.vector_load %arg10[%parallel_loop3A_432, %parallel_loop3A_433] {strides = array<i32>} : memref<256x64xf32, #tpu.memory_space<vmem>>, vector<16xf32>,
      tpu.vector_store %arg10[%parallel_loop3A_432, %parallel_loop3A_433], %parallel_loop3A_422 {strides = array<i32>} : memref<256x64xf32, #tpu.memory_space<vmem>>, vector<16xf32>,
      %parallel_loop3A_435 = arith.index_cast %parallel_loop3A_371 : i32 to index
      %parallel_loop3A_436 = arith.constant 32 : index
      %parallel_loop3A_437 = tpu.vector_load %arg10[%parallel_loop3A_435, %parallel_loop3A_436] {strides = array<i32>} : memref<256x64xf32, #tpu.memory_space<vmem>>, vector<16xf32>,
      tpu.vector_store %arg10[%parallel_loop3A_435, %parallel_loop3A_436], %parallel_loop3A_419 {strides = array<i32>} : memref<256x64xf32, #tpu.memory_space<vmem>>, vector<16xf32>,
      %parallel_loop3A_438 = arith.index_cast %parallel_loop3A_371 : i32 to index
      %parallel_loop3A_439 = arith.constant 48 : index
      %parallel_loop3A_440 = tpu.vector_load %arg10[%parallel_loop3A_438, %parallel_loop3A_439] {strides = array<i32>} : memref<256x64xf32, #tpu.memory_space<vmem>>, vector<16xf32>,
      tpu.vector_store %arg10[%parallel_loop3A_438, %parallel_loop3A_439], %parallel_loop3A_422 {strides = array<i32>} : memref<256x64xf32, #tpu.memory_space<vmem>>, vector<16xf32>,
      %parallel_loop3A_441 = arith.index_cast %parallel_loop3A_371 : i32 to index
      %parallel_loop3A_442 = arith.constant 0 : index
      %parallel_loop3A_443 = tpu.vector_load %arg11[%parallel_loop3A_441, %parallel_loop3A_442] {strides = array<i32>} : memref<256x64xf32, #tpu.memory_space<vmem>>, vector<16xf32>,
      tpu.vector_store %arg11[%parallel_loop3A_441, %parallel_loop3A_442], %parallel_loop3A_425 {strides = array<i32>} : memref<256x64xf32, #tpu.memory_space<vmem>>, vector<16xf32>,
      %parallel_loop3A_444 = arith.index_cast %parallel_loop3A_371 : i32 to index
      %parallel_loop3A_445 = arith.constant 16 : index
      %parallel_loop3A_446 = tpu.vector_load %arg11[%parallel_loop3A_444, %parallel_loop3A_445] {strides = array<i32>} : memref<256x64xf32, #tpu.memory_space<vmem>>, vector<16xf32>,
      tpu.vector_store %arg11[%parallel_loop3A_444, %parallel_loop3A_445], %parallel_loop3A_428 {strides = array<i32>} : memref<256x64xf32, #tpu.memory_space<vmem>>, vector<16xf32>,
      %parallel_loop3A_447 = arith.index_cast %parallel_loop3A_371 : i32 to index
      %parallel_loop3A_448 = arith.constant 32 : index
      %parallel_loop3A_449 = tpu.vector_load %arg11[%parallel_loop3A_447, %parallel_loop3A_448] {strides = array<i32>} : memref<256x64xf32, #tpu.memory_space<vmem>>, vector<16xf32>,
      tpu.vector_store %arg11[%parallel_loop3A_447, %parallel_loop3A_448], %parallel_loop3A_425 {strides = array<i32>} : memref<256x64xf32, #tpu.memory_space<vmem>>, vector<16xf32>,
      %parallel_loop3A_450 = arith.index_cast %parallel_loop3A_371 : i32 to index
      %parallel_loop3A_451 = arith.constant 48 : index
      %parallel_loop3A_452 = tpu.vector_load %arg11[%parallel_loop3A_450, %parallel_loop3A_451] {strides = array<i32>} : memref<256x64xf32, #tpu.memory_space<vmem>>, vector<16xf32>,
      tpu.vector_store %arg11[%parallel_loop3A_450, %parallel_loop3A_451], %parallel_loop3A_428 {strides = array<i32>} : memref<256x64xf32, #tpu.memory_space<vmem>>, vector<16xf32>,
      %parallel_loop3A_453 = arith.constant 16 : i32
      %parallel_loop3A_454 = arith.muli %parallel_loop3A_23, %parallel_loop3A_453 : i32
      %parallel_loop3A_455 = arith.constant 5 : i32
      %parallel_loop3A_456 = arith.addi %parallel_loop3A_454, %parallel_loop3A_455 : i32
      %parallel_loop3A_457 = arith.constant 5 : i32
      %parallel_loop3A_458 = vector.broadcast %parallel_loop3A_457 : i32 to vector<16xi32>
      %parallel_loop3A_459 = vector.shape_cast %parallel_loop3A_458 : vector<16xi32> to vector<16x1xi32>
      %parallel_loop3A_460 = vector.shape_cast %parallel_loop3A_459 : vector<16x1xi32> to vector<16xi32>
      %parallel_loop3A_461 = tpu.dynamic_gather %parallel_loop3A_27[%parallel_loop3A_460] in [0] : vector<16xi32>, vector<16xi32> -> vector<16xi32>
      %parallel_loop3A_462 = arith.constant 7 : i32
      %parallel_loop3A_463 = vector.broadcast %parallel_loop3A_462 : i32 to vector<16xi32>
      %parallel_loop3A_464 = arith.shrui %parallel_loop3A_461, %parallel_loop3A_463 : vector<16xi32>
      %parallel_loop3A_465 = arith.constant 6 : i32
      %parallel_loop3A_466 = vector.broadcast %parallel_loop3A_465 : i32 to vector<16xi32>
      %parallel_loop3A_467 = arith.shli %parallel_loop3A_464, %parallel_loop3A_466 : vector<16xi32>
      %parallel_loop3A_468 = arith.addi %parallel_loop3A_467, %iota3A : vector<16xi32>
      %parallel_loop3A_469 = arith.constant 127 : i32
      %parallel_loop3A_470 = vector.broadcast %parallel_loop3A_469 : i32 to vector<16xi32>
      %parallel_loop3A_471 = arith.andi %parallel_loop3A_461, %parallel_loop3A_470 : vector<16xi32>
      %parallel_loop3A_472 = arith.constant 6 : i32
      %parallel_loop3A_473 = vector.broadcast %parallel_loop3A_472 : i32 to vector<16xi32>
      %parallel_loop3A_474 = arith.shli %parallel_loop3A_471, %parallel_loop3A_473 : vector<16xi32>
      %parallel_loop3A_475 = arith.addi %parallel_loop3A_474, %iota3A : vector<16xi32>
      %parallel_loop3A_476 = tpu.vector_load_idx %arg8[%parallel_loop3A_468] : memref<4096xf32, #tpu.memory_space<vmem>>[vector<16xi32>], vector<16xf32>,
      %parallel_loop3A_477 = arith.constant 16 : i32
      %parallel_loop3A_478 = vector.broadcast %parallel_loop3A_477 : i32 to vector<16xi32>
      %parallel_loop3A_479 = arith.addi %parallel_loop3A_468, %parallel_loop3A_478 : vector<16xi32>
      %parallel_loop3A_480 = tpu.vector_load_idx %arg8[%parallel_loop3A_479] : memref<4096xf32, #tpu.memory_space<vmem>>[vector<16xi32>], vector<16xf32>,
      %parallel_loop3A_481 = arith.constant 32 : i32
      %parallel_loop3A_482 = vector.broadcast %parallel_loop3A_481 : i32 to vector<16xi32>
      %parallel_loop3A_483 = arith.addi %parallel_loop3A_468, %parallel_loop3A_482 : vector<16xi32>
      %parallel_loop3A_484 = tpu.vector_load_idx %arg8[%parallel_loop3A_483] : memref<4096xf32, #tpu.memory_space<vmem>>[vector<16xi32>], vector<16xf32>,
      %parallel_loop3A_485 = arith.constant 48 : i32
      %parallel_loop3A_486 = vector.broadcast %parallel_loop3A_485 : i32 to vector<16xi32>
      %parallel_loop3A_487 = arith.addi %parallel_loop3A_468, %parallel_loop3A_486 : vector<16xi32>
      %parallel_loop3A_488 = tpu.vector_load_idx %arg8[%parallel_loop3A_487] : memref<4096xf32, #tpu.memory_space<vmem>>[vector<16xi32>], vector<16xf32>,
      %parallel_loop3A_489 = tpu.vector_load_idx %arg9[%parallel_loop3A_475] : memref<8192xf32, #tpu.memory_space<vmem>>[vector<16xi32>], vector<16xf32>,
      %parallel_loop3A_490 = arith.constant 16 : i32
      %parallel_loop3A_491 = vector.broadcast %parallel_loop3A_490 : i32 to vector<16xi32>
      %parallel_loop3A_492 = arith.addi %parallel_loop3A_475, %parallel_loop3A_491 : vector<16xi32>
      %parallel_loop3A_493 = tpu.vector_load_idx %arg9[%parallel_loop3A_492] : memref<8192xf32, #tpu.memory_space<vmem>>[vector<16xi32>], vector<16xf32>,
      %parallel_loop3A_494 = arith.constant 32 : i32
      %parallel_loop3A_495 = vector.broadcast %parallel_loop3A_494 : i32 to vector<16xi32>
      %parallel_loop3A_496 = arith.addi %parallel_loop3A_475, %parallel_loop3A_495 : vector<16xi32>
      %parallel_loop3A_497 = tpu.vector_load_idx %arg9[%parallel_loop3A_496] : memref<8192xf32, #tpu.memory_space<vmem>>[vector<16xi32>], vector<16xf32>,
      %parallel_loop3A_498 = arith.constant 48 : i32
      %parallel_loop3A_499 = vector.broadcast %parallel_loop3A_498 : i32 to vector<16xi32>
      %parallel_loop3A_500 = arith.addi %parallel_loop3A_475, %parallel_loop3A_499 : vector<16xi32>
      %parallel_loop3A_501 = tpu.vector_load_idx %arg9[%parallel_loop3A_500] : memref<8192xf32, #tpu.memory_space<vmem>>[vector<16xi32>], vector<16xf32>,
      %parallel_loop3A_502 = arith.mulf %parallel_loop3A_476, %parallel_loop3A_489 : vector<16xf32>
      %parallel_loop3A_503 = arith.mulf %parallel_loop3A_484, %parallel_loop3A_497 : vector<16xf32>
      %parallel_loop3A_504 = arith.subf %parallel_loop3A_502, %parallel_loop3A_503 : vector<16xf32>
      %parallel_loop3A_505 = arith.mulf %parallel_loop3A_480, %parallel_loop3A_493 : vector<16xf32>
      %parallel_loop3A_506 = arith.mulf %parallel_loop3A_488, %parallel_loop3A_501 : vector<16xf32>
      %parallel_loop3A_507 = arith.subf %parallel_loop3A_505, %parallel_loop3A_506 : vector<16xf32>
      %parallel_loop3A_508 = arith.mulf %parallel_loop3A_484, %parallel_loop3A_489 : vector<16xf32>
      %parallel_loop3A_509 = arith.mulf %parallel_loop3A_476, %parallel_loop3A_497 : vector<16xf32>
      %parallel_loop3A_510 = arith.addf %parallel_loop3A_508, %parallel_loop3A_509 : vector<16xf32>
      %parallel_loop3A_511 = arith.mulf %parallel_loop3A_488, %parallel_loop3A_493 : vector<16xf32>
      %parallel_loop3A_512 = arith.mulf %parallel_loop3A_480, %parallel_loop3A_501 : vector<16xf32>
      %parallel_loop3A_513 = arith.addf %parallel_loop3A_511, %parallel_loop3A_512 : vector<16xf32>
      %parallel_loop3A_514 = arith.index_cast %parallel_loop3A_456 : i32 to index
      %parallel_loop3A_515 = arith.constant 0 : index
      %parallel_loop3A_516 = tpu.vector_load %arg10[%parallel_loop3A_514, %parallel_loop3A_515] {strides = array<i32>} : memref<256x64xf32, #tpu.memory_space<vmem>>, vector<16xf32>,
      tpu.vector_store %arg10[%parallel_loop3A_514, %parallel_loop3A_515], %parallel_loop3A_504 {strides = array<i32>} : memref<256x64xf32, #tpu.memory_space<vmem>>, vector<16xf32>,
      %parallel_loop3A_517 = arith.index_cast %parallel_loop3A_456 : i32 to index
      %parallel_loop3A_518 = arith.constant 16 : index
      %parallel_loop3A_519 = tpu.vector_load %arg10[%parallel_loop3A_517, %parallel_loop3A_518] {strides = array<i32>} : memref<256x64xf32, #tpu.memory_space<vmem>>, vector<16xf32>,
      tpu.vector_store %arg10[%parallel_loop3A_517, %parallel_loop3A_518], %parallel_loop3A_507 {strides = array<i32>} : memref<256x64xf32, #tpu.memory_space<vmem>>, vector<16xf32>,
      %parallel_loop3A_520 = arith.index_cast %parallel_loop3A_456 : i32 to index
      %parallel_loop3A_521 = arith.constant 32 : index
      %parallel_loop3A_522 = tpu.vector_load %arg10[%parallel_loop3A_520, %parallel_loop3A_521] {strides = array<i32>} : memref<256x64xf32, #tpu.memory_space<vmem>>, vector<16xf32>,
      tpu.vector_store %arg10[%parallel_loop3A_520, %parallel_loop3A_521], %parallel_loop3A_504 {strides = array<i32>} : memref<256x64xf32, #tpu.memory_space<vmem>>, vector<16xf32>,
      %parallel_loop3A_523 = arith.index_cast %parallel_loop3A_456 : i32 to index
      %parallel_loop3A_524 = arith.constant 48 : index
      %parallel_loop3A_525 = tpu.vector_load %arg10[%parallel_loop3A_523, %parallel_loop3A_524] {strides = array<i32>} : memref<256x64xf32, #tpu.memory_space<vmem>>, vector<16xf32>,
      tpu.vector_store %arg10[%parallel_loop3A_523, %parallel_loop3A_524], %parallel_loop3A_507 {strides = array<i32>} : memref<256x64xf32, #tpu.memory_space<vmem>>, vector<16xf32>,
      %parallel_loop3A_526 = arith.index_cast %parallel_loop3A_456 : i32 to index
      %parallel_loop3A_527 = arith.constant 0 : index
      %parallel_loop3A_528 = tpu.vector_load %arg11[%parallel_loop3A_526, %parallel_loop3A_527] {strides = array<i32>} : memref<256x64xf32, #tpu.memory_space<vmem>>, vector<16xf32>,
      tpu.vector_store %arg11[%parallel_loop3A_526, %parallel_loop3A_527], %parallel_loop3A_510 {strides = array<i32>} : memref<256x64xf32, #tpu.memory_space<vmem>>, vector<16xf32>,
      %parallel_loop3A_529 = arith.index_cast %parallel_loop3A_456 : i32 to index
      %parallel_loop3A_530 = arith.constant 16 : index
      %parallel_loop3A_531 = tpu.vector_load %arg11[%parallel_loop3A_529, %parallel_loop3A_530] {strides = array<i32>} : memref<256x64xf32, #tpu.memory_space<vmem>>, vector<16xf32>,
      tpu.vector_store %arg11[%parallel_loop3A_529, %parallel_loop3A_530], %parallel_loop3A_513 {strides = array<i32>} : memref<256x64xf32, #tpu.memory_space<vmem>>, vector<16xf32>,
      %parallel_loop3A_532 = arith.index_cast %parallel_loop3A_456 : i32 to index
      %parallel_loop3A_533 = arith.constant 32 : index
      %parallel_loop3A_534 = tpu.vector_load %arg11[%parallel_loop3A_532, %parallel_loop3A_533] {strides = array<i32>} : memref<256x64xf32, #tpu.memory_space<vmem>>, vector<16xf32>,
      tpu.vector_store %arg11[%parallel_loop3A_532, %parallel_loop3A_533], %parallel_loop3A_510 {strides = array<i32>} : memref<256x64xf32, #tpu.memory_space<vmem>>, vector<16xf32>,
      %parallel_loop3A_535 = arith.index_cast %parallel_loop3A_456 : i32 to index
      %parallel_loop3A_536 = arith.constant 48 : index
      %parallel_loop3A_537 = tpu.vector_load %arg11[%parallel_loop3A_535, %parallel_loop3A_536] {strides = array<i32>} : memref<256x64xf32, #tpu.memory_space<vmem>>, vector<16xf32>,
      tpu.vector_store %arg11[%parallel_loop3A_535, %parallel_loop3A_536], %parallel_loop3A_513 {strides = array<i32>} : memref<256x64xf32, #tpu.memory_space<vmem>>, vector<16xf32>,
      %parallel_loop3A_538 = arith.constant 16 : i32
      %parallel_loop3A_539 = arith.muli %parallel_loop3A_23, %parallel_loop3A_538 : i32
      %parallel_loop3A_540 = arith.constant 6 : i32
      %parallel_loop3A_541 = arith.addi %parallel_loop3A_539, %parallel_loop3A_540 : i32
      %parallel_loop3A_542 = arith.constant 6 : i32
      %parallel_loop3A_543 = vector.broadcast %parallel_loop3A_542 : i32 to vector<16xi32>
      %parallel_loop3A_544 = vector.shape_cast %parallel_loop3A_543 : vector<16xi32> to vector<16x1xi32>
      %parallel_loop3A_545 = vector.shape_cast %parallel_loop3A_544 : vector<16x1xi32> to vector<16xi32>
      %parallel_loop3A_546 = tpu.dynamic_gather %parallel_loop3A_27[%parallel_loop3A_545] in [0] : vector<16xi32>, vector<16xi32> -> vector<16xi32>
      %parallel_loop3A_547 = arith.constant 7 : i32
      %parallel_loop3A_548 = vector.broadcast %parallel_loop3A_547 : i32 to vector<16xi32>
      %parallel_loop3A_549 = arith.shrui %parallel_loop3A_546, %parallel_loop3A_548 : vector<16xi32>
      %parallel_loop3A_550 = arith.constant 6 : i32
      %parallel_loop3A_551 = vector.broadcast %parallel_loop3A_550 : i32 to vector<16xi32>
      %parallel_loop3A_552 = arith.shli %parallel_loop3A_549, %parallel_loop3A_551 : vector<16xi32>
      %parallel_loop3A_553 = arith.addi %parallel_loop3A_552, %iota3A : vector<16xi32>
      %parallel_loop3A_554 = arith.constant 127 : i32
      %parallel_loop3A_555 = vector.broadcast %parallel_loop3A_554 : i32 to vector<16xi32>
      %parallel_loop3A_556 = arith.andi %parallel_loop3A_546, %parallel_loop3A_555 : vector<16xi32>
      %parallel_loop3A_557 = arith.constant 6 : i32
      %parallel_loop3A_558 = vector.broadcast %parallel_loop3A_557 : i32 to vector<16xi32>
      %parallel_loop3A_559 = arith.shli %parallel_loop3A_556, %parallel_loop3A_558 : vector<16xi32>
      %parallel_loop3A_560 = arith.addi %parallel_loop3A_559, %iota3A : vector<16xi32>
      %parallel_loop3A_561 = tpu.vector_load_idx %arg8[%parallel_loop3A_553] : memref<4096xf32, #tpu.memory_space<vmem>>[vector<16xi32>], vector<16xf32>,
      %parallel_loop3A_562 = arith.constant 16 : i32
      %parallel_loop3A_563 = vector.broadcast %parallel_loop3A_562 : i32 to vector<16xi32>
      %parallel_loop3A_564 = arith.addi %parallel_loop3A_553, %parallel_loop3A_563 : vector<16xi32>
      %parallel_loop3A_565 = tpu.vector_load_idx %arg8[%parallel_loop3A_564] : memref<4096xf32, #tpu.memory_space<vmem>>[vector<16xi32>], vector<16xf32>,
      %parallel_loop3A_566 = arith.constant 32 : i32
      %parallel_loop3A_567 = vector.broadcast %parallel_loop3A_566 : i32 to vector<16xi32>
      %parallel_loop3A_568 = arith.addi %parallel_loop3A_553, %parallel_loop3A_567 : vector<16xi32>
      %parallel_loop3A_569 = tpu.vector_load_idx %arg8[%parallel_loop3A_568] : memref<4096xf32, #tpu.memory_space<vmem>>[vector<16xi32>], vector<16xf32>,
      %parallel_loop3A_570 = arith.constant 48 : i32
      %parallel_loop3A_571 = vector.broadcast %parallel_loop3A_570 : i32 to vector<16xi32>
      %parallel_loop3A_572 = arith.addi %parallel_loop3A_553, %parallel_loop3A_571 : vector<16xi32>
      %parallel_loop3A_573 = tpu.vector_load_idx %arg8[%parallel_loop3A_572] : memref<4096xf32, #tpu.memory_space<vmem>>[vector<16xi32>], vector<16xf32>,
      %parallel_loop3A_574 = tpu.vector_load_idx %arg9[%parallel_loop3A_560] : memref<8192xf32, #tpu.memory_space<vmem>>[vector<16xi32>], vector<16xf32>,
      %parallel_loop3A_575 = arith.constant 16 : i32
      %parallel_loop3A_576 = vector.broadcast %parallel_loop3A_575 : i32 to vector<16xi32>
      %parallel_loop3A_577 = arith.addi %parallel_loop3A_560, %parallel_loop3A_576 : vector<16xi32>
      %parallel_loop3A_578 = tpu.vector_load_idx %arg9[%parallel_loop3A_577] : memref<8192xf32, #tpu.memory_space<vmem>>[vector<16xi32>], vector<16xf32>,
      %parallel_loop3A_579 = arith.constant 32 : i32
      %parallel_loop3A_580 = vector.broadcast %parallel_loop3A_579 : i32 to vector<16xi32>
      %parallel_loop3A_581 = arith.addi %parallel_loop3A_560, %parallel_loop3A_580 : vector<16xi32>
      %parallel_loop3A_582 = tpu.vector_load_idx %arg9[%parallel_loop3A_581] : memref<8192xf32, #tpu.memory_space<vmem>>[vector<16xi32>], vector<16xf32>,
      %parallel_loop3A_583 = arith.constant 48 : i32
      %parallel_loop3A_584 = vector.broadcast %parallel_loop3A_583 : i32 to vector<16xi32>
      %parallel_loop3A_585 = arith.addi %parallel_loop3A_560, %parallel_loop3A_584 : vector<16xi32>
      %parallel_loop3A_586 = tpu.vector_load_idx %arg9[%parallel_loop3A_585] : memref<8192xf32, #tpu.memory_space<vmem>>[vector<16xi32>], vector<16xf32>,
      %parallel_loop3A_587 = arith.mulf %parallel_loop3A_561, %parallel_loop3A_574 : vector<16xf32>
      %parallel_loop3A_588 = arith.mulf %parallel_loop3A_569, %parallel_loop3A_582 : vector<16xf32>
      %parallel_loop3A_589 = arith.subf %parallel_loop3A_587, %parallel_loop3A_588 : vector<16xf32>
      %parallel_loop3A_590 = arith.mulf %parallel_loop3A_565, %parallel_loop3A_578 : vector<16xf32>
      %parallel_loop3A_591 = arith.mulf %parallel_loop3A_573, %parallel_loop3A_586 : vector<16xf32>
      %parallel_loop3A_592 = arith.subf %parallel_loop3A_590, %parallel_loop3A_591 : vector<16xf32>
      %parallel_loop3A_593 = arith.mulf %parallel_loop3A_569, %parallel_loop3A_574 : vector<16xf32>
      %parallel_loop3A_594 = arith.mulf %parallel_loop3A_561, %parallel_loop3A_582 : vector<16xf32>
      %parallel_loop3A_595 = arith.addf %parallel_loop3A_593, %parallel_loop3A_594 : vector<16xf32>
      %parallel_loop3A_596 = arith.mulf %parallel_loop3A_573, %parallel_loop3A_578 : vector<16xf32>
      %parallel_loop3A_597 = arith.mulf %parallel_loop3A_565, %parallel_loop3A_586 : vector<16xf32>
      %parallel_loop3A_598 = arith.addf %parallel_loop3A_596, %parallel_loop3A_597 : vector<16xf32>
      %parallel_loop3A_599 = arith.index_cast %parallel_loop3A_541 : i32 to index
      %parallel_loop3A_600 = arith.constant 0 : index
      %parallel_loop3A_601 = tpu.vector_load %arg10[%parallel_loop3A_599, %parallel_loop3A_600] {strides = array<i32>} : memref<256x64xf32, #tpu.memory_space<vmem>>, vector<16xf32>,
      tpu.vector_store %arg10[%parallel_loop3A_599, %parallel_loop3A_600], %parallel_loop3A_589 {strides = array<i32>} : memref<256x64xf32, #tpu.memory_space<vmem>>, vector<16xf32>,
      %parallel_loop3A_602 = arith.index_cast %parallel_loop3A_541 : i32 to index
      %parallel_loop3A_603 = arith.constant 16 : index
      %parallel_loop3A_604 = tpu.vector_load %arg10[%parallel_loop3A_602, %parallel_loop3A_603] {strides = array<i32>} : memref<256x64xf32, #tpu.memory_space<vmem>>, vector<16xf32>,
      tpu.vector_store %arg10[%parallel_loop3A_602, %parallel_loop3A_603], %parallel_loop3A_592 {strides = array<i32>} : memref<256x64xf32, #tpu.memory_space<vmem>>, vector<16xf32>,
      %parallel_loop3A_605 = arith.index_cast %parallel_loop3A_541 : i32 to index
      %parallel_loop3A_606 = arith.constant 32 : index
      %parallel_loop3A_607 = tpu.vector_load %arg10[%parallel_loop3A_605, %parallel_loop3A_606] {strides = array<i32>} : memref<256x64xf32, #tpu.memory_space<vmem>>, vector<16xf32>,
      tpu.vector_store %arg10[%parallel_loop3A_605, %parallel_loop3A_606], %parallel_loop3A_589 {strides = array<i32>} : memref<256x64xf32, #tpu.memory_space<vmem>>, vector<16xf32>,
      %parallel_loop3A_608 = arith.index_cast %parallel_loop3A_541 : i32 to index
      %parallel_loop3A_609 = arith.constant 48 : index
      %parallel_loop3A_610 = tpu.vector_load %arg10[%parallel_loop3A_608, %parallel_loop3A_609] {strides = array<i32>} : memref<256x64xf32, #tpu.memory_space<vmem>>, vector<16xf32>,
      tpu.vector_store %arg10[%parallel_loop3A_608, %parallel_loop3A_609], %parallel_loop3A_592 {strides = array<i32>} : memref<256x64xf32, #tpu.memory_space<vmem>>, vector<16xf32>,
      %parallel_loop3A_611 = arith.index_cast %parallel_loop3A_541 : i32 to index
      %parallel_loop3A_612 = arith.constant 0 : index
      %parallel_loop3A_613 = tpu.vector_load %arg11[%parallel_loop3A_611, %parallel_loop3A_612] {strides = array<i32>} : memref<256x64xf32, #tpu.memory_space<vmem>>, vector<16xf32>,
      tpu.vector_store %arg11[%parallel_loop3A_611, %parallel_loop3A_612], %parallel_loop3A_595 {strides = array<i32>} : memref<256x64xf32, #tpu.memory_space<vmem>>, vector<16xf32>,
      %parallel_loop3A_614 = arith.index_cast %parallel_loop3A_541 : i32 to index
      %parallel_loop3A_615 = arith.constant 16 : index
      %parallel_loop3A_616 = tpu.vector_load %arg11[%parallel_loop3A_614, %parallel_loop3A_615] {strides = array<i32>} : memref<256x64xf32, #tpu.memory_space<vmem>>, vector<16xf32>,
      tpu.vector_store %arg11[%parallel_loop3A_614, %parallel_loop3A_615], %parallel_loop3A_598 {strides = array<i32>} : memref<256x64xf32, #tpu.memory_space<vmem>>, vector<16xf32>,
      %parallel_loop3A_617 = arith.index_cast %parallel_loop3A_541 : i32 to index
      %parallel_loop3A_618 = arith.constant 32 : index
      %parallel_loop3A_619 = tpu.vector_load %arg11[%parallel_loop3A_617, %parallel_loop3A_618] {strides = array<i32>} : memref<256x64xf32, #tpu.memory_space<vmem>>, vector<16xf32>,
      tpu.vector_store %arg11[%parallel_loop3A_617, %parallel_loop3A_618], %parallel_loop3A_595 {strides = array<i32>} : memref<256x64xf32, #tpu.memory_space<vmem>>, vector<16xf32>,
      %parallel_loop3A_620 = arith.index_cast %parallel_loop3A_541 : i32 to index
      %parallel_loop3A_621 = arith.constant 48 : index
      %parallel_loop3A_622 = tpu.vector_load %arg11[%parallel_loop3A_620, %parallel_loop3A_621] {strides = array<i32>} : memref<256x64xf32, #tpu.memory_space<vmem>>, vector<16xf32>,
      tpu.vector_store %arg11[%parallel_loop3A_620, %parallel_loop3A_621], %parallel_loop3A_598 {strides = array<i32>} : memref<256x64xf32, #tpu.memory_space<vmem>>, vector<16xf32>,
      %parallel_loop3A_623 = arith.constant 16 : i32
      %parallel_loop3A_624 = arith.muli %parallel_loop3A_23, %parallel_loop3A_623 : i32
      %parallel_loop3A_625 = arith.constant 7 : i32
      %parallel_loop3A_626 = arith.addi %parallel_loop3A_624, %parallel_loop3A_625 : i32
      %parallel_loop3A_627 = arith.constant 7 : i32
      %parallel_loop3A_628 = vector.broadcast %parallel_loop3A_627 : i32 to vector<16xi32>
      %parallel_loop3A_629 = vector.shape_cast %parallel_loop3A_628 : vector<16xi32> to vector<16x1xi32>
      %parallel_loop3A_630 = vector.shape_cast %parallel_loop3A_629 : vector<16x1xi32> to vector<16xi32>
      %parallel_loop3A_631 = tpu.dynamic_gather %parallel_loop3A_27[%parallel_loop3A_630] in [0] : vector<16xi32>, vector<16xi32> -> vector<16xi32>
      %parallel_loop3A_632 = arith.constant 7 : i32
      %parallel_loop3A_633 = vector.broadcast %parallel_loop3A_632 : i32 to vector<16xi32>
      %parallel_loop3A_634 = arith.shrui %parallel_loop3A_631, %parallel_loop3A_633 : vector<16xi32>
      %parallel_loop3A_635 = arith.constant 6 : i32
      %parallel_loop3A_636 = vector.broadcast %parallel_loop3A_635 : i32 to vector<16xi32>
      %parallel_loop3A_637 = arith.shli %parallel_loop3A_634, %parallel_loop3A_636 : vector<16xi32>
      %parallel_loop3A_638 = arith.addi %parallel_loop3A_637, %iota3A : vector<16xi32>
      %parallel_loop3A_639 = arith.constant 127 : i32
      %parallel_loop3A_640 = vector.broadcast %parallel_loop3A_639 : i32 to vector<16xi32>
      %parallel_loop3A_641 = arith.andi %parallel_loop3A_631, %parallel_loop3A_640 : vector<16xi32>
      %parallel_loop3A_642 = arith.constant 6 : i32
      %parallel_loop3A_643 = vector.broadcast %parallel_loop3A_642 : i32 to vector<16xi32>
      %parallel_loop3A_644 = arith.shli %parallel_loop3A_641, %parallel_loop3A_643 : vector<16xi32>
      %parallel_loop3A_645 = arith.addi %parallel_loop3A_644, %iota3A : vector<16xi32>
      %parallel_loop3A_646 = tpu.vector_load_idx %arg8[%parallel_loop3A_638] : memref<4096xf32, #tpu.memory_space<vmem>>[vector<16xi32>], vector<16xf32>,
      %parallel_loop3A_647 = arith.constant 16 : i32
      %parallel_loop3A_648 = vector.broadcast %parallel_loop3A_647 : i32 to vector<16xi32>
      %parallel_loop3A_649 = arith.addi %parallel_loop3A_638, %parallel_loop3A_648 : vector<16xi32>
      %parallel_loop3A_650 = tpu.vector_load_idx %arg8[%parallel_loop3A_649] : memref<4096xf32, #tpu.memory_space<vmem>>[vector<16xi32>], vector<16xf32>,
      %parallel_loop3A_651 = arith.constant 32 : i32
      %parallel_loop3A_652 = vector.broadcast %parallel_loop3A_651 : i32 to vector<16xi32>
      %parallel_loop3A_653 = arith.addi %parallel_loop3A_638, %parallel_loop3A_652 : vector<16xi32>
      %parallel_loop3A_654 = tpu.vector_load_idx %arg8[%parallel_loop3A_653] : memref<4096xf32, #tpu.memory_space<vmem>>[vector<16xi32>], vector<16xf32>,
      %parallel_loop3A_655 = arith.constant 48 : i32
      %parallel_loop3A_656 = vector.broadcast %parallel_loop3A_655 : i32 to vector<16xi32>
      %parallel_loop3A_657 = arith.addi %parallel_loop3A_638, %parallel_loop3A_656 : vector<16xi32>
      %parallel_loop3A_658 = tpu.vector_load_idx %arg8[%parallel_loop3A_657] : memref<4096xf32, #tpu.memory_space<vmem>>[vector<16xi32>], vector<16xf32>,
      %parallel_loop3A_659 = tpu.vector_load_idx %arg9[%parallel_loop3A_645] : memref<8192xf32, #tpu.memory_space<vmem>>[vector<16xi32>], vector<16xf32>,
      %parallel_loop3A_660 = arith.constant 16 : i32
      %parallel_loop3A_661 = vector.broadcast %parallel_loop3A_660 : i32 to vector<16xi32>
      %parallel_loop3A_662 = arith.addi %parallel_loop3A_645, %parallel_loop3A_661 : vector<16xi32>
      %parallel_loop3A_663 = tpu.vector_load_idx %arg9[%parallel_loop3A_662] : memref<8192xf32, #tpu.memory_space<vmem>>[vector<16xi32>], vector<16xf32>,
      %parallel_loop3A_664 = arith.constant 32 : i32
      %parallel_loop3A_665 = vector.broadcast %parallel_loop3A_664 : i32 to vector<16xi32>
      %parallel_loop3A_666 = arith.addi %parallel_loop3A_645, %parallel_loop3A_665 : vector<16xi32>
      %parallel_loop3A_667 = tpu.vector_load_idx %arg9[%parallel_loop3A_666] : memref<8192xf32, #tpu.memory_space<vmem>>[vector<16xi32>], vector<16xf32>,
      %parallel_loop3A_668 = arith.constant 48 : i32
      %parallel_loop3A_669 = vector.broadcast %parallel_loop3A_668 : i32 to vector<16xi32>
      %parallel_loop3A_670 = arith.addi %parallel_loop3A_645, %parallel_loop3A_669 : vector<16xi32>
      %parallel_loop3A_671 = tpu.vector_load_idx %arg9[%parallel_loop3A_670] : memref<8192xf32, #tpu.memory_space<vmem>>[vector<16xi32>], vector<16xf32>,
      %parallel_loop3A_672 = arith.mulf %parallel_loop3A_646, %parallel_loop3A_659 : vector<16xf32>
      %parallel_loop3A_673 = arith.mulf %parallel_loop3A_654, %parallel_loop3A_667 : vector<16xf32>
      %parallel_loop3A_674 = arith.subf %parallel_loop3A_672, %parallel_loop3A_673 : vector<16xf32>
      %parallel_loop3A_675 = arith.mulf %parallel_loop3A_650, %parallel_loop3A_663 : vector<16xf32>
      %parallel_loop3A_676 = arith.mulf %parallel_loop3A_658, %parallel_loop3A_671 : vector<16xf32>
      %parallel_loop3A_677 = arith.subf %parallel_loop3A_675, %parallel_loop3A_676 : vector<16xf32>
      %parallel_loop3A_678 = arith.mulf %parallel_loop3A_654, %parallel_loop3A_659 : vector<16xf32>
      %parallel_loop3A_679 = arith.mulf %parallel_loop3A_646, %parallel_loop3A_667 : vector<16xf32>
      %parallel_loop3A_680 = arith.addf %parallel_loop3A_678, %parallel_loop3A_679 : vector<16xf32>
      %parallel_loop3A_681 = arith.mulf %parallel_loop3A_658, %parallel_loop3A_663 : vector<16xf32>
      %parallel_loop3A_682 = arith.mulf %parallel_loop3A_650, %parallel_loop3A_671 : vector<16xf32>
      %parallel_loop3A_683 = arith.addf %parallel_loop3A_681, %parallel_loop3A_682 : vector<16xf32>
      %parallel_loop3A_684 = arith.index_cast %parallel_loop3A_626 : i32 to index
      %parallel_loop3A_685 = arith.constant 0 : index
      %parallel_loop3A_686 = tpu.vector_load %arg10[%parallel_loop3A_684, %parallel_loop3A_685] {strides = array<i32>} : memref<256x64xf32, #tpu.memory_space<vmem>>, vector<16xf32>,
      tpu.vector_store %arg10[%parallel_loop3A_684, %parallel_loop3A_685], %parallel_loop3A_674 {strides = array<i32>} : memref<256x64xf32, #tpu.memory_space<vmem>>, vector<16xf32>,
      %parallel_loop3A_687 = arith.index_cast %parallel_loop3A_626 : i32 to index
      %parallel_loop3A_688 = arith.constant 16 : index
      %parallel_loop3A_689 = tpu.vector_load %arg10[%parallel_loop3A_687, %parallel_loop3A_688] {strides = array<i32>} : memref<256x64xf32, #tpu.memory_space<vmem>>, vector<16xf32>,
      tpu.vector_store %arg10[%parallel_loop3A_687, %parallel_loop3A_688], %parallel_loop3A_677 {strides = array<i32>} : memref<256x64xf32, #tpu.memory_space<vmem>>, vector<16xf32>,
      %parallel_loop3A_690 = arith.index_cast %parallel_loop3A_626 : i32 to index
      %parallel_loop3A_691 = arith.constant 32 : index
      %parallel_loop3A_692 = tpu.vector_load %arg10[%parallel_loop3A_690, %parallel_loop3A_691] {strides = array<i32>} : memref<256x64xf32, #tpu.memory_space<vmem>>, vector<16xf32>,
      tpu.vector_store %arg10[%parallel_loop3A_690, %parallel_loop3A_691], %parallel_loop3A_674 {strides = array<i32>} : memref<256x64xf32, #tpu.memory_space<vmem>>, vector<16xf32>,
      %parallel_loop3A_693 = arith.index_cast %parallel_loop3A_626 : i32 to index
      %parallel_loop3A_694 = arith.constant 48 : index
      %parallel_loop3A_695 = tpu.vector_load %arg10[%parallel_loop3A_693, %parallel_loop3A_694] {strides = array<i32>} : memref<256x64xf32, #tpu.memory_space<vmem>>, vector<16xf32>,
      tpu.vector_store %arg10[%parallel_loop3A_693, %parallel_loop3A_694], %parallel_loop3A_677 {strides = array<i32>} : memref<256x64xf32, #tpu.memory_space<vmem>>, vector<16xf32>,
      %parallel_loop3A_696 = arith.index_cast %parallel_loop3A_626 : i32 to index
      %parallel_loop3A_697 = arith.constant 0 : index
      %parallel_loop3A_698 = tpu.vector_load %arg11[%parallel_loop3A_696, %parallel_loop3A_697] {strides = array<i32>} : memref<256x64xf32, #tpu.memory_space<vmem>>, vector<16xf32>,
      tpu.vector_store %arg11[%parallel_loop3A_696, %parallel_loop3A_697], %parallel_loop3A_680 {strides = array<i32>} : memref<256x64xf32, #tpu.memory_space<vmem>>, vector<16xf32>,
      %parallel_loop3A_699 = arith.index_cast %parallel_loop3A_626 : i32 to index
      %parallel_loop3A_700 = arith.constant 16 : index
      %parallel_loop3A_701 = tpu.vector_load %arg11[%parallel_loop3A_699, %parallel_loop3A_700] {strides = array<i32>} : memref<256x64xf32, #tpu.memory_space<vmem>>, vector<16xf32>,
      tpu.vector_store %arg11[%parallel_loop3A_699, %parallel_loop3A_700], %parallel_loop3A_683 {strides = array<i32>} : memref<256x64xf32, #tpu.memory_space<vmem>>, vector<16xf32>,
      %parallel_loop3A_702 = arith.index_cast %parallel_loop3A_626 : i32 to index
      %parallel_loop3A_703 = arith.constant 32 : index
      %parallel_loop3A_704 = tpu.vector_load %arg11[%parallel_loop3A_702, %parallel_loop3A_703] {strides = array<i32>} : memref<256x64xf32, #tpu.memory_space<vmem>>, vector<16xf32>,
      tpu.vector_store %arg11[%parallel_loop3A_702, %parallel_loop3A_703], %parallel_loop3A_680 {strides = array<i32>} : memref<256x64xf32, #tpu.memory_space<vmem>>, vector<16xf32>,
      %parallel_loop3A_705 = arith.index_cast %parallel_loop3A_626 : i32 to index
      %parallel_loop3A_706 = arith.constant 48 : index
      %parallel_loop3A_707 = tpu.vector_load %arg11[%parallel_loop3A_705, %parallel_loop3A_706] {strides = array<i32>} : memref<256x64xf32, #tpu.memory_space<vmem>>, vector<16xf32>,
      tpu.vector_store %arg11[%parallel_loop3A_705, %parallel_loop3A_706], %parallel_loop3A_683 {strides = array<i32>} : memref<256x64xf32, #tpu.memory_space<vmem>>, vector<16xf32>,
      %parallel_loop3A_708 = arith.constant 16 : i32
      %parallel_loop3A_709 = arith.muli %parallel_loop3A_23, %parallel_loop3A_708 : i32
      %parallel_loop3A_710 = arith.constant 8 : i32
      %parallel_loop3A_711 = arith.addi %parallel_loop3A_709, %parallel_loop3A_710 : i32
      %parallel_loop3A_712 = arith.constant 8 : i32
      %parallel_loop3A_713 = vector.broadcast %parallel_loop3A_712 : i32 to vector<16xi32>
      %parallel_loop3A_714 = vector.shape_cast %parallel_loop3A_713 : vector<16xi32> to vector<16x1xi32>
      %parallel_loop3A_715 = vector.shape_cast %parallel_loop3A_714 : vector<16x1xi32> to vector<16xi32>
      %parallel_loop3A_716 = tpu.dynamic_gather %parallel_loop3A_27[%parallel_loop3A_715] in [0] : vector<16xi32>, vector<16xi32> -> vector<16xi32>
      %parallel_loop3A_717 = arith.constant 7 : i32
      %parallel_loop3A_718 = vector.broadcast %parallel_loop3A_717 : i32 to vector<16xi32>
      %parallel_loop3A_719 = arith.shrui %parallel_loop3A_716, %parallel_loop3A_718 : vector<16xi32>
      %parallel_loop3A_720 = arith.constant 6 : i32
      %parallel_loop3A_721 = vector.broadcast %parallel_loop3A_720 : i32 to vector<16xi32>
      %parallel_loop3A_722 = arith.shli %parallel_loop3A_719, %parallel_loop3A_721 : vector<16xi32>
      %parallel_loop3A_723 = arith.addi %parallel_loop3A_722, %iota3A : vector<16xi32>
      %parallel_loop3A_724 = arith.constant 127 : i32
      %parallel_loop3A_725 = vector.broadcast %parallel_loop3A_724 : i32 to vector<16xi32>
      %parallel_loop3A_726 = arith.andi %parallel_loop3A_716, %parallel_loop3A_725 : vector<16xi32>
      %parallel_loop3A_727 = arith.constant 6 : i32
      %parallel_loop3A_728 = vector.broadcast %parallel_loop3A_727 : i32 to vector<16xi32>
      %parallel_loop3A_729 = arith.shli %parallel_loop3A_726, %parallel_loop3A_728 : vector<16xi32>
      %parallel_loop3A_730 = arith.addi %parallel_loop3A_729, %iota3A : vector<16xi32>
      %parallel_loop3A_731 = tpu.vector_load_idx %arg8[%parallel_loop3A_723] : memref<4096xf32, #tpu.memory_space<vmem>>[vector<16xi32>], vector<16xf32>,
      %parallel_loop3A_732 = arith.constant 16 : i32
      %parallel_loop3A_733 = vector.broadcast %parallel_loop3A_732 : i32 to vector<16xi32>
      %parallel_loop3A_734 = arith.addi %parallel_loop3A_723, %parallel_loop3A_733 : vector<16xi32>
      %parallel_loop3A_735 = tpu.vector_load_idx %arg8[%parallel_loop3A_734] : memref<4096xf32, #tpu.memory_space<vmem>>[vector<16xi32>], vector<16xf32>,
      %parallel_loop3A_736 = arith.constant 32 : i32
      %parallel_loop3A_737 = vector.broadcast %parallel_loop3A_736 : i32 to vector<16xi32>
      %parallel_loop3A_738 = arith.addi %parallel_loop3A_723, %parallel_loop3A_737 : vector<16xi32>
      %parallel_loop3A_739 = tpu.vector_load_idx %arg8[%parallel_loop3A_738] : memref<4096xf32, #tpu.memory_space<vmem>>[vector<16xi32>], vector<16xf32>,
      %parallel_loop3A_740 = arith.constant 48 : i32
      %parallel_loop3A_741 = vector.broadcast %parallel_loop3A_740 : i32 to vector<16xi32>
      %parallel_loop3A_742 = arith.addi %parallel_loop3A_723, %parallel_loop3A_741 : vector<16xi32>
      %parallel_loop3A_743 = tpu.vector_load_idx %arg8[%parallel_loop3A_742] : memref<4096xf32, #tpu.memory_space<vmem>>[vector<16xi32>], vector<16xf32>,
      %parallel_loop3A_744 = tpu.vector_load_idx %arg9[%parallel_loop3A_730] : memref<8192xf32, #tpu.memory_space<vmem>>[vector<16xi32>], vector<16xf32>,
      %parallel_loop3A_745 = arith.constant 16 : i32
      %parallel_loop3A_746 = vector.broadcast %parallel_loop3A_745 : i32 to vector<16xi32>
      %parallel_loop3A_747 = arith.addi %parallel_loop3A_730, %parallel_loop3A_746 : vector<16xi32>
      %parallel_loop3A_748 = tpu.vector_load_idx %arg9[%parallel_loop3A_747] : memref<8192xf32, #tpu.memory_space<vmem>>[vector<16xi32>], vector<16xf32>,
      %parallel_loop3A_749 = arith.constant 32 : i32
      %parallel_loop3A_750 = vector.broadcast %parallel_loop3A_749 : i32 to vector<16xi32>
      %parallel_loop3A_751 = arith.addi %parallel_loop3A_730, %parallel_loop3A_750 : vector<16xi32>
      %parallel_loop3A_752 = tpu.vector_load_idx %arg9[%parallel_loop3A_751] : memref<8192xf32, #tpu.memory_space<vmem>>[vector<16xi32>], vector<16xf32>,
      %parallel_loop3A_753 = arith.constant 48 : i32
      %parallel_loop3A_754 = vector.broadcast %parallel_loop3A_753 : i32 to vector<16xi32>
      %parallel_loop3A_755 = arith.addi %parallel_loop3A_730, %parallel_loop3A_754 : vector<16xi32>
      %parallel_loop3A_756 = tpu.vector_load_idx %arg9[%parallel_loop3A_755] : memref<8192xf32, #tpu.memory_space<vmem>>[vector<16xi32>], vector<16xf32>,
      %parallel_loop3A_757 = arith.mulf %parallel_loop3A_731, %parallel_loop3A_744 : vector<16xf32>
      %parallel_loop3A_758 = arith.mulf %parallel_loop3A_739, %parallel_loop3A_752 : vector<16xf32>
      %parallel_loop3A_759 = arith.subf %parallel_loop3A_757, %parallel_loop3A_758 : vector<16xf32>
      %parallel_loop3A_760 = arith.mulf %parallel_loop3A_735, %parallel_loop3A_748 : vector<16xf32>
      %parallel_loop3A_761 = arith.mulf %parallel_loop3A_743, %parallel_loop3A_756 : vector<16xf32>
      %parallel_loop3A_762 = arith.subf %parallel_loop3A_760, %parallel_loop3A_761 : vector<16xf32>
      %parallel_loop3A_763 = arith.mulf %parallel_loop3A_739, %parallel_loop3A_744 : vector<16xf32>
      %parallel_loop3A_764 = arith.mulf %parallel_loop3A_731, %parallel_loop3A_752 : vector<16xf32>
      %parallel_loop3A_765 = arith.addf %parallel_loop3A_763, %parallel_loop3A_764 : vector<16xf32>
      %parallel_loop3A_766 = arith.mulf %parallel_loop3A_743, %parallel_loop3A_748 : vector<16xf32>
      %parallel_loop3A_767 = arith.mulf %parallel_loop3A_735, %parallel_loop3A_756 : vector<16xf32>
      %parallel_loop3A_768 = arith.addf %parallel_loop3A_766, %parallel_loop3A_767 : vector<16xf32>
      %parallel_loop3A_769 = arith.index_cast %parallel_loop3A_711 : i32 to index
      %parallel_loop3A_770 = arith.constant 0 : index
      %parallel_loop3A_771 = tpu.vector_load %arg10[%parallel_loop3A_769, %parallel_loop3A_770] {strides = array<i32>} : memref<256x64xf32, #tpu.memory_space<vmem>>, vector<16xf32>,
      tpu.vector_store %arg10[%parallel_loop3A_769, %parallel_loop3A_770], %parallel_loop3A_759 {strides = array<i32>} : memref<256x64xf32, #tpu.memory_space<vmem>>, vector<16xf32>,
      %parallel_loop3A_772 = arith.index_cast %parallel_loop3A_711 : i32 to index
      %parallel_loop3A_773 = arith.constant 16 : index
      %parallel_loop3A_774 = tpu.vector_load %arg10[%parallel_loop3A_772, %parallel_loop3A_773] {strides = array<i32>} : memref<256x64xf32, #tpu.memory_space<vmem>>, vector<16xf32>,
      tpu.vector_store %arg10[%parallel_loop3A_772, %parallel_loop3A_773], %parallel_loop3A_762 {strides = array<i32>} : memref<256x64xf32, #tpu.memory_space<vmem>>, vector<16xf32>,
      %parallel_loop3A_775 = arith.index_cast %parallel_loop3A_711 : i32 to index
      %parallel_loop3A_776 = arith.constant 32 : index
      %parallel_loop3A_777 = tpu.vector_load %arg10[%parallel_loop3A_775, %parallel_loop3A_776] {strides = array<i32>} : memref<256x64xf32, #tpu.memory_space<vmem>>, vector<16xf32>,
      tpu.vector_store %arg10[%parallel_loop3A_775, %parallel_loop3A_776], %parallel_loop3A_759 {strides = array<i32>} : memref<256x64xf32, #tpu.memory_space<vmem>>, vector<16xf32>,
      %parallel_loop3A_778 = arith.index_cast %parallel_loop3A_711 : i32 to index
      %parallel_loop3A_779 = arith.constant 48 : index
      %parallel_loop3A_780 = tpu.vector_load %arg10[%parallel_loop3A_778, %parallel_loop3A_779] {strides = array<i32>} : memref<256x64xf32, #tpu.memory_space<vmem>>, vector<16xf32>,
      tpu.vector_store %arg10[%parallel_loop3A_778, %parallel_loop3A_779], %parallel_loop3A_762 {strides = array<i32>} : memref<256x64xf32, #tpu.memory_space<vmem>>, vector<16xf32>,
      %parallel_loop3A_781 = arith.index_cast %parallel_loop3A_711 : i32 to index
      %parallel_loop3A_782 = arith.constant 0 : index
      %parallel_loop3A_783 = tpu.vector_load %arg11[%parallel_loop3A_781, %parallel_loop3A_782] {strides = array<i32>} : memref<256x64xf32, #tpu.memory_space<vmem>>, vector<16xf32>,
      tpu.vector_store %arg11[%parallel_loop3A_781, %parallel_loop3A_782], %parallel_loop3A_765 {strides = array<i32>} : memref<256x64xf32, #tpu.memory_space<vmem>>, vector<16xf32>,
      %parallel_loop3A_784 = arith.index_cast %parallel_loop3A_711 : i32 to index
      %parallel_loop3A_785 = arith.constant 16 : index
      %parallel_loop3A_786 = tpu.vector_load %arg11[%parallel_loop3A_784, %parallel_loop3A_785] {strides = array<i32>} : memref<256x64xf32, #tpu.memory_space<vmem>>, vector<16xf32>,
      tpu.vector_store %arg11[%parallel_loop3A_784, %parallel_loop3A_785], %parallel_loop3A_768 {strides = array<i32>} : memref<256x64xf32, #tpu.memory_space<vmem>>, vector<16xf32>,
      %parallel_loop3A_787 = arith.index_cast %parallel_loop3A_711 : i32 to index
      %parallel_loop3A_788 = arith.constant 32 : index
      %parallel_loop3A_789 = tpu.vector_load %arg11[%parallel_loop3A_787, %parallel_loop3A_788] {strides = array<i32>} : memref<256x64xf32, #tpu.memory_space<vmem>>, vector<16xf32>,
      tpu.vector_store %arg11[%parallel_loop3A_787, %parallel_loop3A_788], %parallel_loop3A_765 {strides = array<i32>} : memref<256x64xf32, #tpu.memory_space<vmem>>, vector<16xf32>,
      %parallel_loop3A_790 = arith.index_cast %parallel_loop3A_711 : i32 to index
      %parallel_loop3A_791 = arith.constant 48 : index
      %parallel_loop3A_792 = tpu.vector_load %arg11[%parallel_loop3A_790, %parallel_loop3A_791] {strides = array<i32>} : memref<256x64xf32, #tpu.memory_space<vmem>>, vector<16xf32>,
      tpu.vector_store %arg11[%parallel_loop3A_790, %parallel_loop3A_791], %parallel_loop3A_768 {strides = array<i32>} : memref<256x64xf32, #tpu.memory_space<vmem>>, vector<16xf32>,
      %parallel_loop3A_793 = arith.constant 16 : i32
      %parallel_loop3A_794 = arith.muli %parallel_loop3A_23, %parallel_loop3A_793 : i32
      %parallel_loop3A_795 = arith.constant 9 : i32
      %parallel_loop3A_796 = arith.addi %parallel_loop3A_794, %parallel_loop3A_795 : i32
      %parallel_loop3A_797 = arith.constant 9 : i32
      %parallel_loop3A_798 = vector.broadcast %parallel_loop3A_797 : i32 to vector<16xi32>
      %parallel_loop3A_799 = vector.shape_cast %parallel_loop3A_798 : vector<16xi32> to vector<16x1xi32>
      %parallel_loop3A_800 = vector.shape_cast %parallel_loop3A_799 : vector<16x1xi32> to vector<16xi32>
      %parallel_loop3A_801 = tpu.dynamic_gather %parallel_loop3A_27[%parallel_loop3A_800] in [0] : vector<16xi32>, vector<16xi32> -> vector<16xi32>
      %parallel_loop3A_802 = arith.constant 7 : i32
      %parallel_loop3A_803 = vector.broadcast %parallel_loop3A_802 : i32 to vector<16xi32>
      %parallel_loop3A_804 = arith.shrui %parallel_loop3A_801, %parallel_loop3A_803 : vector<16xi32>
      %parallel_loop3A_805 = arith.constant 6 : i32
      %parallel_loop3A_806 = vector.broadcast %parallel_loop3A_805 : i32 to vector<16xi32>
      %parallel_loop3A_807 = arith.shli %parallel_loop3A_804, %parallel_loop3A_806 : vector<16xi32>
      %parallel_loop3A_808 = arith.addi %parallel_loop3A_807, %iota3A : vector<16xi32>
      %parallel_loop3A_809 = arith.constant 127 : i32
      %parallel_loop3A_810 = vector.broadcast %parallel_loop3A_809 : i32 to vector<16xi32>
      %parallel_loop3A_811 = arith.andi %parallel_loop3A_801, %parallel_loop3A_810 : vector<16xi32>
      %parallel_loop3A_812 = arith.constant 6 : i32
      %parallel_loop3A_813 = vector.broadcast %parallel_loop3A_812 : i32 to vector<16xi32>
      %parallel_loop3A_814 = arith.shli %parallel_loop3A_811, %parallel_loop3A_813 : vector<16xi32>
      %parallel_loop3A_815 = arith.addi %parallel_loop3A_814, %iota3A : vector<16xi32>
      %parallel_loop3A_816 = tpu.vector_load_idx %arg8[%parallel_loop3A_808] : memref<4096xf32, #tpu.memory_space<vmem>>[vector<16xi32>], vector<16xf32>,
      %parallel_loop3A_817 = arith.constant 16 : i32
      %parallel_loop3A_818 = vector.broadcast %parallel_loop3A_817 : i32 to vector<16xi32>
      %parallel_loop3A_819 = arith.addi %parallel_loop3A_808, %parallel_loop3A_818 : vector<16xi32>
      %parallel_loop3A_820 = tpu.vector_load_idx %arg8[%parallel_loop3A_819] : memref<4096xf32, #tpu.memory_space<vmem>>[vector<16xi32>], vector<16xf32>,
      %parallel_loop3A_821 = arith.constant 32 : i32
      %parallel_loop3A_822 = vector.broadcast %parallel_loop3A_821 : i32 to vector<16xi32>
      %parallel_loop3A_823 = arith.addi %parallel_loop3A_808, %parallel_loop3A_822 : vector<16xi32>
      %parallel_loop3A_824 = tpu.vector_load_idx %arg8[%parallel_loop3A_823] : memref<4096xf32, #tpu.memory_space<vmem>>[vector<16xi32>], vector<16xf32>,
      %parallel_loop3A_825 = arith.constant 48 : i32
      %parallel_loop3A_826 = vector.broadcast %parallel_loop3A_825 : i32 to vector<16xi32>
      %parallel_loop3A_827 = arith.addi %parallel_loop3A_808, %parallel_loop3A_826 : vector<16xi32>
      %parallel_loop3A_828 = tpu.vector_load_idx %arg8[%parallel_loop3A_827] : memref<4096xf32, #tpu.memory_space<vmem>>[vector<16xi32>], vector<16xf32>,
      %parallel_loop3A_829 = tpu.vector_load_idx %arg9[%parallel_loop3A_815] : memref<8192xf32, #tpu.memory_space<vmem>>[vector<16xi32>], vector<16xf32>,
      %parallel_loop3A_830 = arith.constant 16 : i32
      %parallel_loop3A_831 = vector.broadcast %parallel_loop3A_830 : i32 to vector<16xi32>
      %parallel_loop3A_832 = arith.addi %parallel_loop3A_815, %parallel_loop3A_831 : vector<16xi32>
      %parallel_loop3A_833 = tpu.vector_load_idx %arg9[%parallel_loop3A_832] : memref<8192xf32, #tpu.memory_space<vmem>>[vector<16xi32>], vector<16xf32>,
      %parallel_loop3A_834 = arith.constant 32 : i32
      %parallel_loop3A_835 = vector.broadcast %parallel_loop3A_834 : i32 to vector<16xi32>
      %parallel_loop3A_836 = arith.addi %parallel_loop3A_815, %parallel_loop3A_835 : vector<16xi32>
      %parallel_loop3A_837 = tpu.vector_load_idx %arg9[%parallel_loop3A_836] : memref<8192xf32, #tpu.memory_space<vmem>>[vector<16xi32>], vector<16xf32>,
      %parallel_loop3A_838 = arith.constant 48 : i32
      %parallel_loop3A_839 = vector.broadcast %parallel_loop3A_838 : i32 to vector<16xi32>
      %parallel_loop3A_840 = arith.addi %parallel_loop3A_815, %parallel_loop3A_839 : vector<16xi32>
      %parallel_loop3A_841 = tpu.vector_load_idx %arg9[%parallel_loop3A_840] : memref<8192xf32, #tpu.memory_space<vmem>>[vector<16xi32>], vector<16xf32>,
      %parallel_loop3A_842 = arith.mulf %parallel_loop3A_816, %parallel_loop3A_829 : vector<16xf32>
      %parallel_loop3A_843 = arith.mulf %parallel_loop3A_824, %parallel_loop3A_837 : vector<16xf32>
      %parallel_loop3A_844 = arith.subf %parallel_loop3A_842, %parallel_loop3A_843 : vector<16xf32>
      %parallel_loop3A_845 = arith.mulf %parallel_loop3A_820, %parallel_loop3A_833 : vector<16xf32>
      %parallel_loop3A_846 = arith.mulf %parallel_loop3A_828, %parallel_loop3A_841 : vector<16xf32>
      %parallel_loop3A_847 = arith.subf %parallel_loop3A_845, %parallel_loop3A_846 : vector<16xf32>
      %parallel_loop3A_848 = arith.mulf %parallel_loop3A_824, %parallel_loop3A_829 : vector<16xf32>
      %parallel_loop3A_849 = arith.mulf %parallel_loop3A_816, %parallel_loop3A_837 : vector<16xf32>
      %parallel_loop3A_850 = arith.addf %parallel_loop3A_848, %parallel_loop3A_849 : vector<16xf32>
      %parallel_loop3A_851 = arith.mulf %parallel_loop3A_828, %parallel_loop3A_833 : vector<16xf32>
      %parallel_loop3A_852 = arith.mulf %parallel_loop3A_820, %parallel_loop3A_841 : vector<16xf32>
      %parallel_loop3A_853 = arith.addf %parallel_loop3A_851, %parallel_loop3A_852 : vector<16xf32>
      %parallel_loop3A_854 = arith.index_cast %parallel_loop3A_796 : i32 to index
      %parallel_loop3A_855 = arith.constant 0 : index
      %parallel_loop3A_856 = tpu.vector_load %arg10[%parallel_loop3A_854, %parallel_loop3A_855] {strides = array<i32>} : memref<256x64xf32, #tpu.memory_space<vmem>>, vector<16xf32>,
      tpu.vector_store %arg10[%parallel_loop3A_854, %parallel_loop3A_855], %parallel_loop3A_844 {strides = array<i32>} : memref<256x64xf32, #tpu.memory_space<vmem>>, vector<16xf32>,
      %parallel_loop3A_857 = arith.index_cast %parallel_loop3A_796 : i32 to index
      %parallel_loop3A_858 = arith.constant 16 : index
      %parallel_loop3A_859 = tpu.vector_load %arg10[%parallel_loop3A_857, %parallel_loop3A_858] {strides = array<i32>} : memref<256x64xf32, #tpu.memory_space<vmem>>, vector<16xf32>,
      tpu.vector_store %arg10[%parallel_loop3A_857, %parallel_loop3A_858], %parallel_loop3A_847 {strides = array<i32>} : memref<256x64xf32, #tpu.memory_space<vmem>>, vector<16xf32>,
      %parallel_loop3A_860 = arith.index_cast %parallel_loop3A_796 : i32 to index
      %parallel_loop3A_861 = arith.constant 32 : index
      %parallel_loop3A_862 = tpu.vector_load %arg10[%parallel_loop3A_860, %parallel_loop3A_861] {strides = array<i32>} : memref<256x64xf32, #tpu.memory_space<vmem>>, vector<16xf32>,
      tpu.vector_store %arg10[%parallel_loop3A_860, %parallel_loop3A_861], %parallel_loop3A_844 {strides = array<i32>} : memref<256x64xf32, #tpu.memory_space<vmem>>, vector<16xf32>,
      %parallel_loop3A_863 = arith.index_cast %parallel_loop3A_796 : i32 to index
      %parallel_loop3A_864 = arith.constant 48 : index
      %parallel_loop3A_865 = tpu.vector_load %arg10[%parallel_loop3A_863, %parallel_loop3A_864] {strides = array<i32>} : memref<256x64xf32, #tpu.memory_space<vmem>>, vector<16xf32>,
      tpu.vector_store %arg10[%parallel_loop3A_863, %parallel_loop3A_864], %parallel_loop3A_847 {strides = array<i32>} : memref<256x64xf32, #tpu.memory_space<vmem>>, vector<16xf32>,
      %parallel_loop3A_866 = arith.index_cast %parallel_loop3A_796 : i32 to index
      %parallel_loop3A_867 = arith.constant 0 : index
      %parallel_loop3A_868 = tpu.vector_load %arg11[%parallel_loop3A_866, %parallel_loop3A_867] {strides = array<i32>} : memref<256x64xf32, #tpu.memory_space<vmem>>, vector<16xf32>,
      tpu.vector_store %arg11[%parallel_loop3A_866, %parallel_loop3A_867], %parallel_loop3A_850 {strides = array<i32>} : memref<256x64xf32, #tpu.memory_space<vmem>>, vector<16xf32>,
      %parallel_loop3A_869 = arith.index_cast %parallel_loop3A_796 : i32 to index
      %parallel_loop3A_870 = arith.constant 16 : index
      %parallel_loop3A_871 = tpu.vector_load %arg11[%parallel_loop3A_869, %parallel_loop3A_870] {strides = array<i32>} : memref<256x64xf32, #tpu.memory_space<vmem>>, vector<16xf32>,
      tpu.vector_store %arg11[%parallel_loop3A_869, %parallel_loop3A_870], %parallel_loop3A_853 {strides = array<i32>} : memref<256x64xf32, #tpu.memory_space<vmem>>, vector<16xf32>,
      %parallel_loop3A_872 = arith.index_cast %parallel_loop3A_796 : i32 to index
      %parallel_loop3A_873 = arith.constant 32 : index
      %parallel_loop3A_874 = tpu.vector_load %arg11[%parallel_loop3A_872, %parallel_loop3A_873] {strides = array<i32>} : memref<256x64xf32, #tpu.memory_space<vmem>>, vector<16xf32>,
      tpu.vector_store %arg11[%parallel_loop3A_872, %parallel_loop3A_873], %parallel_loop3A_850 {strides = array<i32>} : memref<256x64xf32, #tpu.memory_space<vmem>>, vector<16xf32>,
      %parallel_loop3A_875 = arith.index_cast %parallel_loop3A_796 : i32 to index
      %parallel_loop3A_876 = arith.constant 48 : index
      %parallel_loop3A_877 = tpu.vector_load %arg11[%parallel_loop3A_875, %parallel_loop3A_876] {strides = array<i32>} : memref<256x64xf32, #tpu.memory_space<vmem>>, vector<16xf32>,
      tpu.vector_store %arg11[%parallel_loop3A_875, %parallel_loop3A_876], %parallel_loop3A_853 {strides = array<i32>} : memref<256x64xf32, #tpu.memory_space<vmem>>, vector<16xf32>,
      %parallel_loop3A_878 = arith.constant 16 : i32
      %parallel_loop3A_879 = arith.muli %parallel_loop3A_23, %parallel_loop3A_878 : i32
      %parallel_loop3A_880 = arith.constant 10 : i32
      %parallel_loop3A_881 = arith.addi %parallel_loop3A_879, %parallel_loop3A_880 : i32
      %parallel_loop3A_882 = arith.constant 10 : i32
      %parallel_loop3A_883 = vector.broadcast %parallel_loop3A_882 : i32 to vector<16xi32>
      %parallel_loop3A_884 = vector.shape_cast %parallel_loop3A_883 : vector<16xi32> to vector<16x1xi32>
      %parallel_loop3A_885 = vector.shape_cast %parallel_loop3A_884 : vector<16x1xi32> to vector<16xi32>
      %parallel_loop3A_886 = tpu.dynamic_gather %parallel_loop3A_27[%parallel_loop3A_885] in [0] : vector<16xi32>, vector<16xi32> -> vector<16xi32>
      %parallel_loop3A_887 = arith.constant 7 : i32
      %parallel_loop3A_888 = vector.broadcast %parallel_loop3A_887 : i32 to vector<16xi32>
      %parallel_loop3A_889 = arith.shrui %parallel_loop3A_886, %parallel_loop3A_888 : vector<16xi32>
      %parallel_loop3A_890 = arith.constant 6 : i32
      %parallel_loop3A_891 = vector.broadcast %parallel_loop3A_890 : i32 to vector<16xi32>
      %parallel_loop3A_892 = arith.shli %parallel_loop3A_889, %parallel_loop3A_891 : vector<16xi32>
      %parallel_loop3A_893 = arith.addi %parallel_loop3A_892, %iota3A : vector<16xi32>
      %parallel_loop3A_894 = arith.constant 127 : i32
      %parallel_loop3A_895 = vector.broadcast %parallel_loop3A_894 : i32 to vector<16xi32>
      %parallel_loop3A_896 = arith.andi %parallel_loop3A_886, %parallel_loop3A_895 : vector<16xi32>
      %parallel_loop3A_897 = arith.constant 6 : i32
      %parallel_loop3A_898 = vector.broadcast %parallel_loop3A_897 : i32 to vector<16xi32>
      %parallel_loop3A_899 = arith.shli %parallel_loop3A_896, %parallel_loop3A_898 : vector<16xi32>
      %parallel_loop3A_900 = arith.addi %parallel_loop3A_899, %iota3A : vector<16xi32>
      %parallel_loop3A_901 = tpu.vector_load_idx %arg8[%parallel_loop3A_893] : memref<4096xf32, #tpu.memory_space<vmem>>[vector<16xi32>], vector<16xf32>,
      %parallel_loop3A_902 = arith.constant 16 : i32
      %parallel_loop3A_903 = vector.broadcast %parallel_loop3A_902 : i32 to vector<16xi32>
      %parallel_loop3A_904 = arith.addi %parallel_loop3A_893, %parallel_loop3A_903 : vector<16xi32>
      %parallel_loop3A_905 = tpu.vector_load_idx %arg8[%parallel_loop3A_904] : memref<4096xf32, #tpu.memory_space<vmem>>[vector<16xi32>], vector<16xf32>,
      %parallel_loop3A_906 = arith.constant 32 : i32
      %parallel_loop3A_907 = vector.broadcast %parallel_loop3A_906 : i32 to vector<16xi32>
      %parallel_loop3A_908 = arith.addi %parallel_loop3A_893, %parallel_loop3A_907 : vector<16xi32>
      %parallel_loop3A_909 = tpu.vector_load_idx %arg8[%parallel_loop3A_908] : memref<4096xf32, #tpu.memory_space<vmem>>[vector<16xi32>], vector<16xf32>,
      %parallel_loop3A_910 = arith.constant 48 : i32
      %parallel_loop3A_911 = vector.broadcast %parallel_loop3A_910 : i32 to vector<16xi32>
      %parallel_loop3A_912 = arith.addi %parallel_loop3A_893, %parallel_loop3A_911 : vector<16xi32>
      %parallel_loop3A_913 = tpu.vector_load_idx %arg8[%parallel_loop3A_912] : memref<4096xf32, #tpu.memory_space<vmem>>[vector<16xi32>], vector<16xf32>,
      %parallel_loop3A_914 = tpu.vector_load_idx %arg9[%parallel_loop3A_900] : memref<8192xf32, #tpu.memory_space<vmem>>[vector<16xi32>], vector<16xf32>,
      %parallel_loop3A_915 = arith.constant 16 : i32
      %parallel_loop3A_916 = vector.broadcast %parallel_loop3A_915 : i32 to vector<16xi32>
      %parallel_loop3A_917 = arith.addi %parallel_loop3A_900, %parallel_loop3A_916 : vector<16xi32>
      %parallel_loop3A_918 = tpu.vector_load_idx %arg9[%parallel_loop3A_917] : memref<8192xf32, #tpu.memory_space<vmem>>[vector<16xi32>], vector<16xf32>,
      %parallel_loop3A_919 = arith.constant 32 : i32
      %parallel_loop3A_920 = vector.broadcast %parallel_loop3A_919 : i32 to vector<16xi32>
      %parallel_loop3A_921 = arith.addi %parallel_loop3A_900, %parallel_loop3A_920 : vector<16xi32>
      %parallel_loop3A_922 = tpu.vector_load_idx %arg9[%parallel_loop3A_921] : memref<8192xf32, #tpu.memory_space<vmem>>[vector<16xi32>], vector<16xf32>,
      %parallel_loop3A_923 = arith.constant 48 : i32
      %parallel_loop3A_924 = vector.broadcast %parallel_loop3A_923 : i32 to vector<16xi32>
      %parallel_loop3A_925 = arith.addi %parallel_loop3A_900, %parallel_loop3A_924 : vector<16xi32>
      %parallel_loop3A_926 = tpu.vector_load_idx %arg9[%parallel_loop3A_925] : memref<8192xf32, #tpu.memory_space<vmem>>[vector<16xi32>], vector<16xf32>,
      %parallel_loop3A_927 = arith.mulf %parallel_loop3A_901, %parallel_loop3A_914 : vector<16xf32>
      %parallel_loop3A_928 = arith.mulf %parallel_loop3A_909, %parallel_loop3A_922 : vector<16xf32>
      %parallel_loop3A_929 = arith.subf %parallel_loop3A_927, %parallel_loop3A_928 : vector<16xf32>
      %parallel_loop3A_930 = arith.mulf %parallel_loop3A_905, %parallel_loop3A_918 : vector<16xf32>
      %parallel_loop3A_931 = arith.mulf %parallel_loop3A_913, %parallel_loop3A_926 : vector<16xf32>
      %parallel_loop3A_932 = arith.subf %parallel_loop3A_930, %parallel_loop3A_931 : vector<16xf32>
      %parallel_loop3A_933 = arith.mulf %parallel_loop3A_909, %parallel_loop3A_914 : vector<16xf32>
      %parallel_loop3A_934 = arith.mulf %parallel_loop3A_901, %parallel_loop3A_922 : vector<16xf32>
      %parallel_loop3A_935 = arith.addf %parallel_loop3A_933, %parallel_loop3A_934 : vector<16xf32>
      %parallel_loop3A_936 = arith.mulf %parallel_loop3A_913, %parallel_loop3A_918 : vector<16xf32>
      %parallel_loop3A_937 = arith.mulf %parallel_loop3A_905, %parallel_loop3A_926 : vector<16xf32>
      %parallel_loop3A_938 = arith.addf %parallel_loop3A_936, %parallel_loop3A_937 : vector<16xf32>
      %parallel_loop3A_939 = arith.index_cast %parallel_loop3A_881 : i32 to index
      %parallel_loop3A_940 = arith.constant 0 : index
      %parallel_loop3A_941 = tpu.vector_load %arg10[%parallel_loop3A_939, %parallel_loop3A_940] {strides = array<i32>} : memref<256x64xf32, #tpu.memory_space<vmem>>, vector<16xf32>,
      tpu.vector_store %arg10[%parallel_loop3A_939, %parallel_loop3A_940], %parallel_loop3A_929 {strides = array<i32>} : memref<256x64xf32, #tpu.memory_space<vmem>>, vector<16xf32>,
      %parallel_loop3A_942 = arith.index_cast %parallel_loop3A_881 : i32 to index
      %parallel_loop3A_943 = arith.constant 16 : index
      %parallel_loop3A_944 = tpu.vector_load %arg10[%parallel_loop3A_942, %parallel_loop3A_943] {strides = array<i32>} : memref<256x64xf32, #tpu.memory_space<vmem>>, vector<16xf32>,
      tpu.vector_store %arg10[%parallel_loop3A_942, %parallel_loop3A_943], %parallel_loop3A_932 {strides = array<i32>} : memref<256x64xf32, #tpu.memory_space<vmem>>, vector<16xf32>,
      %parallel_loop3A_945 = arith.index_cast %parallel_loop3A_881 : i32 to index
      %parallel_loop3A_946 = arith.constant 32 : index
      %parallel_loop3A_947 = tpu.vector_load %arg10[%parallel_loop3A_945, %parallel_loop3A_946] {strides = array<i32>} : memref<256x64xf32, #tpu.memory_space<vmem>>, vector<16xf32>,
      tpu.vector_store %arg10[%parallel_loop3A_945, %parallel_loop3A_946], %parallel_loop3A_929 {strides = array<i32>} : memref<256x64xf32, #tpu.memory_space<vmem>>, vector<16xf32>,
      %parallel_loop3A_948 = arith.index_cast %parallel_loop3A_881 : i32 to index
      %parallel_loop3A_949 = arith.constant 48 : index
      %parallel_loop3A_950 = tpu.vector_load %arg10[%parallel_loop3A_948, %parallel_loop3A_949] {strides = array<i32>} : memref<256x64xf32, #tpu.memory_space<vmem>>, vector<16xf32>,
      tpu.vector_store %arg10[%parallel_loop3A_948, %parallel_loop3A_949], %parallel_loop3A_932 {strides = array<i32>} : memref<256x64xf32, #tpu.memory_space<vmem>>, vector<16xf32>,
      %parallel_loop3A_951 = arith.index_cast %parallel_loop3A_881 : i32 to index
      %parallel_loop3A_952 = arith.constant 0 : index
      %parallel_loop3A_953 = tpu.vector_load %arg11[%parallel_loop3A_951, %parallel_loop3A_952] {strides = array<i32>} : memref<256x64xf32, #tpu.memory_space<vmem>>, vector<16xf32>,
      tpu.vector_store %arg11[%parallel_loop3A_951, %parallel_loop3A_952], %parallel_loop3A_935 {strides = array<i32>} : memref<256x64xf32, #tpu.memory_space<vmem>>, vector<16xf32>,
      %parallel_loop3A_954 = arith.index_cast %parallel_loop3A_881 : i32 to index
      %parallel_loop3A_955 = arith.constant 16 : index
      %parallel_loop3A_956 = tpu.vector_load %arg11[%parallel_loop3A_954, %parallel_loop3A_955] {strides = array<i32>} : memref<256x64xf32, #tpu.memory_space<vmem>>, vector<16xf32>,
      tpu.vector_store %arg11[%parallel_loop3A_954, %parallel_loop3A_955], %parallel_loop3A_938 {strides = array<i32>} : memref<256x64xf32, #tpu.memory_space<vmem>>, vector<16xf32>,
      %parallel_loop3A_957 = arith.index_cast %parallel_loop3A_881 : i32 to index
      %parallel_loop3A_958 = arith.constant 32 : index
      %parallel_loop3A_959 = tpu.vector_load %arg11[%parallel_loop3A_957, %parallel_loop3A_958] {strides = array<i32>} : memref<256x64xf32, #tpu.memory_space<vmem>>, vector<16xf32>,
      tpu.vector_store %arg11[%parallel_loop3A_957, %parallel_loop3A_958], %parallel_loop3A_935 {strides = array<i32>} : memref<256x64xf32, #tpu.memory_space<vmem>>, vector<16xf32>,
      %parallel_loop3A_960 = arith.index_cast %parallel_loop3A_881 : i32 to index
      %parallel_loop3A_961 = arith.constant 48 : index
      %parallel_loop3A_962 = tpu.vector_load %arg11[%parallel_loop3A_960, %parallel_loop3A_961] {strides = array<i32>} : memref<256x64xf32, #tpu.memory_space<vmem>>, vector<16xf32>,
      tpu.vector_store %arg11[%parallel_loop3A_960, %parallel_loop3A_961], %parallel_loop3A_938 {strides = array<i32>} : memref<256x64xf32, #tpu.memory_space<vmem>>, vector<16xf32>,
      %parallel_loop3A_963 = arith.constant 16 : i32
      %parallel_loop3A_964 = arith.muli %parallel_loop3A_23, %parallel_loop3A_963 : i32
      %parallel_loop3A_965 = arith.constant 11 : i32
      %parallel_loop3A_966 = arith.addi %parallel_loop3A_964, %parallel_loop3A_965 : i32
      %parallel_loop3A_967 = arith.constant 11 : i32
      %parallel_loop3A_968 = vector.broadcast %parallel_loop3A_967 : i32 to vector<16xi32>
      %parallel_loop3A_969 = vector.shape_cast %parallel_loop3A_968 : vector<16xi32> to vector<16x1xi32>
      %parallel_loop3A_970 = vector.shape_cast %parallel_loop3A_969 : vector<16x1xi32> to vector<16xi32>
      %parallel_loop3A_971 = tpu.dynamic_gather %parallel_loop3A_27[%parallel_loop3A_970] in [0] : vector<16xi32>, vector<16xi32> -> vector<16xi32>
      %parallel_loop3A_972 = arith.constant 7 : i32
      %parallel_loop3A_973 = vector.broadcast %parallel_loop3A_972 : i32 to vector<16xi32>
      %parallel_loop3A_974 = arith.shrui %parallel_loop3A_971, %parallel_loop3A_973 : vector<16xi32>
      %parallel_loop3A_975 = arith.constant 6 : i32
      %parallel_loop3A_976 = vector.broadcast %parallel_loop3A_975 : i32 to vector<16xi32>
      %parallel_loop3A_977 = arith.shli %parallel_loop3A_974, %parallel_loop3A_976 : vector<16xi32>
      %parallel_loop3A_978 = arith.addi %parallel_loop3A_977, %iota3A : vector<16xi32>
      %parallel_loop3A_979 = arith.constant 127 : i32
      %parallel_loop3A_980 = vector.broadcast %parallel_loop3A_979 : i32 to vector<16xi32>
      %parallel_loop3A_981 = arith.andi %parallel_loop3A_971, %parallel_loop3A_980 : vector<16xi32>
      %parallel_loop3A_982 = arith.constant 6 : i32
      %parallel_loop3A_983 = vector.broadcast %parallel_loop3A_982 : i32 to vector<16xi32>
      %parallel_loop3A_984 = arith.shli %parallel_loop3A_981, %parallel_loop3A_983 : vector<16xi32>
      %parallel_loop3A_985 = arith.addi %parallel_loop3A_984, %iota3A : vector<16xi32>
      %parallel_loop3A_986 = tpu.vector_load_idx %arg8[%parallel_loop3A_978] : memref<4096xf32, #tpu.memory_space<vmem>>[vector<16xi32>], vector<16xf32>,
      %parallel_loop3A_987 = arith.constant 16 : i32
      %parallel_loop3A_988 = vector.broadcast %parallel_loop3A_987 : i32 to vector<16xi32>
      %parallel_loop3A_989 = arith.addi %parallel_loop3A_978, %parallel_loop3A_988 : vector<16xi32>
      %parallel_loop3A_990 = tpu.vector_load_idx %arg8[%parallel_loop3A_989] : memref<4096xf32, #tpu.memory_space<vmem>>[vector<16xi32>], vector<16xf32>,
      %parallel_loop3A_991 = arith.constant 32 : i32
      %parallel_loop3A_992 = vector.broadcast %parallel_loop3A_991 : i32 to vector<16xi32>
      %parallel_loop3A_993 = arith.addi %parallel_loop3A_978, %parallel_loop3A_992 : vector<16xi32>
      %parallel_loop3A_994 = tpu.vector_load_idx %arg8[%parallel_loop3A_993] : memref<4096xf32, #tpu.memory_space<vmem>>[vector<16xi32>], vector<16xf32>,
      %parallel_loop3A_995 = arith.constant 48 : i32
      %parallel_loop3A_996 = vector.broadcast %parallel_loop3A_995 : i32 to vector<16xi32>
      %parallel_loop3A_997 = arith.addi %parallel_loop3A_978, %parallel_loop3A_996 : vector<16xi32>
      %parallel_loop3A_998 = tpu.vector_load_idx %arg8[%parallel_loop3A_997] : memref<4096xf32, #tpu.memory_space<vmem>>[vector<16xi32>], vector<16xf32>,
      %parallel_loop3A_999 = tpu.vector_load_idx %arg9[%parallel_loop3A_985] : memref<8192xf32, #tpu.memory_space<vmem>>[vector<16xi32>], vector<16xf32>,
      %parallel_loop3A_1000 = arith.constant 16 : i32
      %parallel_loop3A_1001 = vector.broadcast %parallel_loop3A_1000 : i32 to vector<16xi32>
      %parallel_loop3A_1002 = arith.addi %parallel_loop3A_985, %parallel_loop3A_1001 : vector<16xi32>
      %parallel_loop3A_1003 = tpu.vector_load_idx %arg9[%parallel_loop3A_1002] : memref<8192xf32, #tpu.memory_space<vmem>>[vector<16xi32>], vector<16xf32>,
      %parallel_loop3A_1004 = arith.constant 32 : i32
      %parallel_loop3A_1005 = vector.broadcast %parallel_loop3A_1004 : i32 to vector<16xi32>
      %parallel_loop3A_1006 = arith.addi %parallel_loop3A_985, %parallel_loop3A_1005 : vector<16xi32>
      %parallel_loop3A_1007 = tpu.vector_load_idx %arg9[%parallel_loop3A_1006] : memref<8192xf32, #tpu.memory_space<vmem>>[vector<16xi32>], vector<16xf32>,
      %parallel_loop3A_1008 = arith.constant 48 : i32
      %parallel_loop3A_1009 = vector.broadcast %parallel_loop3A_1008 : i32 to vector<16xi32>
      %parallel_loop3A_1010 = arith.addi %parallel_loop3A_985, %parallel_loop3A_1009 : vector<16xi32>
      %parallel_loop3A_1011 = tpu.vector_load_idx %arg9[%parallel_loop3A_1010] : memref<8192xf32, #tpu.memory_space<vmem>>[vector<16xi32>], vector<16xf32>,
      %parallel_loop3A_1012 = arith.mulf %parallel_loop3A_986, %parallel_loop3A_999 : vector<16xf32>
      %parallel_loop3A_1013 = arith.mulf %parallel_loop3A_994, %parallel_loop3A_1007 : vector<16xf32>
      %parallel_loop3A_1014 = arith.subf %parallel_loop3A_1012, %parallel_loop3A_1013 : vector<16xf32>
      %parallel_loop3A_1015 = arith.mulf %parallel_loop3A_990, %parallel_loop3A_1003 : vector<16xf32>
      %parallel_loop3A_1016 = arith.mulf %parallel_loop3A_998, %parallel_loop3A_1011 : vector<16xf32>
      %parallel_loop3A_1017 = arith.subf %parallel_loop3A_1015, %parallel_loop3A_1016 : vector<16xf32>
      %parallel_loop3A_1018 = arith.mulf %parallel_loop3A_994, %parallel_loop3A_999 : vector<16xf32>
      %parallel_loop3A_1019 = arith.mulf %parallel_loop3A_986, %parallel_loop3A_1007 : vector<16xf32>
      %parallel_loop3A_1020 = arith.addf %parallel_loop3A_1018, %parallel_loop3A_1019 : vector<16xf32>
      %parallel_loop3A_1021 = arith.mulf %parallel_loop3A_998, %parallel_loop3A_1003 : vector<16xf32>
      %parallel_loop3A_1022 = arith.mulf %parallel_loop3A_990, %parallel_loop3A_1011 : vector<16xf32>
      %parallel_loop3A_1023 = arith.addf %parallel_loop3A_1021, %parallel_loop3A_1022 : vector<16xf32>
      %parallel_loop3A_1024 = arith.index_cast %parallel_loop3A_966 : i32 to index
      %parallel_loop3A_1025 = arith.constant 0 : index
      %parallel_loop3A_1026 = tpu.vector_load %arg10[%parallel_loop3A_1024, %parallel_loop3A_1025] {strides = array<i32>} : memref<256x64xf32, #tpu.memory_space<vmem>>, vector<16xf32>,
      tpu.vector_store %arg10[%parallel_loop3A_1024, %parallel_loop3A_1025], %parallel_loop3A_1014 {strides = array<i32>} : memref<256x64xf32, #tpu.memory_space<vmem>>, vector<16xf32>,
      %parallel_loop3A_1027 = arith.index_cast %parallel_loop3A_966 : i32 to index
      %parallel_loop3A_1028 = arith.constant 16 : index
      %parallel_loop3A_1029 = tpu.vector_load %arg10[%parallel_loop3A_1027, %parallel_loop3A_1028] {strides = array<i32>} : memref<256x64xf32, #tpu.memory_space<vmem>>, vector<16xf32>,
      tpu.vector_store %arg10[%parallel_loop3A_1027, %parallel_loop3A_1028], %parallel_loop3A_1017 {strides = array<i32>} : memref<256x64xf32, #tpu.memory_space<vmem>>, vector<16xf32>,
      %parallel_loop3A_1030 = arith.index_cast %parallel_loop3A_966 : i32 to index
      %parallel_loop3A_1031 = arith.constant 32 : index
      %parallel_loop3A_1032 = tpu.vector_load %arg10[%parallel_loop3A_1030, %parallel_loop3A_1031] {strides = array<i32>} : memref<256x64xf32, #tpu.memory_space<vmem>>, vector<16xf32>,
      tpu.vector_store %arg10[%parallel_loop3A_1030, %parallel_loop3A_1031], %parallel_loop3A_1014 {strides = array<i32>} : memref<256x64xf32, #tpu.memory_space<vmem>>, vector<16xf32>,
      %parallel_loop3A_1033 = arith.index_cast %parallel_loop3A_966 : i32 to index
      %parallel_loop3A_1034 = arith.constant 48 : index
      %parallel_loop3A_1035 = tpu.vector_load %arg10[%parallel_loop3A_1033, %parallel_loop3A_1034] {strides = array<i32>} : memref<256x64xf32, #tpu.memory_space<vmem>>, vector<16xf32>,
      tpu.vector_store %arg10[%parallel_loop3A_1033, %parallel_loop3A_1034], %parallel_loop3A_1017 {strides = array<i32>} : memref<256x64xf32, #tpu.memory_space<vmem>>, vector<16xf32>,
      %parallel_loop3A_1036 = arith.index_cast %parallel_loop3A_966 : i32 to index
      %parallel_loop3A_1037 = arith.constant 0 : index
      %parallel_loop3A_1038 = tpu.vector_load %arg11[%parallel_loop3A_1036, %parallel_loop3A_1037] {strides = array<i32>} : memref<256x64xf32, #tpu.memory_space<vmem>>, vector<16xf32>,
      tpu.vector_store %arg11[%parallel_loop3A_1036, %parallel_loop3A_1037], %parallel_loop3A_1020 {strides = array<i32>} : memref<256x64xf32, #tpu.memory_space<vmem>>, vector<16xf32>,
      %parallel_loop3A_1039 = arith.index_cast %parallel_loop3A_966 : i32 to index
      %parallel_loop3A_1040 = arith.constant 16 : index
      %parallel_loop3A_1041 = tpu.vector_load %arg11[%parallel_loop3A_1039, %parallel_loop3A_1040] {strides = array<i32>} : memref<256x64xf32, #tpu.memory_space<vmem>>, vector<16xf32>,
      tpu.vector_store %arg11[%parallel_loop3A_1039, %parallel_loop3A_1040], %parallel_loop3A_1023 {strides = array<i32>} : memref<256x64xf32, #tpu.memory_space<vmem>>, vector<16xf32>,
      %parallel_loop3A_1042 = arith.index_cast %parallel_loop3A_966 : i32 to index
      %parallel_loop3A_1043 = arith.constant 32 : index
      %parallel_loop3A_1044 = tpu.vector_load %arg11[%parallel_loop3A_1042, %parallel_loop3A_1043] {strides = array<i32>} : memref<256x64xf32, #tpu.memory_space<vmem>>, vector<16xf32>,
      tpu.vector_store %arg11[%parallel_loop3A_1042, %parallel_loop3A_1043], %parallel_loop3A_1020 {strides = array<i32>} : memref<256x64xf32, #tpu.memory_space<vmem>>, vector<16xf32>,
      %parallel_loop3A_1045 = arith.index_cast %parallel_loop3A_966 : i32 to index
      %parallel_loop3A_1046 = arith.constant 48 : index
      %parallel_loop3A_1047 = tpu.vector_load %arg11[%parallel_loop3A_1045, %parallel_loop3A_1046] {strides = array<i32>} : memref<256x64xf32, #tpu.memory_space<vmem>>, vector<16xf32>,
      tpu.vector_store %arg11[%parallel_loop3A_1045, %parallel_loop3A_1046], %parallel_loop3A_1023 {strides = array<i32>} : memref<256x64xf32, #tpu.memory_space<vmem>>, vector<16xf32>,
      %parallel_loop3A_1048 = arith.constant 16 : i32
      %parallel_loop3A_1049 = arith.muli %parallel_loop3A_23, %parallel_loop3A_1048 : i32
      %parallel_loop3A_1050 = arith.constant 12 : i32
      %parallel_loop3A_1051 = arith.addi %parallel_loop3A_1049, %parallel_loop3A_1050 : i32
      %parallel_loop3A_1052 = arith.constant 12 : i32
      %parallel_loop3A_1053 = vector.broadcast %parallel_loop3A_1052 : i32 to vector<16xi32>
      %parallel_loop3A_1054 = vector.shape_cast %parallel_loop3A_1053 : vector<16xi32> to vector<16x1xi32>
      %parallel_loop3A_1055 = vector.shape_cast %parallel_loop3A_1054 : vector<16x1xi32> to vector<16xi32>
      %parallel_loop3A_1056 = tpu.dynamic_gather %parallel_loop3A_27[%parallel_loop3A_1055] in [0] : vector<16xi32>, vector<16xi32> -> vector<16xi32>
      %parallel_loop3A_1057 = arith.constant 7 : i32
      %parallel_loop3A_1058 = vector.broadcast %parallel_loop3A_1057 : i32 to vector<16xi32>
      %parallel_loop3A_1059 = arith.shrui %parallel_loop3A_1056, %parallel_loop3A_1058 : vector<16xi32>
      %parallel_loop3A_1060 = arith.constant 6 : i32
      %parallel_loop3A_1061 = vector.broadcast %parallel_loop3A_1060 : i32 to vector<16xi32>
      %parallel_loop3A_1062 = arith.shli %parallel_loop3A_1059, %parallel_loop3A_1061 : vector<16xi32>
      %parallel_loop3A_1063 = arith.addi %parallel_loop3A_1062, %iota3A : vector<16xi32>
      %parallel_loop3A_1064 = arith.constant 127 : i32
      %parallel_loop3A_1065 = vector.broadcast %parallel_loop3A_1064 : i32 to vector<16xi32>
      %parallel_loop3A_1066 = arith.andi %parallel_loop3A_1056, %parallel_loop3A_1065 : vector<16xi32>
      %parallel_loop3A_1067 = arith.constant 6 : i32
      %parallel_loop3A_1068 = vector.broadcast %parallel_loop3A_1067 : i32 to vector<16xi32>
      %parallel_loop3A_1069 = arith.shli %parallel_loop3A_1066, %parallel_loop3A_1068 : vector<16xi32>
      %parallel_loop3A_1070 = arith.addi %parallel_loop3A_1069, %iota3A : vector<16xi32>
      %parallel_loop3A_1071 = tpu.vector_load_idx %arg8[%parallel_loop3A_1063] : memref<4096xf32, #tpu.memory_space<vmem>>[vector<16xi32>], vector<16xf32>,
      %parallel_loop3A_1072 = arith.constant 16 : i32
      %parallel_loop3A_1073 = vector.broadcast %parallel_loop3A_1072 : i32 to vector<16xi32>
      %parallel_loop3A_1074 = arith.addi %parallel_loop3A_1063, %parallel_loop3A_1073 : vector<16xi32>
      %parallel_loop3A_1075 = tpu.vector_load_idx %arg8[%parallel_loop3A_1074] : memref<4096xf32, #tpu.memory_space<vmem>>[vector<16xi32>], vector<16xf32>,
      %parallel_loop3A_1076 = arith.constant 32 : i32
      %parallel_loop3A_1077 = vector.broadcast %parallel_loop3A_1076 : i32 to vector<16xi32>
      %parallel_loop3A_1078 = arith.addi %parallel_loop3A_1063, %parallel_loop3A_1077 : vector<16xi32>
      %parallel_loop3A_1079 = tpu.vector_load_idx %arg8[%parallel_loop3A_1078] : memref<4096xf32, #tpu.memory_space<vmem>>[vector<16xi32>], vector<16xf32>,
      %parallel_loop3A_1080 = arith.constant 48 : i32
      %parallel_loop3A_1081 = vector.broadcast %parallel_loop3A_1080 : i32 to vector<16xi32>
      %parallel_loop3A_1082 = arith.addi %parallel_loop3A_1063, %parallel_loop3A_1081 : vector<16xi32>
      %parallel_loop3A_1083 = tpu.vector_load_idx %arg8[%parallel_loop3A_1082] : memref<4096xf32, #tpu.memory_space<vmem>>[vector<16xi32>], vector<16xf32>,
      %parallel_loop3A_1084 = tpu.vector_load_idx %arg9[%parallel_loop3A_1070] : memref<8192xf32, #tpu.memory_space<vmem>>[vector<16xi32>], vector<16xf32>,
      %parallel_loop3A_1085 = arith.constant 16 : i32
      %parallel_loop3A_1086 = vector.broadcast %parallel_loop3A_1085 : i32 to vector<16xi32>
      %parallel_loop3A_1087 = arith.addi %parallel_loop3A_1070, %parallel_loop3A_1086 : vector<16xi32>
      %parallel_loop3A_1088 = tpu.vector_load_idx %arg9[%parallel_loop3A_1087] : memref<8192xf32, #tpu.memory_space<vmem>>[vector<16xi32>], vector<16xf32>,
      %parallel_loop3A_1089 = arith.constant 32 : i32
      %parallel_loop3A_1090 = vector.broadcast %parallel_loop3A_1089 : i32 to vector<16xi32>
      %parallel_loop3A_1091 = arith.addi %parallel_loop3A_1070, %parallel_loop3A_1090 : vector<16xi32>
      %parallel_loop3A_1092 = tpu.vector_load_idx %arg9[%parallel_loop3A_1091] : memref<8192xf32, #tpu.memory_space<vmem>>[vector<16xi32>], vector<16xf32>,
      %parallel_loop3A_1093 = arith.constant 48 : i32
      %parallel_loop3A_1094 = vector.broadcast %parallel_loop3A_1093 : i32 to vector<16xi32>
      %parallel_loop3A_1095 = arith.addi %parallel_loop3A_1070, %parallel_loop3A_1094 : vector<16xi32>
      %parallel_loop3A_1096 = tpu.vector_load_idx %arg9[%parallel_loop3A_1095] : memref<8192xf32, #tpu.memory_space<vmem>>[vector<16xi32>], vector<16xf32>,
      %parallel_loop3A_1097 = arith.mulf %parallel_loop3A_1071, %parallel_loop3A_1084 : vector<16xf32>
      %parallel_loop3A_1098 = arith.mulf %parallel_loop3A_1079, %parallel_loop3A_1092 : vector<16xf32>
      %parallel_loop3A_1099 = arith.subf %parallel_loop3A_1097, %parallel_loop3A_1098 : vector<16xf32>
      %parallel_loop3A_1100 = arith.mulf %parallel_loop3A_1075, %parallel_loop3A_1088 : vector<16xf32>
      %parallel_loop3A_1101 = arith.mulf %parallel_loop3A_1083, %parallel_loop3A_1096 : vector<16xf32>
      %parallel_loop3A_1102 = arith.subf %parallel_loop3A_1100, %parallel_loop3A_1101 : vector<16xf32>
      %parallel_loop3A_1103 = arith.mulf %parallel_loop3A_1079, %parallel_loop3A_1084 : vector<16xf32>
      %parallel_loop3A_1104 = arith.mulf %parallel_loop3A_1071, %parallel_loop3A_1092 : vector<16xf32>
      %parallel_loop3A_1105 = arith.addf %parallel_loop3A_1103, %parallel_loop3A_1104 : vector<16xf32>
      %parallel_loop3A_1106 = arith.mulf %parallel_loop3A_1083, %parallel_loop3A_1088 : vector<16xf32>
      %parallel_loop3A_1107 = arith.mulf %parallel_loop3A_1075, %parallel_loop3A_1096 : vector<16xf32>
      %parallel_loop3A_1108 = arith.addf %parallel_loop3A_1106, %parallel_loop3A_1107 : vector<16xf32>
      %parallel_loop3A_1109 = arith.index_cast %parallel_loop3A_1051 : i32 to index
      %parallel_loop3A_1110 = arith.constant 0 : index
      %parallel_loop3A_1111 = tpu.vector_load %arg10[%parallel_loop3A_1109, %parallel_loop3A_1110] {strides = array<i32>} : memref<256x64xf32, #tpu.memory_space<vmem>>, vector<16xf32>,
      tpu.vector_store %arg10[%parallel_loop3A_1109, %parallel_loop3A_1110], %parallel_loop3A_1099 {strides = array<i32>} : memref<256x64xf32, #tpu.memory_space<vmem>>, vector<16xf32>,
      %parallel_loop3A_1112 = arith.index_cast %parallel_loop3A_1051 : i32 to index
      %parallel_loop3A_1113 = arith.constant 16 : index
      %parallel_loop3A_1114 = tpu.vector_load %arg10[%parallel_loop3A_1112, %parallel_loop3A_1113] {strides = array<i32>} : memref<256x64xf32, #tpu.memory_space<vmem>>, vector<16xf32>,
      tpu.vector_store %arg10[%parallel_loop3A_1112, %parallel_loop3A_1113], %parallel_loop3A_1102 {strides = array<i32>} : memref<256x64xf32, #tpu.memory_space<vmem>>, vector<16xf32>,
      %parallel_loop3A_1115 = arith.index_cast %parallel_loop3A_1051 : i32 to index
      %parallel_loop3A_1116 = arith.constant 32 : index
      %parallel_loop3A_1117 = tpu.vector_load %arg10[%parallel_loop3A_1115, %parallel_loop3A_1116] {strides = array<i32>} : memref<256x64xf32, #tpu.memory_space<vmem>>, vector<16xf32>,
      tpu.vector_store %arg10[%parallel_loop3A_1115, %parallel_loop3A_1116], %parallel_loop3A_1099 {strides = array<i32>} : memref<256x64xf32, #tpu.memory_space<vmem>>, vector<16xf32>,
      %parallel_loop3A_1118 = arith.index_cast %parallel_loop3A_1051 : i32 to index
      %parallel_loop3A_1119 = arith.constant 48 : index
      %parallel_loop3A_1120 = tpu.vector_load %arg10[%parallel_loop3A_1118, %parallel_loop3A_1119] {strides = array<i32>} : memref<256x64xf32, #tpu.memory_space<vmem>>, vector<16xf32>,
      tpu.vector_store %arg10[%parallel_loop3A_1118, %parallel_loop3A_1119], %parallel_loop3A_1102 {strides = array<i32>} : memref<256x64xf32, #tpu.memory_space<vmem>>, vector<16xf32>,
      %parallel_loop3A_1121 = arith.index_cast %parallel_loop3A_1051 : i32 to index
      %parallel_loop3A_1122 = arith.constant 0 : index
      %parallel_loop3A_1123 = tpu.vector_load %arg11[%parallel_loop3A_1121, %parallel_loop3A_1122] {strides = array<i32>} : memref<256x64xf32, #tpu.memory_space<vmem>>, vector<16xf32>,
      tpu.vector_store %arg11[%parallel_loop3A_1121, %parallel_loop3A_1122], %parallel_loop3A_1105 {strides = array<i32>} : memref<256x64xf32, #tpu.memory_space<vmem>>, vector<16xf32>,
      %parallel_loop3A_1124 = arith.index_cast %parallel_loop3A_1051 : i32 to index
      %parallel_loop3A_1125 = arith.constant 16 : index
      %parallel_loop3A_1126 = tpu.vector_load %arg11[%parallel_loop3A_1124, %parallel_loop3A_1125] {strides = array<i32>} : memref<256x64xf32, #tpu.memory_space<vmem>>, vector<16xf32>,
      tpu.vector_store %arg11[%parallel_loop3A_1124, %parallel_loop3A_1125], %parallel_loop3A_1108 {strides = array<i32>} : memref<256x64xf32, #tpu.memory_space<vmem>>, vector<16xf32>,
      %parallel_loop3A_1127 = arith.index_cast %parallel_loop3A_1051 : i32 to index
      %parallel_loop3A_1128 = arith.constant 32 : index
      %parallel_loop3A_1129 = tpu.vector_load %arg11[%parallel_loop3A_1127, %parallel_loop3A_1128] {strides = array<i32>} : memref<256x64xf32, #tpu.memory_space<vmem>>, vector<16xf32>,
      tpu.vector_store %arg11[%parallel_loop3A_1127, %parallel_loop3A_1128], %parallel_loop3A_1105 {strides = array<i32>} : memref<256x64xf32, #tpu.memory_space<vmem>>, vector<16xf32>,
      %parallel_loop3A_1130 = arith.index_cast %parallel_loop3A_1051 : i32 to index
      %parallel_loop3A_1131 = arith.constant 48 : index
      %parallel_loop3A_1132 = tpu.vector_load %arg11[%parallel_loop3A_1130, %parallel_loop3A_1131] {strides = array<i32>} : memref<256x64xf32, #tpu.memory_space<vmem>>, vector<16xf32>,
      tpu.vector_store %arg11[%parallel_loop3A_1130, %parallel_loop3A_1131], %parallel_loop3A_1108 {strides = array<i32>} : memref<256x64xf32, #tpu.memory_space<vmem>>, vector<16xf32>,
      %parallel_loop3A_1133 = arith.constant 16 : i32
      %parallel_loop3A_1134 = arith.muli %parallel_loop3A_23, %parallel_loop3A_1133 : i32
      %parallel_loop3A_1135 = arith.constant 13 : i32
      %parallel_loop3A_1136 = arith.addi %parallel_loop3A_1134, %parallel_loop3A_1135 : i32
      %parallel_loop3A_1137 = arith.constant 13 : i32
      %parallel_loop3A_1138 = vector.broadcast %parallel_loop3A_1137 : i32 to vector<16xi32>
      %parallel_loop3A_1139 = vector.shape_cast %parallel_loop3A_1138 : vector<16xi32> to vector<16x1xi32>
      %parallel_loop3A_1140 = vector.shape_cast %parallel_loop3A_1139 : vector<16x1xi32> to vector<16xi32>
      %parallel_loop3A_1141 = tpu.dynamic_gather %parallel_loop3A_27[%parallel_loop3A_1140] in [0] : vector<16xi32>, vector<16xi32> -> vector<16xi32>
      %parallel_loop3A_1142 = arith.constant 7 : i32
      %parallel_loop3A_1143 = vector.broadcast %parallel_loop3A_1142 : i32 to vector<16xi32>
      %parallel_loop3A_1144 = arith.shrui %parallel_loop3A_1141, %parallel_loop3A_1143 : vector<16xi32>
      %parallel_loop3A_1145 = arith.constant 6 : i32
      %parallel_loop3A_1146 = vector.broadcast %parallel_loop3A_1145 : i32 to vector<16xi32>
      %parallel_loop3A_1147 = arith.shli %parallel_loop3A_1144, %parallel_loop3A_1146 : vector<16xi32>
      %parallel_loop3A_1148 = arith.addi %parallel_loop3A_1147, %iota3A : vector<16xi32>
      %parallel_loop3A_1149 = arith.constant 127 : i32
      %parallel_loop3A_1150 = vector.broadcast %parallel_loop3A_1149 : i32 to vector<16xi32>
      %parallel_loop3A_1151 = arith.andi %parallel_loop3A_1141, %parallel_loop3A_1150 : vector<16xi32>
      %parallel_loop3A_1152 = arith.constant 6 : i32
      %parallel_loop3A_1153 = vector.broadcast %parallel_loop3A_1152 : i32 to vector<16xi32>
      %parallel_loop3A_1154 = arith.shli %parallel_loop3A_1151, %parallel_loop3A_1153 : vector<16xi32>
      %parallel_loop3A_1155 = arith.addi %parallel_loop3A_1154, %iota3A : vector<16xi32>
      %parallel_loop3A_1156 = tpu.vector_load_idx %arg8[%parallel_loop3A_1148] : memref<4096xf32, #tpu.memory_space<vmem>>[vector<16xi32>], vector<16xf32>,
      %parallel_loop3A_1157 = arith.constant 16 : i32
      %parallel_loop3A_1158 = vector.broadcast %parallel_loop3A_1157 : i32 to vector<16xi32>
      %parallel_loop3A_1159 = arith.addi %parallel_loop3A_1148, %parallel_loop3A_1158 : vector<16xi32>
      %parallel_loop3A_1160 = tpu.vector_load_idx %arg8[%parallel_loop3A_1159] : memref<4096xf32, #tpu.memory_space<vmem>>[vector<16xi32>], vector<16xf32>,
      %parallel_loop3A_1161 = arith.constant 32 : i32
      %parallel_loop3A_1162 = vector.broadcast %parallel_loop3A_1161 : i32 to vector<16xi32>
      %parallel_loop3A_1163 = arith.addi %parallel_loop3A_1148, %parallel_loop3A_1162 : vector<16xi32>
      %parallel_loop3A_1164 = tpu.vector_load_idx %arg8[%parallel_loop3A_1163] : memref<4096xf32, #tpu.memory_space<vmem>>[vector<16xi32>], vector<16xf32>,
      %parallel_loop3A_1165 = arith.constant 48 : i32
      %parallel_loop3A_1166 = vector.broadcast %parallel_loop3A_1165 : i32 to vector<16xi32>
      %parallel_loop3A_1167 = arith.addi %parallel_loop3A_1148, %parallel_loop3A_1166 : vector<16xi32>
      %parallel_loop3A_1168 = tpu.vector_load_idx %arg8[%parallel_loop3A_1167] : memref<4096xf32, #tpu.memory_space<vmem>>[vector<16xi32>], vector<16xf32>,
      %parallel_loop3A_1169 = tpu.vector_load_idx %arg9[%parallel_loop3A_1155] : memref<8192xf32, #tpu.memory_space<vmem>>[vector<16xi32>], vector<16xf32>,
      %parallel_loop3A_1170 = arith.constant 16 : i32
      %parallel_loop3A_1171 = vector.broadcast %parallel_loop3A_1170 : i32 to vector<16xi32>
      %parallel_loop3A_1172 = arith.addi %parallel_loop3A_1155, %parallel_loop3A_1171 : vector<16xi32>
      %parallel_loop3A_1173 = tpu.vector_load_idx %arg9[%parallel_loop3A_1172] : memref<8192xf32, #tpu.memory_space<vmem>>[vector<16xi32>], vector<16xf32>,
      %parallel_loop3A_1174 = arith.constant 32 : i32
      %parallel_loop3A_1175 = vector.broadcast %parallel_loop3A_1174 : i32 to vector<16xi32>
      %parallel_loop3A_1176 = arith.addi %parallel_loop3A_1155, %parallel_loop3A_1175 : vector<16xi32>
      %parallel_loop3A_1177 = tpu.vector_load_idx %arg9[%parallel_loop3A_1176] : memref<8192xf32, #tpu.memory_space<vmem>>[vector<16xi32>], vector<16xf32>,
      %parallel_loop3A_1178 = arith.constant 48 : i32
      %parallel_loop3A_1179 = vector.broadcast %parallel_loop3A_1178 : i32 to vector<16xi32>
      %parallel_loop3A_1180 = arith.addi %parallel_loop3A_1155, %parallel_loop3A_1179 : vector<16xi32>
      %parallel_loop3A_1181 = tpu.vector_load_idx %arg9[%parallel_loop3A_1180] : memref<8192xf32, #tpu.memory_space<vmem>>[vector<16xi32>], vector<16xf32>,
      %parallel_loop3A_1182 = arith.mulf %parallel_loop3A_1156, %parallel_loop3A_1169 : vector<16xf32>
      %parallel_loop3A_1183 = arith.mulf %parallel_loop3A_1164, %parallel_loop3A_1177 : vector<16xf32>
      %parallel_loop3A_1184 = arith.subf %parallel_loop3A_1182, %parallel_loop3A_1183 : vector<16xf32>
      %parallel_loop3A_1185 = arith.mulf %parallel_loop3A_1160, %parallel_loop3A_1173 : vector<16xf32>
      %parallel_loop3A_1186 = arith.mulf %parallel_loop3A_1168, %parallel_loop3A_1181 : vector<16xf32>
      %parallel_loop3A_1187 = arith.subf %parallel_loop3A_1185, %parallel_loop3A_1186 : vector<16xf32>
      %parallel_loop3A_1188 = arith.mulf %parallel_loop3A_1164, %parallel_loop3A_1169 : vector<16xf32>
      %parallel_loop3A_1189 = arith.mulf %parallel_loop3A_1156, %parallel_loop3A_1177 : vector<16xf32>
      %parallel_loop3A_1190 = arith.addf %parallel_loop3A_1188, %parallel_loop3A_1189 : vector<16xf32>
      %parallel_loop3A_1191 = arith.mulf %parallel_loop3A_1168, %parallel_loop3A_1173 : vector<16xf32>
      %parallel_loop3A_1192 = arith.mulf %parallel_loop3A_1160, %parallel_loop3A_1181 : vector<16xf32>
      %parallel_loop3A_1193 = arith.addf %parallel_loop3A_1191, %parallel_loop3A_1192 : vector<16xf32>
      %parallel_loop3A_1194 = arith.index_cast %parallel_loop3A_1136 : i32 to index
      %parallel_loop3A_1195 = arith.constant 0 : index
      %parallel_loop3A_1196 = tpu.vector_load %arg10[%parallel_loop3A_1194, %parallel_loop3A_1195] {strides = array<i32>} : memref<256x64xf32, #tpu.memory_space<vmem>>, vector<16xf32>,
      tpu.vector_store %arg10[%parallel_loop3A_1194, %parallel_loop3A_1195], %parallel_loop3A_1184 {strides = array<i32>} : memref<256x64xf32, #tpu.memory_space<vmem>>, vector<16xf32>,
      %parallel_loop3A_1197 = arith.index_cast %parallel_loop3A_1136 : i32 to index
      %parallel_loop3A_1198 = arith.constant 16 : index
      %parallel_loop3A_1199 = tpu.vector_load %arg10[%parallel_loop3A_1197, %parallel_loop3A_1198] {strides = array<i32>} : memref<256x64xf32, #tpu.memory_space<vmem>>, vector<16xf32>,
      tpu.vector_store %arg10[%parallel_loop3A_1197, %parallel_loop3A_1198], %parallel_loop3A_1187 {strides = array<i32>} : memref<256x64xf32, #tpu.memory_space<vmem>>, vector<16xf32>,
      %parallel_loop3A_1200 = arith.index_cast %parallel_loop3A_1136 : i32 to index
      %parallel_loop3A_1201 = arith.constant 32 : index
      %parallel_loop3A_1202 = tpu.vector_load %arg10[%parallel_loop3A_1200, %parallel_loop3A_1201] {strides = array<i32>} : memref<256x64xf32, #tpu.memory_space<vmem>>, vector<16xf32>,
      tpu.vector_store %arg10[%parallel_loop3A_1200, %parallel_loop3A_1201], %parallel_loop3A_1184 {strides = array<i32>} : memref<256x64xf32, #tpu.memory_space<vmem>>, vector<16xf32>,
      %parallel_loop3A_1203 = arith.index_cast %parallel_loop3A_1136 : i32 to index
      %parallel_loop3A_1204 = arith.constant 48 : index
      %parallel_loop3A_1205 = tpu.vector_load %arg10[%parallel_loop3A_1203, %parallel_loop3A_1204] {strides = array<i32>} : memref<256x64xf32, #tpu.memory_space<vmem>>, vector<16xf32>,
      tpu.vector_store %arg10[%parallel_loop3A_1203, %parallel_loop3A_1204], %parallel_loop3A_1187 {strides = array<i32>} : memref<256x64xf32, #tpu.memory_space<vmem>>, vector<16xf32>,
      %parallel_loop3A_1206 = arith.index_cast %parallel_loop3A_1136 : i32 to index
      %parallel_loop3A_1207 = arith.constant 0 : index
      %parallel_loop3A_1208 = tpu.vector_load %arg11[%parallel_loop3A_1206, %parallel_loop3A_1207] {strides = array<i32>} : memref<256x64xf32, #tpu.memory_space<vmem>>, vector<16xf32>,
      tpu.vector_store %arg11[%parallel_loop3A_1206, %parallel_loop3A_1207], %parallel_loop3A_1190 {strides = array<i32>} : memref<256x64xf32, #tpu.memory_space<vmem>>, vector<16xf32>,
      %parallel_loop3A_1209 = arith.index_cast %parallel_loop3A_1136 : i32 to index
      %parallel_loop3A_1210 = arith.constant 16 : index
      %parallel_loop3A_1211 = tpu.vector_load %arg11[%parallel_loop3A_1209, %parallel_loop3A_1210] {strides = array<i32>} : memref<256x64xf32, #tpu.memory_space<vmem>>, vector<16xf32>,
      tpu.vector_store %arg11[%parallel_loop3A_1209, %parallel_loop3A_1210], %parallel_loop3A_1193 {strides = array<i32>} : memref<256x64xf32, #tpu.memory_space<vmem>>, vector<16xf32>,
      %parallel_loop3A_1212 = arith.index_cast %parallel_loop3A_1136 : i32 to index
      %parallel_loop3A_1213 = arith.constant 32 : index
      %parallel_loop3A_1214 = tpu.vector_load %arg11[%parallel_loop3A_1212, %parallel_loop3A_1213] {strides = array<i32>} : memref<256x64xf32, #tpu.memory_space<vmem>>, vector<16xf32>,
      tpu.vector_store %arg11[%parallel_loop3A_1212, %parallel_loop3A_1213], %parallel_loop3A_1190 {strides = array<i32>} : memref<256x64xf32, #tpu.memory_space<vmem>>, vector<16xf32>,
      %parallel_loop3A_1215 = arith.index_cast %parallel_loop3A_1136 : i32 to index
      %parallel_loop3A_1216 = arith.constant 48 : index
      %parallel_loop3A_1217 = tpu.vector_load %arg11[%parallel_loop3A_1215, %parallel_loop3A_1216] {strides = array<i32>} : memref<256x64xf32, #tpu.memory_space<vmem>>, vector<16xf32>,
      tpu.vector_store %arg11[%parallel_loop3A_1215, %parallel_loop3A_1216], %parallel_loop3A_1193 {strides = array<i32>} : memref<256x64xf32, #tpu.memory_space<vmem>>, vector<16xf32>,
      %parallel_loop3A_1218 = arith.constant 16 : i32
      %parallel_loop3A_1219 = arith.muli %parallel_loop3A_23, %parallel_loop3A_1218 : i32
      %parallel_loop3A_1220 = arith.constant 14 : i32
      %parallel_loop3A_1221 = arith.addi %parallel_loop3A_1219, %parallel_loop3A_1220 : i32
      %parallel_loop3A_1222 = arith.constant 14 : i32
      %parallel_loop3A_1223 = vector.broadcast %parallel_loop3A_1222 : i32 to vector<16xi32>
      %parallel_loop3A_1224 = vector.shape_cast %parallel_loop3A_1223 : vector<16xi32> to vector<16x1xi32>
      %parallel_loop3A_1225 = vector.shape_cast %parallel_loop3A_1224 : vector<16x1xi32> to vector<16xi32>
      %parallel_loop3A_1226 = tpu.dynamic_gather %parallel_loop3A_27[%parallel_loop3A_1225] in [0] : vector<16xi32>, vector<16xi32> -> vector<16xi32>
      %parallel_loop3A_1227 = arith.constant 7 : i32
      %parallel_loop3A_1228 = vector.broadcast %parallel_loop3A_1227 : i32 to vector<16xi32>
      %parallel_loop3A_1229 = arith.shrui %parallel_loop3A_1226, %parallel_loop3A_1228 : vector<16xi32>
      %parallel_loop3A_1230 = arith.constant 6 : i32
      %parallel_loop3A_1231 = vector.broadcast %parallel_loop3A_1230 : i32 to vector<16xi32>
      %parallel_loop3A_1232 = arith.shli %parallel_loop3A_1229, %parallel_loop3A_1231 : vector<16xi32>
      %parallel_loop3A_1233 = arith.addi %parallel_loop3A_1232, %iota3A : vector<16xi32>
      %parallel_loop3A_1234 = arith.constant 127 : i32
      %parallel_loop3A_1235 = vector.broadcast %parallel_loop3A_1234 : i32 to vector<16xi32>
      %parallel_loop3A_1236 = arith.andi %parallel_loop3A_1226, %parallel_loop3A_1235 : vector<16xi32>
      %parallel_loop3A_1237 = arith.constant 6 : i32
      %parallel_loop3A_1238 = vector.broadcast %parallel_loop3A_1237 : i32 to vector<16xi32>
      %parallel_loop3A_1239 = arith.shli %parallel_loop3A_1236, %parallel_loop3A_1238 : vector<16xi32>
      %parallel_loop3A_1240 = arith.addi %parallel_loop3A_1239, %iota3A : vector<16xi32>
      %parallel_loop3A_1241 = tpu.vector_load_idx %arg8[%parallel_loop3A_1233] : memref<4096xf32, #tpu.memory_space<vmem>>[vector<16xi32>], vector<16xf32>,
      %parallel_loop3A_1242 = arith.constant 16 : i32
      %parallel_loop3A_1243 = vector.broadcast %parallel_loop3A_1242 : i32 to vector<16xi32>
      %parallel_loop3A_1244 = arith.addi %parallel_loop3A_1233, %parallel_loop3A_1243 : vector<16xi32>
      %parallel_loop3A_1245 = tpu.vector_load_idx %arg8[%parallel_loop3A_1244] : memref<4096xf32, #tpu.memory_space<vmem>>[vector<16xi32>], vector<16xf32>,
      %parallel_loop3A_1246 = arith.constant 32 : i32
      %parallel_loop3A_1247 = vector.broadcast %parallel_loop3A_1246 : i32 to vector<16xi32>
      %parallel_loop3A_1248 = arith.addi %parallel_loop3A_1233, %parallel_loop3A_1247 : vector<16xi32>
      %parallel_loop3A_1249 = tpu.vector_load_idx %arg8[%parallel_loop3A_1248] : memref<4096xf32, #tpu.memory_space<vmem>>[vector<16xi32>], vector<16xf32>,
      %parallel_loop3A_1250 = arith.constant 48 : i32
      %parallel_loop3A_1251 = vector.broadcast %parallel_loop3A_1250 : i32 to vector<16xi32>
      %parallel_loop3A_1252 = arith.addi %parallel_loop3A_1233, %parallel_loop3A_1251 : vector<16xi32>
      %parallel_loop3A_1253 = tpu.vector_load_idx %arg8[%parallel_loop3A_1252] : memref<4096xf32, #tpu.memory_space<vmem>>[vector<16xi32>], vector<16xf32>,
      %parallel_loop3A_1254 = tpu.vector_load_idx %arg9[%parallel_loop3A_1240] : memref<8192xf32, #tpu.memory_space<vmem>>[vector<16xi32>], vector<16xf32>,
      %parallel_loop3A_1255 = arith.constant 16 : i32
      %parallel_loop3A_1256 = vector.broadcast %parallel_loop3A_1255 : i32 to vector<16xi32>
      %parallel_loop3A_1257 = arith.addi %parallel_loop3A_1240, %parallel_loop3A_1256 : vector<16xi32>
      %parallel_loop3A_1258 = tpu.vector_load_idx %arg9[%parallel_loop3A_1257] : memref<8192xf32, #tpu.memory_space<vmem>>[vector<16xi32>], vector<16xf32>,
      %parallel_loop3A_1259 = arith.constant 32 : i32
      %parallel_loop3A_1260 = vector.broadcast %parallel_loop3A_1259 : i32 to vector<16xi32>
      %parallel_loop3A_1261 = arith.addi %parallel_loop3A_1240, %parallel_loop3A_1260 : vector<16xi32>
      %parallel_loop3A_1262 = tpu.vector_load_idx %arg9[%parallel_loop3A_1261] : memref<8192xf32, #tpu.memory_space<vmem>>[vector<16xi32>], vector<16xf32>,
      %parallel_loop3A_1263 = arith.constant 48 : i32
      %parallel_loop3A_1264 = vector.broadcast %parallel_loop3A_1263 : i32 to vector<16xi32>
      %parallel_loop3A_1265 = arith.addi %parallel_loop3A_1240, %parallel_loop3A_1264 : vector<16xi32>
      %parallel_loop3A_1266 = tpu.vector_load_idx %arg9[%parallel_loop3A_1265] : memref<8192xf32, #tpu.memory_space<vmem>>[vector<16xi32>], vector<16xf32>,
      %parallel_loop3A_1267 = arith.mulf %parallel_loop3A_1241, %parallel_loop3A_1254 : vector<16xf32>
      %parallel_loop3A_1268 = arith.mulf %parallel_loop3A_1249, %parallel_loop3A_1262 : vector<16xf32>
      %parallel_loop3A_1269 = arith.subf %parallel_loop3A_1267, %parallel_loop3A_1268 : vector<16xf32>
      %parallel_loop3A_1270 = arith.mulf %parallel_loop3A_1245, %parallel_loop3A_1258 : vector<16xf32>
      %parallel_loop3A_1271 = arith.mulf %parallel_loop3A_1253, %parallel_loop3A_1266 : vector<16xf32>
      %parallel_loop3A_1272 = arith.subf %parallel_loop3A_1270, %parallel_loop3A_1271 : vector<16xf32>
      %parallel_loop3A_1273 = arith.mulf %parallel_loop3A_1249, %parallel_loop3A_1254 : vector<16xf32>
      %parallel_loop3A_1274 = arith.mulf %parallel_loop3A_1241, %parallel_loop3A_1262 : vector<16xf32>
      %parallel_loop3A_1275 = arith.addf %parallel_loop3A_1273, %parallel_loop3A_1274 : vector<16xf32>
      %parallel_loop3A_1276 = arith.mulf %parallel_loop3A_1253, %parallel_loop3A_1258 : vector<16xf32>
      %parallel_loop3A_1277 = arith.mulf %parallel_loop3A_1245, %parallel_loop3A_1266 : vector<16xf32>
      %parallel_loop3A_1278 = arith.addf %parallel_loop3A_1276, %parallel_loop3A_1277 : vector<16xf32>
      %parallel_loop3A_1279 = arith.index_cast %parallel_loop3A_1221 : i32 to index
      %parallel_loop3A_1280 = arith.constant 0 : index
      %parallel_loop3A_1281 = tpu.vector_load %arg10[%parallel_loop3A_1279, %parallel_loop3A_1280] {strides = array<i32>} : memref<256x64xf32, #tpu.memory_space<vmem>>, vector<16xf32>,
      tpu.vector_store %arg10[%parallel_loop3A_1279, %parallel_loop3A_1280], %parallel_loop3A_1269 {strides = array<i32>} : memref<256x64xf32, #tpu.memory_space<vmem>>, vector<16xf32>,
      %parallel_loop3A_1282 = arith.index_cast %parallel_loop3A_1221 : i32 to index
      %parallel_loop3A_1283 = arith.constant 16 : index
      %parallel_loop3A_1284 = tpu.vector_load %arg10[%parallel_loop3A_1282, %parallel_loop3A_1283] {strides = array<i32>} : memref<256x64xf32, #tpu.memory_space<vmem>>, vector<16xf32>,
      tpu.vector_store %arg10[%parallel_loop3A_1282, %parallel_loop3A_1283], %parallel_loop3A_1272 {strides = array<i32>} : memref<256x64xf32, #tpu.memory_space<vmem>>, vector<16xf32>,
      %parallel_loop3A_1285 = arith.index_cast %parallel_loop3A_1221 : i32 to index
      %parallel_loop3A_1286 = arith.constant 32 : index
      %parallel_loop3A_1287 = tpu.vector_load %arg10[%parallel_loop3A_1285, %parallel_loop3A_1286] {strides = array<i32>} : memref<256x64xf32, #tpu.memory_space<vmem>>, vector<16xf32>,
      tpu.vector_store %arg10[%parallel_loop3A_1285, %parallel_loop3A_1286], %parallel_loop3A_1269 {strides = array<i32>} : memref<256x64xf32, #tpu.memory_space<vmem>>, vector<16xf32>,
      %parallel_loop3A_1288 = arith.index_cast %parallel_loop3A_1221 : i32 to index
      %parallel_loop3A_1289 = arith.constant 48 : index
      %parallel_loop3A_1290 = tpu.vector_load %arg10[%parallel_loop3A_1288, %parallel_loop3A_1289] {strides = array<i32>} : memref<256x64xf32, #tpu.memory_space<vmem>>, vector<16xf32>,
      tpu.vector_store %arg10[%parallel_loop3A_1288, %parallel_loop3A_1289], %parallel_loop3A_1272 {strides = array<i32>} : memref<256x64xf32, #tpu.memory_space<vmem>>, vector<16xf32>,
      %parallel_loop3A_1291 = arith.index_cast %parallel_loop3A_1221 : i32 to index
      %parallel_loop3A_1292 = arith.constant 0 : index
      %parallel_loop3A_1293 = tpu.vector_load %arg11[%parallel_loop3A_1291, %parallel_loop3A_1292] {strides = array<i32>} : memref<256x64xf32, #tpu.memory_space<vmem>>, vector<16xf32>,
      tpu.vector_store %arg11[%parallel_loop3A_1291, %parallel_loop3A_1292], %parallel_loop3A_1275 {strides = array<i32>} : memref<256x64xf32, #tpu.memory_space<vmem>>, vector<16xf32>,
      %parallel_loop3A_1294 = arith.index_cast %parallel_loop3A_1221 : i32 to index
      %parallel_loop3A_1295 = arith.constant 16 : index
      %parallel_loop3A_1296 = tpu.vector_load %arg11[%parallel_loop3A_1294, %parallel_loop3A_1295] {strides = array<i32>} : memref<256x64xf32, #tpu.memory_space<vmem>>, vector<16xf32>,
      tpu.vector_store %arg11[%parallel_loop3A_1294, %parallel_loop3A_1295], %parallel_loop3A_1278 {strides = array<i32>} : memref<256x64xf32, #tpu.memory_space<vmem>>, vector<16xf32>,
      %parallel_loop3A_1297 = arith.index_cast %parallel_loop3A_1221 : i32 to index
      %parallel_loop3A_1298 = arith.constant 32 : index
      %parallel_loop3A_1299 = tpu.vector_load %arg11[%parallel_loop3A_1297, %parallel_loop3A_1298] {strides = array<i32>} : memref<256x64xf32, #tpu.memory_space<vmem>>, vector<16xf32>,
      tpu.vector_store %arg11[%parallel_loop3A_1297, %parallel_loop3A_1298], %parallel_loop3A_1275 {strides = array<i32>} : memref<256x64xf32, #tpu.memory_space<vmem>>, vector<16xf32>,
      %parallel_loop3A_1300 = arith.index_cast %parallel_loop3A_1221 : i32 to index
      %parallel_loop3A_1301 = arith.constant 48 : index
      %parallel_loop3A_1302 = tpu.vector_load %arg11[%parallel_loop3A_1300, %parallel_loop3A_1301] {strides = array<i32>} : memref<256x64xf32, #tpu.memory_space<vmem>>, vector<16xf32>,
      tpu.vector_store %arg11[%parallel_loop3A_1300, %parallel_loop3A_1301], %parallel_loop3A_1278 {strides = array<i32>} : memref<256x64xf32, #tpu.memory_space<vmem>>, vector<16xf32>,
      %parallel_loop3A_1303 = arith.constant 16 : i32
      %parallel_loop3A_1304 = arith.muli %parallel_loop3A_23, %parallel_loop3A_1303 : i32
      %parallel_loop3A_1305 = arith.constant 15 : i32
      %parallel_loop3A_1306 = arith.addi %parallel_loop3A_1304, %parallel_loop3A_1305 : i32
      %parallel_loop3A_1307 = arith.constant 15 : i32
      %parallel_loop3A_1308 = vector.broadcast %parallel_loop3A_1307 : i32 to vector<16xi32>
      %parallel_loop3A_1309 = vector.shape_cast %parallel_loop3A_1308 : vector<16xi32> to vector<16x1xi32>
      %parallel_loop3A_1310 = vector.shape_cast %parallel_loop3A_1309 : vector<16x1xi32> to vector<16xi32>
      %parallel_loop3A_1311 = tpu.dynamic_gather %parallel_loop3A_27[%parallel_loop3A_1310] in [0] : vector<16xi32>, vector<16xi32> -> vector<16xi32>
      %parallel_loop3A_1312 = arith.constant 7 : i32
      %parallel_loop3A_1313 = vector.broadcast %parallel_loop3A_1312 : i32 to vector<16xi32>
      %parallel_loop3A_1314 = arith.shrui %parallel_loop3A_1311, %parallel_loop3A_1313 : vector<16xi32>
      %parallel_loop3A_1315 = arith.constant 6 : i32
      %parallel_loop3A_1316 = vector.broadcast %parallel_loop3A_1315 : i32 to vector<16xi32>
      %parallel_loop3A_1317 = arith.shli %parallel_loop3A_1314, %parallel_loop3A_1316 : vector<16xi32>
      %parallel_loop3A_1318 = arith.addi %parallel_loop3A_1317, %iota3A : vector<16xi32>
      %parallel_loop3A_1319 = arith.constant 127 : i32
      %parallel_loop3A_1320 = vector.broadcast %parallel_loop3A_1319 : i32 to vector<16xi32>
      %parallel_loop3A_1321 = arith.andi %parallel_loop3A_1311, %parallel_loop3A_1320 : vector<16xi32>
      %parallel_loop3A_1322 = arith.constant 6 : i32
      %parallel_loop3A_1323 = vector.broadcast %parallel_loop3A_1322 : i32 to vector<16xi32>
      %parallel_loop3A_1324 = arith.shli %parallel_loop3A_1321, %parallel_loop3A_1323 : vector<16xi32>
      %parallel_loop3A_1325 = arith.addi %parallel_loop3A_1324, %iota3A : vector<16xi32>
      %parallel_loop3A_1326 = tpu.vector_load_idx %arg8[%parallel_loop3A_1318] : memref<4096xf32, #tpu.memory_space<vmem>>[vector<16xi32>], vector<16xf32>,
      %parallel_loop3A_1327 = arith.constant 16 : i32
      %parallel_loop3A_1328 = vector.broadcast %parallel_loop3A_1327 : i32 to vector<16xi32>
      %parallel_loop3A_1329 = arith.addi %parallel_loop3A_1318, %parallel_loop3A_1328 : vector<16xi32>
      %parallel_loop3A_1330 = tpu.vector_load_idx %arg8[%parallel_loop3A_1329] : memref<4096xf32, #tpu.memory_space<vmem>>[vector<16xi32>], vector<16xf32>,
      %parallel_loop3A_1331 = arith.constant 32 : i32
      %parallel_loop3A_1332 = vector.broadcast %parallel_loop3A_1331 : i32 to vector<16xi32>
      %parallel_loop3A_1333 = arith.addi %parallel_loop3A_1318, %parallel_loop3A_1332 : vector<16xi32>
      %parallel_loop3A_1334 = tpu.vector_load_idx %arg8[%parallel_loop3A_1333] : memref<4096xf32, #tpu.memory_space<vmem>>[vector<16xi32>], vector<16xf32>,
      %parallel_loop3A_1335 = arith.constant 48 : i32
      %parallel_loop3A_1336 = vector.broadcast %parallel_loop3A_1335 : i32 to vector<16xi32>
      %parallel_loop3A_1337 = arith.addi %parallel_loop3A_1318, %parallel_loop3A_1336 : vector<16xi32>
      %parallel_loop3A_1338 = tpu.vector_load_idx %arg8[%parallel_loop3A_1337] : memref<4096xf32, #tpu.memory_space<vmem>>[vector<16xi32>], vector<16xf32>,
      %parallel_loop3A_1339 = tpu.vector_load_idx %arg9[%parallel_loop3A_1325] : memref<8192xf32, #tpu.memory_space<vmem>>[vector<16xi32>], vector<16xf32>,
      %parallel_loop3A_1340 = arith.constant 16 : i32
      %parallel_loop3A_1341 = vector.broadcast %parallel_loop3A_1340 : i32 to vector<16xi32>
      %parallel_loop3A_1342 = arith.addi %parallel_loop3A_1325, %parallel_loop3A_1341 : vector<16xi32>
      %parallel_loop3A_1343 = tpu.vector_load_idx %arg9[%parallel_loop3A_1342] : memref<8192xf32, #tpu.memory_space<vmem>>[vector<16xi32>], vector<16xf32>,
      %parallel_loop3A_1344 = arith.constant 32 : i32
      %parallel_loop3A_1345 = vector.broadcast %parallel_loop3A_1344 : i32 to vector<16xi32>
      %parallel_loop3A_1346 = arith.addi %parallel_loop3A_1325, %parallel_loop3A_1345 : vector<16xi32>
      %parallel_loop3A_1347 = tpu.vector_load_idx %arg9[%parallel_loop3A_1346] : memref<8192xf32, #tpu.memory_space<vmem>>[vector<16xi32>], vector<16xf32>,
      %parallel_loop3A_1348 = arith.constant 48 : i32
      %parallel_loop3A_1349 = vector.broadcast %parallel_loop3A_1348 : i32 to vector<16xi32>
      %parallel_loop3A_1350 = arith.addi %parallel_loop3A_1325, %parallel_loop3A_1349 : vector<16xi32>
      %parallel_loop3A_1351 = tpu.vector_load_idx %arg9[%parallel_loop3A_1350] : memref<8192xf32, #tpu.memory_space<vmem>>[vector<16xi32>], vector<16xf32>,
      %parallel_loop3A_1352 = arith.mulf %parallel_loop3A_1326, %parallel_loop3A_1339 : vector<16xf32>
      %parallel_loop3A_1353 = arith.mulf %parallel_loop3A_1334, %parallel_loop3A_1347 : vector<16xf32>
      %parallel_loop3A_1354 = arith.subf %parallel_loop3A_1352, %parallel_loop3A_1353 : vector<16xf32>
      %parallel_loop3A_1355 = arith.mulf %parallel_loop3A_1330, %parallel_loop3A_1343 : vector<16xf32>
      %parallel_loop3A_1356 = arith.mulf %parallel_loop3A_1338, %parallel_loop3A_1351 : vector<16xf32>
      %parallel_loop3A_1357 = arith.subf %parallel_loop3A_1355, %parallel_loop3A_1356 : vector<16xf32>
      %parallel_loop3A_1358 = arith.mulf %parallel_loop3A_1334, %parallel_loop3A_1339 : vector<16xf32>
      %parallel_loop3A_1359 = arith.mulf %parallel_loop3A_1326, %parallel_loop3A_1347 : vector<16xf32>
      %parallel_loop3A_1360 = arith.addf %parallel_loop3A_1358, %parallel_loop3A_1359 : vector<16xf32>
      %parallel_loop3A_1361 = arith.mulf %parallel_loop3A_1338, %parallel_loop3A_1343 : vector<16xf32>
      %parallel_loop3A_1362 = arith.mulf %parallel_loop3A_1330, %parallel_loop3A_1351 : vector<16xf32>
      %parallel_loop3A_1363 = arith.addf %parallel_loop3A_1361, %parallel_loop3A_1362 : vector<16xf32>
      %parallel_loop3A_1364 = arith.index_cast %parallel_loop3A_1306 : i32 to index
      %parallel_loop3A_1365 = arith.constant 0 : index
      %parallel_loop3A_1366 = tpu.vector_load %arg10[%parallel_loop3A_1364, %parallel_loop3A_1365] {strides = array<i32>} : memref<256x64xf32, #tpu.memory_space<vmem>>, vector<16xf32>,
      tpu.vector_store %arg10[%parallel_loop3A_1364, %parallel_loop3A_1365], %parallel_loop3A_1354 {strides = array<i32>} : memref<256x64xf32, #tpu.memory_space<vmem>>, vector<16xf32>,
      %parallel_loop3A_1367 = arith.index_cast %parallel_loop3A_1306 : i32 to index
      %parallel_loop3A_1368 = arith.constant 16 : index
      %parallel_loop3A_1369 = tpu.vector_load %arg10[%parallel_loop3A_1367, %parallel_loop3A_1368] {strides = array<i32>} : memref<256x64xf32, #tpu.memory_space<vmem>>, vector<16xf32>,
      tpu.vector_store %arg10[%parallel_loop3A_1367, %parallel_loop3A_1368], %parallel_loop3A_1357 {strides = array<i32>} : memref<256x64xf32, #tpu.memory_space<vmem>>, vector<16xf32>,
      %parallel_loop3A_1370 = arith.index_cast %parallel_loop3A_1306 : i32 to index
      %parallel_loop3A_1371 = arith.constant 32 : index
      %parallel_loop3A_1372 = tpu.vector_load %arg10[%parallel_loop3A_1370, %parallel_loop3A_1371] {strides = array<i32>} : memref<256x64xf32, #tpu.memory_space<vmem>>, vector<16xf32>,
      tpu.vector_store %arg10[%parallel_loop3A_1370, %parallel_loop3A_1371], %parallel_loop3A_1354 {strides = array<i32>} : memref<256x64xf32, #tpu.memory_space<vmem>>, vector<16xf32>,
      %parallel_loop3A_1373 = arith.index_cast %parallel_loop3A_1306 : i32 to index
      %parallel_loop3A_1374 = arith.constant 48 : index
      %parallel_loop3A_1375 = tpu.vector_load %arg10[%parallel_loop3A_1373, %parallel_loop3A_1374] {strides = array<i32>} : memref<256x64xf32, #tpu.memory_space<vmem>>, vector<16xf32>,
      tpu.vector_store %arg10[%parallel_loop3A_1373, %parallel_loop3A_1374], %parallel_loop3A_1357 {strides = array<i32>} : memref<256x64xf32, #tpu.memory_space<vmem>>, vector<16xf32>,
      %parallel_loop3A_1376 = arith.index_cast %parallel_loop3A_1306 : i32 to index
      %parallel_loop3A_1377 = arith.constant 0 : index
      %parallel_loop3A_1378 = tpu.vector_load %arg11[%parallel_loop3A_1376, %parallel_loop3A_1377] {strides = array<i32>} : memref<256x64xf32, #tpu.memory_space<vmem>>, vector<16xf32>,
      tpu.vector_store %arg11[%parallel_loop3A_1376, %parallel_loop3A_1377], %parallel_loop3A_1360 {strides = array<i32>} : memref<256x64xf32, #tpu.memory_space<vmem>>, vector<16xf32>,
      %parallel_loop3A_1379 = arith.index_cast %parallel_loop3A_1306 : i32 to index
      %parallel_loop3A_1380 = arith.constant 16 : index
      %parallel_loop3A_1381 = tpu.vector_load %arg11[%parallel_loop3A_1379, %parallel_loop3A_1380] {strides = array<i32>} : memref<256x64xf32, #tpu.memory_space<vmem>>, vector<16xf32>,
      tpu.vector_store %arg11[%parallel_loop3A_1379, %parallel_loop3A_1380], %parallel_loop3A_1363 {strides = array<i32>} : memref<256x64xf32, #tpu.memory_space<vmem>>, vector<16xf32>,
      %parallel_loop3A_1382 = arith.index_cast %parallel_loop3A_1306 : i32 to index
      %parallel_loop3A_1383 = arith.constant 32 : index
      %parallel_loop3A_1384 = tpu.vector_load %arg11[%parallel_loop3A_1382, %parallel_loop3A_1383] {strides = array<i32>} : memref<256x64xf32, #tpu.memory_space<vmem>>, vector<16xf32>,
      tpu.vector_store %arg11[%parallel_loop3A_1382, %parallel_loop3A_1383], %parallel_loop3A_1360 {strides = array<i32>} : memref<256x64xf32, #tpu.memory_space<vmem>>, vector<16xf32>,
      %parallel_loop3A_1385 = arith.index_cast %parallel_loop3A_1306 : i32 to index
      %parallel_loop3A_1386 = arith.constant 48 : index
      %parallel_loop3A_1387 = tpu.vector_load %arg11[%parallel_loop3A_1385, %parallel_loop3A_1386] {strides = array<i32>} : memref<256x64xf32, #tpu.memory_space<vmem>>, vector<16xf32>,
      tpu.vector_store %arg11[%parallel_loop3A_1385, %parallel_loop3A_1386], %parallel_loop3A_1363 {strides = array<i32>} : memref<256x64xf32, #tpu.memory_space<vmem>>, vector<16xf32>,
    } {sc.loop_unroll_factor = 2 : i64, sc.parallel_access}
    %dma_start3A_7 = arith.constant 0 : i32
    %dma_start3A_8 = tpu.memref_slice %arg5[%mul3A_2, %dma_start3A_7] : memref<8192x64xf32, #tpu.memory_space<hbm>> -> memref<256x64xf32, #tpu.memory_space<hbm>>
    %dma_start3A_9 = arith.constant 0 : i32
    %dma_start3A_10 = tpu.memref_slice %arg5[%mul3A_2, %dma_start3A_9] : memref<8192x64xf32, #tpu.memory_space<hbm>> -> memref<256x64xf32, #tpu.memory_space<hbm>>
    tpu.enqueue_dma source(%arg10 : memref<256x64xf32, #tpu.memory_space<vmem>>) target(%dma_start3A_10 : memref<256x64xf32, #tpu.memory_space<hbm>>) target_semaphore(%arg12 : memref<!tpu.dma_semaphore, #tpu.memory_space<semaphore_mem>>)
    %dma_start3A_11 = arith.constant 0 : i32
    %dma_start3A_12 = tpu.memref_slice %arg6[%mul3A_2, %dma_start3A_11] : memref<8192x64xf32, #tpu.memory_space<hbm>> -> memref<256x64xf32, #tpu.memory_space<hbm>>
    %dma_start3A_13 = arith.constant 0 : i32
    %dma_start3A_14 = tpu.memref_slice %arg6[%mul3A_2, %dma_start3A_13] : memref<8192x64xf32, #tpu.memory_space<hbm>> -> memref<256x64xf32, #tpu.memory_space<hbm>>
    tpu.enqueue_dma source(%arg11 : memref<256x64xf32, #tpu.memory_space<vmem>>) target(%dma_start3A_14 : memref<256x64xf32, #tpu.memory_space<hbm>>) target_semaphore(%arg13 : memref<!tpu.dma_semaphore, #tpu.memory_space<semaphore_mem>>)
    %dma_wait3A_15 = arith.constant 0 : i32
    %dma_wait3A_16 = tpu.memref_slice %arg5[%mul3A_2, %dma_wait3A_15] : memref<8192x64xf32, #tpu.memory_space<hbm>> -> memref<256x64xf32, #tpu.memory_space<hbm>>
    %dma_wait3A_17 = arith.constant 0 : i32
    %dma_wait3A_18 = tpu.memref_slice %arg5[%mul3A_2, %dma_wait3A_17] : memref<8192x64xf32, #tpu.memory_space<hbm>> -> memref<256x64xf32, #tpu.memory_space<hbm>>
    tpu.wait_dma2 semaphore(%arg12 : memref<!tpu.dma_semaphore, #tpu.memory_space<semaphore_mem>>) src(%arg10 : memref<256x64xf32, #tpu.memory_space<vmem>>) dst(%dma_wait3A_18 : memref<256x64xf32, #tpu.memory_space<hbm>>)
    %dma_wait3A_19 = arith.constant 0 : i32
    %dma_wait3A_20 = tpu.memref_slice %arg6[%mul3A_2, %dma_wait3A_19] : memref<8192x64xf32, #tpu.memory_space<hbm>> -> memref<256x64xf32, #tpu.memory_space<hbm>>
    %dma_wait3A_21 = arith.constant 0 : i32
    %dma_wait3A_22 = tpu.memref_slice %arg6[%mul3A_2, %dma_wait3A_21] : memref<8192x64xf32, #tpu.memory_space<hbm>> -> memref<256x64xf32, #tpu.memory_space<hbm>>
    tpu.wait_dma2 semaphore(%arg13 : memref<!tpu.dma_semaphore, #tpu.memory_space<semaphore_mem>>) src(%arg11 : memref<256x64xf32, #tpu.memory_space<vmem>>) dst(%dma_wait3A_22 : memref<256x64xf32, #tpu.memory_space<hbm>>)
    return
  }
}

</mosaic_0001>

<sc_bundles>
// kernel: kernel.3.cloned.1.call-start
scs
__scs_entry_jumppad:
0x0: {  	(pc) =	sbr.rel $0x88, $3  }
0x1: {  	(tag) =	ssettag $0x0;
	lr =	simm.s32 $0x1  }
0x2: {  	[smem:$0x3FA0] =	sst lr;
	_ =	strace $0xD0000000  }
0x3: {  	_ = 	snop  }
0x4: {  	_ = 	snop  }
0x5: {  	_ = 	snop  }
0x6: {  	_ = 	snop  }
0x7: {  	_ = 	snop  }
__scs_overlays_trampoline_lowered:
0x8: {  	[smem:$0x3FAF] =	sst s0  }
0x9: {  	[smem:$0x3FB0] =	sst s1  }
0xa: {  	[smem:$0x3FB1] =	sst s2  }
0xb: {  	[smem:$0x3FB2] =	sst s3  }
0xc: {  	[smem:$0x3FB3] =	sst s4  }
0xd: {  	[smem:$0x3FB4] =	sst s5  }
0xe: {  	[smem:$0x3FB5] =	sst s6  }
0xf: {  	[smem:$0x3FB6] =	sst s7  }
0x10: {  	[smem:$0x3FB7] =	sst s8  }
0x11: {  	[smem:$0x3FB8] =	sst s9;
	s0 =	simm.s32 @!p0 $0x0  }
0x12: {  	s1 =	sld [smem:$0x3F9E];
	s0 =	simm.s32 @p0 $0x1  }
0x13: {  	[smem:$0x3FB9] =	sst s0;
	s0 =	simm.s32 @!p1 $0x0  }
0x14: {  	s2 =	sld [smem:$0x3F9D];
	s0 =	simm.s32 @p1 $0x1  }
0x15: {  	[smem:$0x3FBA] =	sst s0;
	s0 =	simm.s32 @!p2 $0x0  }
0x16: {  	s3 =	sld [smem:$0x3FDB];
	s0 =	simm.s32 @p2 $0x1  }
0x17: {  	s4 =	simm.s32 $0x1BF5;
	[smem:$0x3FBC] =	sst s0  }
0x18: {  	s0 =	sld [smem:$0x3F9F];
	_ =	swait.ge [sflag:s4], $0x0  }
0x19: {  	s7 =	sld [smem:$0x3FA0]  }
0x1a: {  	s8 =	sadd.s32 $0xFFFFE003, lr  }
0x1b: {  	s9 =	sadd.s32 $0xFFFFFEF7, lr;
	s5 =	simm.s32 $0xFFFFFFFF;
	p2 =	slt.u32 s8, $0xFFFFF086  }
0x1c: {  	p1 =	slt.u32 s9, $0xF7A;
	s5 =	simm.s32 @!p2 $0x0  }
0x1d: {  	s5 =	simm.s32 @p1 $0x1;
	p0 =	seq.s32 s7, s2  }
0x1e: {  	s7 =	smul.u32 @!p0 $0xF7A, s2;
	p2 =	seq.s32 @!p0 s5, $0x0  }
0x1f: {  	s9 =	smul.u32 $0xF7A, s1;
	s8 =	simm.s32 @!p0 $0x1BF5;
	p2 =	por !p2, p0  }
0x20: {  	[sflag:s8] =	ssyncset.s32 @!p0 $0xFFFFF086;
	s6 =	sadd.s32 @!p0 s3, s7;
	s7 =	simm.s32 @!p0 $0x108  }
0x21: {  	s3 =	sadd.s32 s3, s9;
	s6 =	sadd.s32 @!p0 $0x88, s6;
	s7 =	simm.s32 @p2 $0x1082  }
0x22: {  	[simem:s7], [sflag:s8] =	dma.local @!p0 [hbm:s6], $0xF7A  }
0x23: {  	s9 =	sor.u32 $0xD0000000, s2;
	s6 =	simm.s32 $0x108;
	_ =	swait.ge @!p0 [sflag:s8], $0x0  }
0x24: {  	s3 =	sadd.s32 $0x88, s3;
	s6 =	simm.s32 @!p1 $0x1082;
	[sflag:s4] =	ssyncset.s32 $0xFFFFF086  }
0x25: {  	[simem:s6], [sflag:s4] =	dma.local [hbm:s3], $0xF7A  }
0x26: {  	[smem:$0x3FA0] =	sst s1;
	(tag) =	ssettag s2;
	_ =	strace s9  }
0x27: {  	s1 =	sld [smem:$0x3FB0]  }
0x28: {  	s2 =	sld [smem:$0x3FB1]  }
0x29: {  	s4 =	sld [smem:$0x3FB3]  }
0x2a: {  	p0 =	seq.s32 s5, $0x0;
	s5 =	sld [smem:$0x3FB4]  }
0x2b: {  	s6 =	sld [smem:$0x3FB5]  }
0x2c: {  	s7 =	sld [smem:$0x3FB6]  }
0x2d: {  	s3 =	simm.s32 $0x108;
	s8 =	sld [smem:$0x3FB7]  }
0x2e: {  	s3 =	simm.s32 @!p0 $0x1082;
	s9 =	sld [smem:$0x3FB8]  }
0x2f: {  	lr =	sadd.s32 s0, s3;
	s0 =	sld [smem:$0x3FAF]  }
0x30: {  	s3 =	sld [smem:$0x3FB2]  }
0x31: {  	[smem:$0x3FBB] =	sst s10  }
0x32: {  	s10 =	sld [smem:$0x3FB9];
	_ =	sdelay $0x3  }
0x33: {  	p0 =	seq.s32 s10, $0x1;
	s10 =	sld [smem:$0x3FBB];
	_ =	sdelay $0x3  }
0x34: {  	[smem:$0x3FBB] =	sst s10  }
0x35: {  	s10 =	sld [smem:$0x3FBA];
	_ =	sdelay $0x3  }
0x36: {  	p1 =	seq.s32 s10, $0x1;
	s10 =	sld [smem:$0x3FBB];
	_ =	sdelay $0x3  }
0x37: {  	[smem:$0x3FBB] =	sst s10  }
0x38: {  	s10 =	sld [smem:$0x3FBC]  }
0x39: {  	_ = 	snop;
	(pc) =	sbr.ind lr, $3  }
0x3a: {  	_ = 	snop  }
0x3b: {  	_ = 	snop  }
0x3c: {  	p2 =	seq.s32 s10, $0x1;
	s10 =	sld [smem:$0x3FBB]  }
0x3d: {  	_ =	shalt  }
0x3e: {  	_ =	shalt  }
0x3f: {  	_ =	shalt  }
0x40: {  	_ =	shalt  }
0x41: {  	_ =	shalt  }
0x42: {  	_ =	shalt  }
0x43: {  	_ =	shalt  }
0x44: {  	_ =	shalt  }
0x45: {  	_ =	shalt  }
0x46: {  	_ =	shalt  }
0x47: {  	_ =	shalt  }
0x48: {  	_ =	shalt  }
0x49: {  	_ =	shalt  }
0x4a: {  	_ =	shalt  }
0x4b: {  	_ =	shalt  }
0x4c: {  	_ =	shalt  }
0x4d: {  	_ =	shalt  }
0x4e: {  	_ =	shalt  }
0x4f: {  	_ =	shalt  }
0x50: {  	_ =	shalt  }
0x51: {  	_ =	shalt  }
0x52: {  	_ =	shalt  }
0x53: {  	_ =	shalt  }
0x54: {  	_ =	shalt  }
0x55: {  	_ =	shalt  }
0x56: {  	_ =	shalt  }
0x57: {  	_ =	shalt  }
0x58: {  	_ =	shalt  }
0x59: {  	_ =	shalt  }
0x5a: {  	_ =	shalt  }
0x5b: {  	_ =	shalt  }
0x5c: {  	_ =	shalt  }
0x5d: {  	_ =	shalt  }
0x5e: {  	_ =	shalt  }
0x5f: {  	_ =	shalt  }
0x60: {  	_ =	shalt  }
0x61: {  	_ =	shalt  }
0x62: {  	_ =	shalt  }
0x63: {  	_ =	shalt  }
0x64: {  	_ =	shalt  }
0x65: {  	_ =	shalt  }
0x66: {  	_ =	shalt  }
0x67: {  	_ =	shalt  }
0x68: {  	_ =	shalt  }
0x69: {  	_ =	shalt  }
0x6a: {  	_ =	shalt  }
0x6b: {  	_ =	shalt  }
0x6c: {  	_ =	shalt  }
0x6d: {  	_ =	shalt  }
0x6e: {  	_ =	shalt  }
0x6f: {  	_ =	shalt  }
0x70: {  	_ =	shalt  }
0x71: {  	_ =	shalt  }
0x72: {  	_ =	shalt  }
0x73: {  	_ =	shalt  }
0x74: {  	_ =	shalt  }
0x75: {  	_ =	shalt  }
0x76: {  	_ =	shalt  }
0x77: {  	_ =	shalt  }
0x78: {  	_ =	shalt  }
0x79: {  	_ =	shalt  }
0x7a: {  	_ =	shalt  }
0x7b: {  	_ =	shalt  }
0x7c: {  	_ =	shalt  }
0x7d: {  	_ =	shalt  }
0x7e: {  	_ =	shalt  }
0x7f: {  	_ =	shalt  }
0x80: {  	_ =	shalt  }
0x81: {  	_ =	shalt  }
0x82: {  	_ =	shalt  }
0x83: {  	_ =	shalt  }
0x84: {  	_ =	shalt  }
0x85: {  	_ =	shalt  }
0x86: {  	_ =	shalt  }
0x87: {  	_ =	shalt  }
.Lfunc_end0:
.L_simem_size_0:
called_computation_lowered:
.L_overlay_start_0:
0x88: {  	s2 =	sld [smem:$0x3FD9]  }
0x89: {  	s3 =	sld [smem:$0x3FFE];
	_ =	sdelay $0x1  }
0x8a: {  	s1 =	srdreg.scid  }
0x8b: {  	s0 =	sand.u32 $0x1, s1  }
0x8c: {  	s14 =	sshll.u32 s0, $0xA;
	s2 =	sadd.s32 s3, s2  }
0x8d: {  	s2 =	sadd.s32 s2, s14  }
0x8e: {  	[smem:$0x3FC7] =	sst s2  }
0x8f: {  	_ = 	snop  }
0x90: {  	s2 =	sld [smem:$0x3FD0];
	_ =	sdelay $0x2  }
0x91: {  	s4 =	simm.s32 $0xA;
	s5 =	simm.s32 $0x10;
	s15 =	sld [smem:$0x3FC9]  }
0x92: {  	[smem:s5], [sflag:s4] =	dma.local [hbm:s2], $0x1  }
0x93: {  	_ =	swait.eq [sflag:s4], $0x1  }
0x94: {  	[sflag:s4] =	ssyncset.done $0x0  }
0x95: {  	s16 =	sld [smem:$0x10];
	[sflag:s4] =	ssyncadd.s32 $0xFFFFFFFF  }
0x96: {  	s17 =	sld [smem:$0x11];
	(tm) =	ssettm $0x1  }
0x97: {  	s18 =	sld [smem:$0x3FFB];
	_ =	sdelay $0x3  }
0x98: {  	_ =	strace s18  }
0x99: {  	s5 =	sld [smem:$0x3FFC];
	_ =	sdelay $0x3  }
0x9a: {  	_ =	strace s5  }
0x9b: {  	s5 =	sld [smem:$0x3FFD];
	_ =	sdelay $0x3  }
0x9c: {  	_ =	strace s5  }
0x9d: {  	_ =	strace $0x8FFFFFFF  }
0x9e: {  	s19 =	sld [smem:$0x3FDB];
	_ =	sdelay $0x1  }
0x9f: {  	s6 =	simm.s32 $_scs_section_size  }
0xa0: {  	s7 =	simm.s32 $_size__tile_overlayer_lowered;
	s8 =	simm.s32 $_tile_overlayer_lowered  }
0xa1: {  	s22 =	simm.s32 $0x1BFF;
	s21 =	sshll.u32 s8, $0x1;
	s5 =	sadd.s32 s6, s19  }
0xa2: {  	s9 =	simm.s32 $0x0;
	s20 =	sshll.u32 s7, $0x1;
	s7 =	sadd.s32 s21, s5  }
0xa3: {  	[timem:s9], [sflag:s22] =	dma.local [hbm:s7], s20  }
0xa4: {  	_ =	swait.ge [sflag:s22], s20  }
0xa5: {  	s6 =	ssub.s32 $0x0, s20;
	[sflag:s22] =	ssyncset.done $0x0  }
0xa6: {  	[sflag:s22] =	ssyncadd.s32 s6;
	_ =	sdelay $0x1  }
0xa7: {  	s23 =	simm.s32 $0x1B8B  }
0xa8: {  	_ =	swait.ge [sflag:s23], $0x1  }
0xa9: {  	[sflag:s23] =	ssyncset.done $0x0  }
0xaa: {  	s25 =	simm.s32 $0x1B8E;
	s24 =	sld [smem:$0x3FFE];
	[sflag:s23] =	ssyncadd.s32 $0xFFFFFFFF  }
0xab: {  	s26 =	simm.s32 $execute0_lowered;
	[smem:$0x3FD2] =	sst s25  }
0xac: {  	s7 =	sshll.u32 s26, $0x1;
	_ =	strace $0x80000046;
	[dreg:$0x1] =	wrdreg $0xFFFFFFFF  }
0xad: {  	s28 =	simm.s32 $_size_execute0_lowered;
	s5 =	sadd.s32 s5, s7;
	[dreg:$0x0] =	wrdreg $0x0  }
0xae: {  	s7 =	sshll.u32 s28, $0x1;
	[dreg:$0x2] =	wrdreg s5  }
0xaf: {  	[dreg:$0x3] =	wrdreg s7  }
0xb0: {  	[dreg:$0x4] =	wrdreg $0xC0  }
0xb1: {  	_ =	task [dreg:s9], $0x5FFFF  }
0xb2: {  	[dreg:$0x1] =	wrdreg $0xFFFFFFFF  }
0xb3: {  	[dreg:$0x0] =	wrdreg $0x60  }
0xb4: {  	[dreg:$0x2] =	wrdreg s24  }
0xb5: {  	[dreg:$0x3] =	wrdreg s15  }
0xb6: {  	[dreg:$0x4] =	wrdreg s16  }
0xb7: {  	[dreg:$0x5] =	wrdreg s17  }
0xb8: {  	[dreg:$0x6] =	wrdreg $0x9  }
0xb9: {  	_ =	task.clear_ibuf [dreg:s9], $0x7FFFF;
	_ =	strace $0x90000046  }
0xba: {  	s29 =	simm.s32 $0x9;
	_ =	strace $0x80000048  }
0xbb: {  	_ =	swait.ge [sflag:s29], $0x1  }
0xbc: {  	[sflag:s29] =	ssyncadd.s32 $0xFFFFFFFF  }
0xbd: {  	_ =	strace $0x90000048  }
0xbe: {  	_ =	sfence  }
0xbf: {  	s30 =	sld [smem:$0x0];
	_ =	sdelay $0x2  }
0xc0: {  	s31 =	sshll.u32 s1, $0xD;
	s1 =	sshrl.u32 s1, $0x2  }
0xc1: {  	s3 =	sand.u32 $0x4000, s31;
	s1 =	sadd.s32 s1, s30  }
0xc2: {  	s0 =	sor.u32 s3, s0;
	s1 =	sshll.u32 s1, $0x11  }
0xc3: {  	s0 =	sor.u32 s1, s0  }
0xc4: {  	s0 =	sadd.s32 $0x8F2B, s0  }
0xc5: {  	[sflag:s0] =	ssyncadd.remote.s32 $0x1  }
0xc6: {  	_ =	sfence.sel $0xFFFF  }
0xc7: {  	[dreg:$0x0] =	wrdreg $0xFFFFFFFF;
	(pc) =	sbr.abs _section_cstart, $3  }
0xc8: {  	[dreg:$0x1] =	wrdreg $0xFFFFFFFF  }
0xc9: {  	_ =	task.clear_ibuf [dreg:s9], $0x2FFFF;
	_ =	strace $0x9FFFFFFF  }
0xca: {  	(tm) =	ssettm $0x7FFFFFFF  }
0xcb: {  	_ =	shalt  }
tec
execute0_lowered:
.L_overlay_start_1:
0x0: {  	(tag) =	ssettag $0x1  }
0x1: {  	s4 =	rddreg [dreg:$0x0]  }
0x2: {  	s5 =	rddreg [dreg:$0x1]  }
0x3: {  	s6 =	rddreg [dreg:$0x2]  }
0x4: {  	s7 =	rddreg [dreg:$0x3]  }
0x5: {  	s0 =	rddreg [dreg:$0x4];
	s1 =	simm.s32 $0x0  }
0x6: {  	s8 =	srdreg.scid;
	s2 =	stileid.u32;
	s12 =	simm.s32 $0x2  }
0x7: {  	v0 =	vimm.s32 $0x0;
	v1 =	vlaneseq.u32;
	s13 =	simm.s32 $0x3;
	s14 =	simm.s32 $0x3100;
	s15 =	simm.s32 $0x7100  }
0x8: {  	v2 =	vimm.s32 $0x1;
	v3 =	vimm.s32 $0x6;
	v10 =	vimm.s32 $0x2;
	s16 =	simm.s32 $0x0;
	[smem:$0x7FF] =	sst s1;
	s8 =	sand.u32 $0x1, s8  }
0x9: {  	v11 =	vimm.s32 $0x3;
	v12 =	vimm.s32 $0x4;
	v13 =	vimm.s32 $0x5;
	s3 =	sadd.s32 $0xE00, s4;
	s10 =	sshll.u32 s2, $0x9;
	s9 =	ssub.s32 $0x2, s8  }
0xa: {  	v14 =	vimm.s32 $0x7;
	v15 =	vimm.s32 $0x8;
	v16 =	vimm.s32 $0x9;
	s4 =	sadd.s32 $0xA00, s4;
	s8 =	sshll.u32 s8, $0x8;
	s11 =	sshrl.u32 s9, $0x1  }
0xb: {  	v17 =	vimm.s32 $0xA;
	v18 =	vimm.s32 $0xB;
	v19 =	vimm.s32 $0xC;
	_ =	strace $0x80000047;
	s8 =	sor.u32 s8, s10;
	s9 =	ssub.s32 s9, s11  }
0xc: {  	v20 =	vimm.s32 $0xD;
	v21 =	vimm.s32 $0xE;
	v22 =	vimm.s32 $0xF;
	s10 =	sshrl.u32 s8, $0x3;
	s8 =	sshll.u32 s8, $0x3;
	s11 =	simm.s32 $0x1  }
0xd: {  	v4 =	vor.u32 $0x10, v1;
	v5 =	vor.u32 $0x20, v1;
	v6 =	vor.u32 $0x30, v1;
	s5 =	sadd.s32 s5, s10;
	s6 =	sadd.s32 s6, s8;
	s7 =	sadd.s32 s7, s8  }
0xe: {  	v7 =	vor.u32 $0x1FD8, v1;
	v8 =	vor.u32 $0x1FE8, v1;
	v9 =	vor.u32 $0x1FF8, v1;
	s8 =	smax.u32 s9, $0x1;
	s9 =	simm.s32 $0x100;
	s10 =	simm.s32 $0x1100  }
.LBB2_1:
0xf: {  	[tilespmem:s1], [sflag:$0x1] =	stream.linear.gather [hbm4b:s5+s1], $0x100, $0x38;
	[tilespmem:$0xB100] =	vst v63  }
0x10: {  	_ = 	snop  }
0x11: {  	[tilespmem:s9], [sflag:$0x2] =	stream.linear.gather [hbm4b:s3+s1], $0x1000, $0x38;
	[tilespmem:$0xB100] =	vst v63  }
0x12: {  	_ = 	snop  }
0x13: {  	[tilespmem:s10], [sflag:$0x3] =	stream.linear.gather [hbm4b:s4+s1], $0x2000, $0x38;
	[tilespmem:$0xB100] =	vst v63  }
0x14: {  	_ =	swait.ge [sflag:s11], $0x100  }
0x15: {  	[sflag:s11] =	ssyncset.done $0x0  }
0x16: {  	[sflag:s11] =	ssyncadd.s32 $0xFFFFFF00  }
0x17: {  	_ =	swait.ge [sflag:s12], $0x1000  }
0x18: {  	[sflag:s12] =	ssyncset.done $0x0  }
0x19: {  	[sflag:s12] =	ssyncadd.s32 $0xFFFFF000  }
0x1a: {  	_ =	swait.ge [sflag:s13], $0x2000  }
0x1b: {  	[sflag:s13] =	ssyncset.done $0x0  }
0x1c: {  	s17 =	simm.s32 $0x0;
	[sflag:s13] =	ssyncadd.s32 $0xFFFFE000  }
.LBB2_2:
0x1d: {  	s19 =	sshll.u32 s17, $0x4  }
0x1e: {  	s18 =	sand.u32 $0x3FFFFFF0, s19  }
0x1f: {  	v23 =	vld [tilespmem:s18+$0x0];
	_ =	sdelay $0x4  }
0x20: {  	v24 =	vperm.xlane v23, v0;
	_ =	sdelay $0x1  }
0x21: {  	v25 =	vshrl.u32 v24, $0x1  }
0x22: {  	v25 =	vand.u32 $0x7FFFFFC0, v25  }
0x23: {  	v26 =	vor.u32 v1, v25  }
0x24: {  	v27 =	vor.u32 v4, v25  }
0x25: {  	v24 =	vshll.u32 v24, $0x6;
	v28 =	vor.u32 v5, v25  }
0x26: {  	v29 =	vand.u32 $0x1FC0, v24;
	v25 =	vor.u32 v6, v25  }
0x27: {  	v30 =	vor.u32 v4, v24;
	v29 =	vor.u32 v1, v29  }
0x28: {  	v31 =	vor.u32 v5, v24;
	v30 =	vand.u32 v7, v30;
	v26 =	vld.idx.msk [tilespmem:v26+s9+$0x0], $0xffff  }
0x29: {  	v24 =	vor.u32 v6, v24;
	v31 =	vand.u32 v8, v31;
	v27 =	vld.idx.msk [tilespmem:v27+s9+$0x0], $0xffff  }
0x2a: {  	v24 =	vand.u32 v9, v24;
	v28 =	vld.idx.msk [tilespmem:v28+s9+$0x0], $0xffff  }
0x2b: {  	v25 =	vld.idx.msk [tilespmem:v25+s9+$0x0], $0xffff  }
0x2c: {  	v29 =	vld.idx.msk [tilespmem:v29+s10+$0x0], $0xffff  }
0x2d: {  	v30 =	vld.idx.msk [tilespmem:v30+s10+$0x0], $0xffff  }
0x2e: {  	v31 =	vld.idx.msk [tilespmem:v31+s10+$0x0], $0xffff  }
0x2f: {  	v24 =	vld.idx.msk [tilespmem:v24+s10+$0x0], $0xffff;
	_ =	sdelay $0x3  }
0x30: {  	v32 =	vmul.f32 v29, v26;
	v33 =	vmul.f32 v31, v28  }
0x31: {  	v34 =	vmul.f32 v30, v27;
	v35 =	vmul.f32 v24, v25  }
0x32: {  	v32 =	vsub.f32 v32, v33  }
0x33: {  	s30 =	sshll.u32 s17, $0xA;
	v51 =	vsub.f32 v34, v35  }
0x34: {  	v28 =	vmul.f32 v29, v28;
	v26 =	vmul.f32 v31, v26;
	[tilespmem:s30+$0x3100] =	vst v32  }
0x35: {  	v25 =	vmul.f32 v30, v25;
	v24 =	vmul.f32 v24, v27;
	[tilespmem:s30+$0x3110] =	vst v51  }
0x36: {  	v26 =	vadd.f32 v26, v28;
	[tilespmem:s30+$0x3120] =	vst v32  }
0x37: {  	v25 =	vadd.f32 v24, v25;
	[tilespmem:s30+$0x3130] =	vst v51  }
0x38: {  	[tilespmem:s30+$0x7100] =	vst v26  }
0x39: {  	s19 =	sor.u32 $0x10, s19;
	[tilespmem:s30+$0x7110] =	vst v25  }
0x3a: {  	v24 =	vld [tilespmem:s19+$0x0]  }
0x3b: {  	v60 =	vperm.xlane v23, v2;
	_ =	sdelay $0x1  }
0x3c: {  	v36 =	vshrl.u32 v60, $0x1  }
0x3d: {  	v36 =	vand.u32 $0x7FFFFFC0, v36  }
0x3e: {  	v37 =	vor.u32 v1, v36;
	v35 =	vshll.u32 v60, $0x6;
	v52 =	vperm.xlane v24, v0  }
0x3f: {  	v40 =	vor.u32 v5, v36;
	v39 =	vand.u32 $0x1FC0, v35  }
0x40: {  	v46 =	vor.u32 v5, v35;
	v62 =	vor.u32 v1, v39;
	v53 =	vshrl.u32 v52, $0x1  }
0x41: {  	[tilespmem:s30+$0x7130] =	vst v25;
	v25 =	vand.u32 v8, v46;
	v28 =	vand.u32 $0x7FFFFFC0, v53  }
0x42: {  	[tilespmem:s30+$0x7120] =	vst v26;
	v54 =	vor.u32 v1, v28  }
0x43: {  	v37 =	vld.idx.msk [tilespmem:v37+s9+$0x0], $0xffff;
	v55 =	vor.u32 v4, v28  }
0x44: {  	v40 =	vld.idx.msk [tilespmem:v40+s9+$0x0], $0xffff;
	v27 =	vshll.u32 v52, $0x6;
	v56 =	vor.u32 v5, v28  }
0x45: {  	v49 =	vld.idx.msk [tilespmem:v62+s10+$0x0], $0xffff;
	v57 =	vand.u32 $0x1FC0, v27;
	v28 =	vor.u32 v6, v28  }
0x46: {  	v25 =	vld.idx.msk [tilespmem:v25+s10+$0x0], $0xffff;
	v58 =	vor.u32 v4, v27;
	v32 =	vor.u32 v1, v57  }
0x47: {  	v59 =	vor.u32 v5, v27;
	v33 =	vand.u32 v7, v58;
	v29 =	vld.idx.msk [tilespmem:v54+s9+$0x0], $0xffff  }
0x48: {  	v27 =	vor.u32 v6, v27;
	v34 =	vand.u32 v8, v59;
	v30 =	vld.idx.msk [tilespmem:v55+s9+$0x0], $0xffff  }
0x49: {  	v27 =	vand.u32 v9, v27;
	v31 =	vld.idx.msk [tilespmem:v56+s9+$0x0], $0xffff  }
0x4a: {  	v28 =	vld.idx.msk [tilespmem:v28+s9+$0x0], $0xffff  }
0x4b: {  	v32 =	vld.idx.msk [tilespmem:v32+s10+$0x0], $0xffff  }
0x4c: {  	v38 =	vor.u32 v4, v36;
	v63 =	vor.u32 v4, v35;
	v33 =	vld.idx.msk [tilespmem:v33+s10+$0x0], $0xffff  }
0x4d: {  	v39 =	vand.u32 v7, v63;
	v34 =	vld.idx.msk [tilespmem:v34+s10+$0x0], $0xffff  }
0x4e: {  	v61 =	vor.u32 v6, v36;
	v35 =	vor.u32 v6, v35;
	v27 =	vld.idx.msk [tilespmem:v27+s10+$0x0], $0xffff  }
0x4f: {  	v35 =	vand.u32 v9, v35  }
0x50: {  	v57 =	vmul.f32 v49, v37;
	v59 =	vmul.f32 v25, v40  }
0x51: {  	v38 =	vld.idx.msk [tilespmem:v38+s9+$0x0], $0xffff  }
0x52: {  	v51 =	vld.idx.msk [tilespmem:v39+s10+$0x0], $0xffff;
	v39 =	vsub.f32 v57, v59;
	v41 =	vmul.f32 v32, v29;
	v42 =	vmul.f32 v34, v31  }
0x53: {  	v26 =	vld.idx.msk [tilespmem:v61+s9+$0x0], $0xffff;
	v43 =	vmul.f32 v33, v30;
	v44 =	vmul.f32 v27, v28  }
0x54: {  	v53 =	vld.idx.msk [tilespmem:v35+s10+$0x0], $0xffff;
	[tilespmem:s30+$0x3140] =	vst v39;
	v41 =	vsub.f32 v41, v42  }
0x55: {  	s19 =	sshll.u32 s19, $0x6;
	v48 =	vperm.xlane v24, v2;
	[tilespmem:s30+$0x3160] =	vst v39;
	v47 =	vsub.f32 v43, v44  }
0x56: {  	v31 =	vmul.f32 v32, v31;
	v29 =	vmul.f32 v34, v29;
	[tilespmem:s19+$0x3100] =	vst v41  }
0x57: {  	v55 =	vshll.u32 v48, $0x6;
	v28 =	vmul.f32 v33, v28;
	v27 =	vmul.f32 v27, v30;
	[tilespmem:s19+$0x3110] =	vst v47  }
0x58: {  	v50 =	vshrl.u32 v48, $0x1;
	v58 =	vand.u32 $0x1FC0, v55;
	v29 =	vadd.f32 v29, v31;
	[tilespmem:s19+$0x3120] =	vst v41  }
0x59: {  	v35 =	vor.u32 v6, v55;
	v60 =	vor.u32 v1, v58;
	v27 =	vadd.f32 v27, v28;
	[tilespmem:s19+$0x3130] =	vst v47  }
0x5a: {  	v46 =	vperm.xlane v23, v10;
	v35 =	vand.u32 v9, v35;
	v30 =	vand.u32 $0x7FFFFFC0, v50;
	[tilespmem:s19+$0x7100] =	vst v29  }
0x5b: {  	v62 =	vmul.f32 v51, v38;
	v63 =	vmul.f32 v53, v26;
	v52 =	vor.u32 v1, v30;
	[tilespmem:s19+$0x7110] =	vst v27  }
0x5c: {  	v25 =	vmul.f32 v25, v37;
	v26 =	vmul.f32 v51, v26;
	v54 =	vor.u32 v4, v30;
	[tilespmem:s19+$0x7120] =	vst v29  }
0x5d: {  	v48 =	vshrl.u32 v46, $0x1;
	v45 =	vsub.f32 v62, v63;
	v56 =	vor.u32 v5, v30;
	[tilespmem:s19+$0x7130] =	vst v27  }
0x5e: {  	v32 =	vmul.f32 v49, v40;
	v30 =	vor.u32 v6, v30;
	v43 =	vor.u32 v5, v55;
	v27 =	vld.idx.msk [tilespmem:v60+s10+$0x0], $0xffff  }
0x5f: {  	v61 =	vor.u32 v4, v55;
	[tilespmem:s30+$0x3150] =	vst v45;
	v49 =	vand.u32 $0x7FFFFFC0, v48;
	v43 =	vand.u32 v8, v43;
	v35 =	vld.idx.msk [tilespmem:v35+s10+$0x0], $0xffff  }
0x60: {  	v25 =	vadd.f32 v25, v32;
	v29 =	vand.u32 v7, v61;
	v47 =	vmul.f32 v53, v38;
	v28 =	vld.idx.msk [tilespmem:v52+s9+$0x0], $0xffff  }
0x61: {  	[tilespmem:s30+$0x3170] =	vst v45;
	v51 =	vor.u32 v1, v49;
	v34 =	vld.idx.msk [tilespmem:v54+s9+$0x0], $0xffff  }
0x62: {  	[tilespmem:s30+$0x7140] =	vst v25;
	v53 =	vor.u32 v4, v49;
	v36 =	vld.idx.msk [tilespmem:v56+s9+$0x0], $0xffff;
	v26 =	vadd.f32 v47, v26  }
0x63: {  	v55 =	vor.u32 v5, v49;
	[tilespmem:s30+$0x7160] =	vst v25;
	v30 =	vld.idx.msk [tilespmem:v30+s9+$0x0], $0xffff;
	v52 =	vshll.u32 v46, $0x6  }
0x64: {  	v56 =	vor.u32 v6, v49;
	v54 =	vand.u32 $0x1FC0, v52;
	v50 =	vld.idx.msk [tilespmem:v43+s10+$0x0], $0xffff;
	[tilespmem:s30+$0x7150] =	vst v26  }
0x65: {  	v59 =	vor.u32 v5, v52;
	v57 =	vor.u32 v1, v54;
	[tilespmem:s30+$0x7170] =	vst v26;
	v29 =	vld.idx.msk [tilespmem:v29+s10+$0x0], $0xffff  }
0x66: {  	v58 =	vor.u32 v4, v52;
	v26 =	vand.u32 v8, v59;
	v31 =	vld.idx.msk [tilespmem:v51+s9+$0x0], $0xffff  }
0x67: {  	v37 =	vor.u32 v6, v52;
	v39 =	vand.u32 v7, v58;
	v38 =	vld.idx.msk [tilespmem:v53+s9+$0x0], $0xffff  }
0x68: {  	v47 =	vperm.xlane v24, v10;
	v37 =	vand.u32 v9, v37;
	v40 =	vld.idx.msk [tilespmem:v55+s9+$0x0], $0xffff  }
0x69: {  	v60 =	vmul.f32 v27, v28;
	v25 =	vld.idx.msk [tilespmem:v56+s9+$0x0], $0xffff;
	v61 =	vmul.f32 v50, v36  }
0x6a: {  	v55 =	vshll.u32 v47, $0x6;
	v32 =	vld.idx.msk [tilespmem:v57+s10+$0x0], $0xffff  }
0x6b: {  	v27 =	vmul.f32 v27, v36;
	v28 =	vmul.f32 v50, v28;
	v26 =	vld.idx.msk [tilespmem:v26+s10+$0x0], $0xffff;
	v41 =	vsub.f32 v60, v61  }
0x6c: {  	v45 =	vperm.xlane v23, v11;
	v43 =	vor.u32 v5, v55;
	v63 =	vmul.f32 v35, v30;
	v51 =	vld.idx.msk [tilespmem:v39+s10+$0x0], $0xffff  }
0x6d: {  	v49 =	vshrl.u32 v47, $0x1;
	v53 =	vld.idx.msk [tilespmem:v37+s10+$0x0], $0xffff;
	v62 =	vmul.f32 v29, v34;
	v27 =	vadd.f32 v28, v27;
	[tilespmem:s30+$0x3540] =	vst v41  }
0x6e: {  	v58 =	vand.u32 $0x1FC0, v55;
	v48 =	vmul.f32 v35, v34;
	v43 =	vand.u32 v8, v43;
	[tilespmem:s30+$0x3560] =	vst v41  }
0x6f: {  	v50 =	vand.u32 $0x7FFFFFC0, v49;
	v29 =	vmul.f32 v29, v30;
	v46 =	vsub.f32 v62, v63;
	[tilespmem:s30+$0x7540] =	vst v27  }
0x70: {  	v36 =	vor.u32 v6, v55;
	v52 =	vor.u32 v1, v50;
	v54 =	vor.u32 v4, v50;
	[tilespmem:s30+$0x7560] =	vst v27  }
0x71: {  	v29 =	vadd.f32 v48, v29;
	[tilespmem:s30+$0x3550] =	vst v46;
	v57 =	vmul.f32 v32, v31;
	v59 =	vmul.f32 v26, v40  }
0x72: {  	v56 =	vor.u32 v5, v50;
	[tilespmem:s30+$0x3570] =	vst v46;
	v61 =	vmul.f32 v51, v38;
	v62 =	vmul.f32 v53, v25  }
0x73: {  	v36 =	vand.u32 v9, v36;
	v28 =	vor.u32 v6, v50;
	[tilespmem:s30+$0x7550] =	vst v29;
	v39 =	vsub.f32 v57, v59  }
0x74: {  	v60 =	vor.u32 v4, v55;
	v27 =	vor.u32 v1, v58;
	[tilespmem:s30+$0x7570] =	vst v29;
	v63 =	vsub.f32 v61, v62  }
0x75: {  	v32 =	vmul.f32 v32, v40;
	v26 =	vmul.f32 v26, v31;
	v30 =	vld.idx.msk [tilespmem:v52+s9+$0x0], $0xffff;
	[tilespmem:s30+$0x3180] =	vst v39  }
0x76: {  	v47 =	vshrl.u32 v45, $0x1;
	v25 =	vmul.f32 v51, v25;
	v46 =	vmul.f32 v53, v38;
	v35 =	vld.idx.msk [tilespmem:v54+s9+$0x0], $0xffff;
	[tilespmem:s30+$0x3190] =	vst v63  }
0x77: {  	v48 =	vand.u32 $0x7FFFFFC0, v47;
	v29 =	vand.u32 v7, v60;
	v37 =	vld.idx.msk [tilespmem:v56+s9+$0x0], $0xffff;
	v26 =	vadd.f32 v26, v32;
	[tilespmem:s30+$0x31A0] =	vst v39  }
0x78: {  	v50 =	vor.u32 v1, v48;
	v49 =	vld.idx.msk [tilespmem:v43+s10+$0x0], $0xffff;
	v25 =	vadd.f32 v46, v25;
	[tilespmem:s30+$0x31B0] =	vst v63  }
0x79: {  	v53 =	vor.u32 v4, v48;
	v51 =	vld.idx.msk [tilespmem:v36+s10+$0x0], $0xffff;
	[tilespmem:s30+$0x7180] =	vst v26  }
0x7a: {  	v55 =	vor.u32 v5, v48;
	v52 =	vshll.u32 v45, $0x6;
	v28 =	vld.idx.msk [tilespmem:v28+s9+$0x0], $0xffff;
	[tilespmem:s30+$0x7190] =	vst v25  }
0x7b: {  	v56 =	vor.u32 v6, v48;
	v54 =	vand.u32 $0x1FC0, v52;
	v27 =	vld.idx.msk [tilespmem:v27+s10+$0x0], $0xffff;
	[tilespmem:s30+$0x71A0] =	vst v26  }
0x7c: {  	v36 =	vor.u32 v6, v52;
	v57 =	vor.u32 v1, v54;
	[tilespmem:s30+$0x71B0] =	vst v25;
	v29 =	vld.idx.msk [tilespmem:v29+s10+$0x0], $0xffff  }
0x7d: {  	v59 =	vor.u32 v5, v52;
	v36 =	vand.u32 v9, v36;
	v31 =	vld.idx.msk [tilespmem:v50+s9+$0x0], $0xffff  }
0x7e: {  	v58 =	vor.u32 v4, v52;
	v25 =	vand.u32 v8, v59;
	v38 =	vld.idx.msk [tilespmem:v53+s9+$0x0], $0xffff  }
0x7f: {  	v39 =	vand.u32 v7, v58;
	v40 =	vld.idx.msk [tilespmem:v55+s9+$0x0], $0xffff  }
0x80: {  	v61 =	vmul.f32 v49, v37;
	v26 =	vld.idx.msk [tilespmem:v56+s9+$0x0], $0xffff;
	v60 =	vmul.f32 v27, v30  }
0x81: {  	v47 =	vperm.xlane v24, v11;
	v45 =	vperm.xlane v23, v12;
	v32 =	vld.idx.msk [tilespmem:v57+s10+$0x0], $0xffff  }
0x82: {  	v53 =	vld.idx.msk [tilespmem:v36+s10+$0x0], $0xffff;
	v27 =	vmul.f32 v27, v37;
	v30 =	vmul.f32 v49, v30;
	v41 =	vsub.f32 v60, v61  }
0x83: {  	v55 =	vshll.u32 v47, $0x6;
	v48 =	vmul.f32 v51, v35;
	v63 =	vmul.f32 v51, v28;
	v25 =	vld.idx.msk [tilespmem:v25+s10+$0x0], $0xffff  }
0x84: {  	v58 =	vand.u32 $0x1FC0, v55;
	v51 =	vld.idx.msk [tilespmem:v39+s10+$0x0], $0xffff;
	v62 =	vmul.f32 v29, v35;
	v27 =	vadd.f32 v30, v27;
	[tilespmem:s30+$0x3580] =	vst v41  }
0x85: {  	v43 =	vor.u32 v5, v55;
	v36 =	vor.u32 v6, v55;
	v49 =	vshrl.u32 v47, $0x1;
	[tilespmem:s30+$0x35A0] =	vst v41  }
0x86: {  	v28 =	vmul.f32 v29, v28;
	v50 =	vand.u32 $0x7FFFFFC0, v49;
	v46 =	vsub.f32 v62, v63;
	[tilespmem:s30+$0x7580] =	vst v27  }
0x87: {  	v43 =	vand.u32 v8, v43;
	v36 =	vand.u32 v9, v36;
	v52 =	vor.u32 v1, v50;
	[tilespmem:s30+$0x75A0] =	vst v27  }
0x88: {  	v28 =	vadd.f32 v48, v28;
	v57 =	vmul.f32 v32, v31;
	[tilespmem:s30+$0x3590] =	vst v46;
	v59 =	vmul.f32 v25, v40  }
0x89: {  	v54 =	vor.u32 v4, v50;
	v62 =	vmul.f32 v53, v26;
	[tilespmem:s30+$0x35B0] =	vst v46;
	v61 =	vmul.f32 v51, v38  }
0x8a: {  	v56 =	vor.u32 v5, v50;
	v30 =	vor.u32 v6, v50;
	[tilespmem:s30+$0x7590] =	vst v28;
	v39 =	vsub.f32 v57, v59  }
0x8b: {  	v60 =	vor.u32 v4, v55;
	v27 =	vor.u32 v1, v58;
	[tilespmem:s30+$0x75B0] =	vst v28;
	v63 =	vsub.f32 v61, v62  }
0x8c: {  	v32 =	vmul.f32 v32, v40;
	v25 =	vmul.f32 v25, v31;
	v49 =	vld.idx.msk [tilespmem:v43+s10+$0x0], $0xffff;
	[tilespmem:s30+$0x31C0] =	vst v39  }
0x8d: {  	v47 =	vshrl.u32 v45, $0x1;
	v26 =	vmul.f32 v51, v26;
	v46 =	vmul.f32 v53, v38;
	v51 =	vld.idx.msk [tilespmem:v36+s10+$0x0], $0xffff;
	[tilespmem:s30+$0x31D0] =	vst v63  }
0x8e: {  	v48 =	vand.u32 $0x7FFFFFC0, v47;
	v28 =	vand.u32 v7, v60;
	v29 =	vld.idx.msk [tilespmem:v52+s9+$0x0], $0xffff;
	v25 =	vadd.f32 v25, v32;
	[tilespmem:s30+$0x31E0] =	vst v39  }
0x8f: {  	v50 =	vor.u32 v1, v48;
	v35 =	vld.idx.msk [tilespmem:v54+s9+$0x0], $0xffff;
	v26 =	vadd.f32 v46, v26;
	[tilespmem:s30+$0x31F0] =	vst v63  }
0x90: {  	v53 =	vor.u32 v4, v48;
	v37 =	vld.idx.msk [tilespmem:v56+s9+$0x0], $0xffff;
	[tilespmem:s30+$0x71C0] =	vst v25  }
0x91: {  	v55 =	vor.u32 v5, v48;
	v30 =	vld.idx.msk [tilespmem:v30+s9+$0x0], $0xffff;
	v52 =	vshll.u32 v45, $0x6;
	[tilespmem:s30+$0x71D0] =	vst v26  }
0x92: {  	v56 =	vor.u32 v6, v48;
	v54 =	vand.u32 $0x1FC0, v52;
	v27 =	vld.idx.msk [tilespmem:v27+s10+$0x0], $0xffff;
	[tilespmem:s30+$0x71E0] =	vst v25  }
0x93: {  	v59 =	vor.u32 v5, v52;
	v57 =	vor.u32 v1, v54;
	[tilespmem:s30+$0x71F0] =	vst v26;
	v28 =	vld.idx.msk [tilespmem:v28+s10+$0x0], $0xffff  }
0x94: {  	v58 =	vor.u32 v4, v52;
	v26 =	vand.u32 v8, v59;
	v31 =	vld.idx.msk [tilespmem:v50+s9+$0x0], $0xffff  }
0x95: {  	v36 =	vor.u32 v6, v52;
	v39 =	vand.u32 v7, v58;
	v38 =	vld.idx.msk [tilespmem:v53+s9+$0x0], $0xffff  }
0x96: {  	v36 =	vand.u32 v9, v36;
	v40 =	vld.idx.msk [tilespmem:v55+s9+$0x0], $0xffff  }
0x97: {  	v61 =	vmul.f32 v49, v37;
	v25 =	vld.idx.msk [tilespmem:v56+s9+$0x0], $0xffff;
	v60 =	vmul.f32 v27, v29  }
0x98: {  	v47 =	vperm.xlane v24, v12;
	v45 =	vperm.xlane v23, v13;
	v32 =	vld.idx.msk [tilespmem:v57+s10+$0x0], $0xffff  }
0x99: {  	v27 =	vmul.f32 v27, v37;
	v29 =	vmul.f32 v49, v29;
	v26 =	vld.idx.msk [tilespmem:v26+s10+$0x0], $0xffff;
	v41 =	vsub.f32 v60, v61  }
0x9a: {  	v55 =	vshll.u32 v47, $0x6;
	v63 =	vmul.f32 v51, v30;
	v48 =	vmul.f32 v51, v35;
	v51 =	vld.idx.msk [tilespmem:v39+s10+$0x0], $0xffff  }
0x9b: {  	v58 =	vand.u32 $0x1FC0, v55;
	v53 =	vld.idx.msk [tilespmem:v36+s10+$0x0], $0xffff;
	v62 =	vmul.f32 v28, v35;
	v27 =	vadd.f32 v29, v27;
	[tilespmem:s30+$0x35C0] =	vst v41  }
0x9c: {  	v43 =	vor.u32 v5, v55;
	v49 =	vshrl.u32 v47, $0x1;
	v36 =	vor.u32 v6, v55;
	[tilespmem:s30+$0x35E0] =	vst v41  }
0x9d: {  	v28 =	vmul.f32 v28, v30;
	v50 =	vand.u32 $0x7FFFFFC0, v49;
	v46 =	vsub.f32 v62, v63;
	[tilespmem:s30+$0x75C0] =	vst v27  }
0x9e: {  	v43 =	vand.u32 v8, v43;
	v36 =	vand.u32 v9, v36;
	v52 =	vor.u32 v1, v50;
	[tilespmem:s30+$0x75E0] =	vst v27  }
0x9f: {  	v28 =	vadd.f32 v48, v28;
	[tilespmem:s30+$0x35D0] =	vst v46;
	v57 =	vmul.f32 v32, v31;
	v59 =	vmul.f32 v26, v40  }
0xa0: {  	v54 =	vor.u32 v4, v50;
	[tilespmem:s30+$0x35F0] =	vst v46;
	v61 =	vmul.f32 v51, v38;
	v62 =	vmul.f32 v53, v25  }
0xa1: {  	v56 =	vor.u32 v5, v50;
	v29 =	vor.u32 v6, v50;
	[tilespmem:s30+$0x75D0] =	vst v28;
	v39 =	vsub.f32 v57, v59  }
0xa2: {  	v60 =	vor.u32 v4, v55;
	v27 =	vor.u32 v1, v58;
	[tilespmem:s30+$0x75F0] =	vst v28;
	v63 =	vsub.f32 v61, v62  }
0xa3: {  	v32 =	vmul.f32 v32, v40;
	v26 =	vmul.f32 v26, v31;
	v49 =	vld.idx.msk [tilespmem:v43+s10+$0x0], $0xffff;
	[tilespmem:s30+$0x3200] =	vst v39  }
0xa4: {  	v47 =	vshrl.u32 v45, $0x1;
	v25 =	vmul.f32 v51, v25;
	v46 =	vmul.f32 v53, v38;
	v51 =	vld.idx.msk [tilespmem:v36+s10+$0x0], $0xffff;
	[tilespmem:s30+$0x3210] =	vst v63  }
0xa5: {  	v48 =	vand.u32 $0x7FFFFFC0, v47;
	v28 =	vand.u32 v7, v60;
	v30 =	vld.idx.msk [tilespmem:v52+s9+$0x0], $0xffff;
	v26 =	vadd.f32 v26, v32;
	[tilespmem:s30+$0x3220] =	vst v39  }
0xa6: {  	v50 =	vor.u32 v1, v48;
	v35 =	vld.idx.msk [tilespmem:v54+s9+$0x0], $0xffff;
	v25 =	vadd.f32 v46, v25;
	[tilespmem:s30+$0x3230] =	vst v63  }
0xa7: {  	v53 =	vor.u32 v4, v48;
	v37 =	vld.idx.msk [tilespmem:v56+s9+$0x0], $0xffff;
	[tilespmem:s30+$0x7200] =	vst v26  }
0xa8: {  	v55 =	vor.u32 v5, v48;
	v29 =	vld.idx.msk [tilespmem:v29+s9+$0x0], $0xffff;
	v52 =	vshll.u32 v45, $0x6;
	[tilespmem:s30+$0x7210] =	vst v25  }
0xa9: {  	v56 =	vor.u32 v6, v48;
	v54 =	vand.u32 $0x1FC0, v52;
	v27 =	vld.idx.msk [tilespmem:v27+s10+$0x0], $0xffff;
	[tilespmem:s30+$0x7220] =	vst v26  }
0xaa: {  	v59 =	vor.u32 v5, v52;
	v57 =	vor.u32 v1, v54;
	[tilespmem:s30+$0x7230] =	vst v25;
	v28 =	vld.idx.msk [tilespmem:v28+s10+$0x0], $0xffff  }
0xab: {  	v58 =	vor.u32 v4, v52;
	v25 =	vand.u32 v8, v59;
	v31 =	vld.idx.msk [tilespmem:v50+s9+$0x0], $0xffff  }
0xac: {  	v36 =	vor.u32 v6, v52;
	v39 =	vand.u32 v7, v58;
	v38 =	vld.idx.msk [tilespmem:v53+s9+$0x0], $0xffff  }
0xad: {  	v36 =	vand.u32 v9, v36;
	v40 =	vld.idx.msk [tilespmem:v55+s9+$0x0], $0xffff  }
0xae: {  	v61 =	vmul.f32 v49, v37;
	v26 =	vld.idx.msk [tilespmem:v56+s9+$0x0], $0xffff;
	v60 =	vmul.f32 v27, v30  }
0xaf: {  	v47 =	vperm.xlane v24, v13;
	v45 =	vperm.xlane v23, v3;
	v32 =	vld.idx.msk [tilespmem:v57+s10+$0x0], $0xffff  }
0xb0: {  	v27 =	vmul.f32 v27, v37;
	v30 =	vmul.f32 v49, v30;
	v25 =	vld.idx.msk [tilespmem:v25+s10+$0x0], $0xffff;
	v41 =	vsub.f32 v60, v61  }
0xb1: {  	v55 =	vshll.u32 v47, $0x6;
	v63 =	vmul.f32 v51, v29;
	v48 =	vmul.f32 v51, v35;
	v51 =	vld.idx.msk [tilespmem:v39+s10+$0x0], $0xffff  }
0xb2: {  	v58 =	vand.u32 $0x1FC0, v55;
	v53 =	vld.idx.msk [tilespmem:v36+s10+$0x0], $0xffff;
	v62 =	vmul.f32 v28, v35;
	v27 =	vadd.f32 v30, v27;
	[tilespmem:s30+$0x3600] =	vst v41  }
0xb3: {  	v43 =	vor.u32 v5, v55;
	v49 =	vshrl.u32 v47, $0x1;
	v36 =	vor.u32 v6, v55;
	[tilespmem:s30+$0x3620] =	vst v41  }
0xb4: {  	v28 =	vmul.f32 v28, v29;
	v50 =	vand.u32 $0x7FFFFFC0, v49;
	v46 =	vsub.f32 v62, v63;
	[tilespmem:s30+$0x7600] =	vst v27  }
0xb5: {  	v43 =	vand.u32 v8, v43;
	v36 =	vand.u32 v9, v36;
	v52 =	vor.u32 v1, v50;
	[tilespmem:s30+$0x7620] =	vst v27  }
0xb6: {  	v28 =	vadd.f32 v48, v28;
	[tilespmem:s30+$0x3610] =	vst v46;
	v57 =	vmul.f32 v32, v31;
	v59 =	vmul.f32 v25, v40  }
0xb7: {  	v54 =	vor.u32 v4, v50;
	[tilespmem:s30+$0x3630] =	vst v46;
	v61 =	vmul.f32 v51, v38;
	v62 =	vmul.f32 v53, v26  }
0xb8: {  	v56 =	vor.u32 v5, v50;
	v30 =	vor.u32 v6, v50;
	[tilespmem:s30+$0x7610] =	vst v28;
	v39 =	vsub.f32 v57, v59  }
0xb9: {  	v60 =	vor.u32 v4, v55;
	v27 =	vor.u32 v1, v58;
	[tilespmem:s30+$0x7630] =	vst v28;
	v63 =	vsub.f32 v61, v62  }
0xba: {  	v32 =	vmul.f32 v32, v40;
	v25 =	vmul.f32 v25, v31;
	v49 =	vld.idx.msk [tilespmem:v43+s10+$0x0], $0xffff;
	[tilespmem:s30+$0x3240] =	vst v39  }
0xbb: {  	v47 =	vshrl.u32 v45, $0x1;
	v26 =	vmul.f32 v51, v26;
	v46 =	vmul.f32 v53, v38;
	v51 =	vld.idx.msk [tilespmem:v36+s10+$0x0], $0xffff;
	[tilespmem:s30+$0x3250] =	vst v63  }
0xbc: {  	v48 =	vand.u32 $0x7FFFFFC0, v47;
	v28 =	vand.u32 v7, v60;
	v29 =	vld.idx.msk [tilespmem:v52+s9+$0x0], $0xffff;
	v25 =	vadd.f32 v25, v32;
	[tilespmem:s30+$0x3260] =	vst v39  }
0xbd: {  	v50 =	vor.u32 v1, v48;
	v35 =	vld.idx.msk [tilespmem:v54+s9+$0x0], $0xffff;
	v26 =	vadd.f32 v46, v26;
	[tilespmem:s30+$0x3270] =	vst v63  }
0xbe: {  	v53 =	vor.u32 v4, v48;
	v37 =	vld.idx.msk [tilespmem:v56+s9+$0x0], $0xffff;
	[tilespmem:s30+$0x7240] =	vst v25  }
0xbf: {  	v55 =	vor.u32 v5, v48;
	v30 =	vld.idx.msk [tilespmem:v30+s9+$0x0], $0xffff;
	v52 =	vshll.u32 v45, $0x6;
	[tilespmem:s30+$0x7250] =	vst v26  }
0xc0: {  	v56 =	vor.u32 v6, v48;
	v54 =	vand.u32 $0x1FC0, v52;
	v27 =	vld.idx.msk [tilespmem:v27+s10+$0x0], $0xffff;
	[tilespmem:s30+$0x7260] =	vst v25  }
0xc1: {  	v59 =	vor.u32 v5, v52;
	v57 =	vor.u32 v1, v54;
	[tilespmem:s30+$0x7270] =	vst v26;
	v28 =	vld.idx.msk [tilespmem:v28+s10+$0x0], $0xffff  }
0xc2: {  	v58 =	vor.u32 v4, v52;
	v26 =	vand.u32 v8, v59;
	v31 =	vld.idx.msk [tilespmem:v50+s9+$0x0], $0xffff  }
0xc3: {  	v36 =	vor.u32 v6, v52;
	v39 =	vand.u32 v7, v58;
	v38 =	vld.idx.msk [tilespmem:v53+s9+$0x0], $0xffff  }
0xc4: {  	v36 =	vand.u32 v9, v36;
	v40 =	vld.idx.msk [tilespmem:v55+s9+$0x0], $0xffff  }
0xc5: {  	v61 =	vmul.f32 v49, v37;
	v25 =	vld.idx.msk [tilespmem:v56+s9+$0x0], $0xffff;
	v60 =	vmul.f32 v27, v29  }
0xc6: {  	v47 =	vperm.xlane v24, v3;
	v45 =	vperm.xlane v23, v14;
	v32 =	vld.idx.msk [tilespmem:v57+s10+$0x0], $0xffff  }
0xc7: {  	v27 =	vmul.f32 v27, v37;
	v29 =	vmul.f32 v49, v29;
	v26 =	vld.idx.msk [tilespmem:v26+s10+$0x0], $0xffff;
	v41 =	vsub.f32 v60, v61  }
0xc8: {  	v55 =	vshll.u32 v47, $0x6;
	v63 =	vmul.f32 v51, v30;
	v48 =	vmul.f32 v51, v35;
	v51 =	vld.idx.msk [tilespmem:v39+s10+$0x0], $0xffff  }
0xc9: {  	v58 =	vand.u32 $0x1FC0, v55;
	v53 =	vld.idx.msk [tilespmem:v36+s10+$0x0], $0xffff;
	v62 =	vmul.f32 v28, v35;
	v27 =	vadd.f32 v29, v27;
	[tilespmem:s30+$0x3640] =	vst v41  }
0xca: {  	v43 =	vor.u32 v5, v55;
	v49 =	vshrl.u32 v47, $0x1;
	v36 =	vor.u32 v6, v55;
	[tilespmem:s30+$0x3660] =	vst v41  }
0xcb: {  	v28 =	vmul.f32 v28, v30;
	v50 =	vand.u32 $0x7FFFFFC0, v49;
	v46 =	vsub.f32 v62, v63;
	[tilespmem:s30+$0x7640] =	vst v27  }
0xcc: {  	v43 =	vand.u32 v8, v43;
	v36 =	vand.u32 v9, v36;
	v52 =	vor.u32 v1, v50;
	[tilespmem:s30+$0x7660] =	vst v27  }
0xcd: {  	v28 =	vadd.f32 v48, v28;
	[tilespmem:s30+$0x3650] =	vst v46;
	v57 =	vmul.f32 v32, v31;
	v59 =	vmul.f32 v26, v40  }
0xce: {  	v54 =	vor.u32 v4, v50;
	[tilespmem:s30+$0x3670] =	vst v46;
	v61 =	vmul.f32 v51, v38;
	v62 =	vmul.f32 v53, v25  }
0xcf: {  	v56 =	vor.u32 v5, v50;
	v29 =	vor.u32 v6, v50;
	[tilespmem:s30+$0x7650] =	vst v28;
	v39 =	vsub.f32 v57, v59  }
0xd0: {  	v60 =	vor.u32 v4, v55;
	v27 =	vor.u32 v1, v58;
	[tilespmem:s30+$0x7670] =	vst v28;
	v63 =	vsub.f32 v61, v62  }
0xd1: {  	v32 =	vmul.f32 v32, v40;
	v26 =	vmul.f32 v26, v31;
	v49 =	vld.idx.msk [tilespmem:v43+s10+$0x0], $0xffff;
	[tilespmem:s30+$0x3280] =	vst v39  }
0xd2: {  	v47 =	vshrl.u32 v45, $0x1;
	v25 =	vmul.f32 v51, v25;
	v46 =	vmul.f32 v53, v38;
	v51 =	vld.idx.msk [tilespmem:v36+s10+$0x0], $0xffff;
	[tilespmem:s30+$0x3290] =	vst v63  }
0xd3: {  	v48 =	vand.u32 $0x7FFFFFC0, v47;
	v28 =	vand.u32 v7, v60;
	v30 =	vld.idx.msk [tilespmem:v52+s9+$0x0], $0xffff;
	v26 =	vadd.f32 v26, v32;
	[tilespmem:s30+$0x32A0] =	vst v39  }
0xd4: {  	v50 =	vor.u32 v1, v48;
	v35 =	vld.idx.msk [tilespmem:v54+s9+$0x0], $0xffff;
	v25 =	vadd.f32 v46, v25;
	[tilespmem:s30+$0x32B0] =	vst v63  }
0xd5: {  	v53 =	vor.u32 v4, v48;
	v37 =	vld.idx.msk [tilespmem:v56+s9+$0x0], $0xffff;
	[tilespmem:s30+$0x7280] =	vst v26  }
0xd6: {  	v55 =	vor.u32 v5, v48;
	v29 =	vld.idx.msk [tilespmem:v29+s9+$0x0], $0xffff;
	v52 =	vshll.u32 v45, $0x6;
	[tilespmem:s30+$0x7290] =	vst v25  }
0xd7: {  	v56 =	vor.u32 v6, v48;
	v54 =	vand.u32 $0x1FC0, v52;
	v27 =	vld.idx.msk [tilespmem:v27+s10+$0x0], $0xffff;
	[tilespmem:s30+$0x72A0] =	vst v26  }
0xd8: {  	v59 =	vor.u32 v5, v52;
	v57 =	vor.u32 v1, v54;
	[tilespmem:s30+$0x72B0] =	vst v25;
	v28 =	vld.idx.msk [tilespmem:v28+s10+$0x0], $0xffff  }
0xd9: {  	v58 =	vor.u32 v4, v52;
	v25 =	vand.u32 v8, v59;
	v31 =	vld.idx.msk [tilespmem:v50+s9+$0x0], $0xffff  }
0xda: {  	v36 =	vor.u32 v6, v52;
	v39 =	vand.u32 v7, v58;
	v38 =	vld.idx.msk [tilespmem:v53+s9+$0x0], $0xffff  }
0xdb: {  	v36 =	vand.u32 v9, v36;
	v40 =	vld.idx.msk [tilespmem:v55+s9+$0x0], $0xffff  }
0xdc: {  	v61 =	vmul.f32 v49, v37;
	v26 =	vld.idx.msk [tilespmem:v56+s9+$0x0], $0xffff;
	v60 =	vmul.f32 v27, v30  }
0xdd: {  	v47 =	vperm.xlane v24, v14;
	v45 =	vperm.xlane v23, v15;
	v32 =	vld.idx.msk [tilespmem:v57+s10+$0x0], $0xffff  }
0xde: {  	v27 =	vmul.f32 v27, v37;
	v30 =	vmul.f32 v49, v30;
	v25 =	vld.idx.msk [tilespmem:v25+s10+$0x0], $0xffff;
	v41 =	vsub.f32 v60, v61  }
0xdf: {  	v55 =	vshll.u32 v47, $0x6;
	v63 =	vmul.f32 v51, v29;
	v48 =	vmul.f32 v51, v35;
	v51 =	vld.idx.msk [tilespmem:v39+s10+$0x0], $0xffff  }
0xe0: {  	v58 =	vand.u32 $0x1FC0, v55;
	v53 =	vld.idx.msk [tilespmem:v36+s10+$0x0], $0xffff;
	v62 =	vmul.f32 v28, v35;
	v27 =	vadd.f32 v30, v27;
	[tilespmem:s30+$0x3680] =	vst v41  }
0xe1: {  	v43 =	vor.u32 v5, v55;
	v49 =	vshrl.u32 v47, $0x1;
	v36 =	vor.u32 v6, v55;
	[tilespmem:s30+$0x36A0] =	vst v41  }
0xe2: {  	v28 =	vmul.f32 v28, v29;
	v50 =	vand.u32 $0x7FFFFFC0, v49;
	v46 =	vsub.f32 v62, v63;
	[tilespmem:s30+$0x7680] =	vst v27  }
0xe3: {  	v43 =	vand.u32 v8, v43;
	v36 =	vand.u32 v9, v36;
	v52 =	vor.u32 v1, v50;
	[tilespmem:s30+$0x76A0] =	vst v27  }
0xe4: {  	v28 =	vadd.f32 v48, v28;
	[tilespmem:s30+$0x3690] =	vst v46;
	v57 =	vmul.f32 v32, v31;
	v59 =	vmul.f32 v25, v40  }
0xe5: {  	v54 =	vor.u32 v4, v50;
	[tilespmem:s30+$0x36B0] =	vst v46;
	v61 =	vmul.f32 v51, v38;
	v62 =	vmul.f32 v53, v26  }
0xe6: {  	v56 =	vor.u32 v5, v50;
	v30 =	vor.u32 v6, v50;
	[tilespmem:s30+$0x7690] =	vst v28;
	v39 =	vsub.f32 v57, v59  }
0xe7: {  	v60 =	vor.u32 v4, v55;
	v27 =	vor.u32 v1, v58;
	[tilespmem:s30+$0x76B0] =	vst v28;
	v63 =	vsub.f32 v61, v62  }
0xe8: {  	v32 =	vmul.f32 v32, v40;
	v25 =	vmul.f32 v25, v31;
	v49 =	vld.idx.msk [tilespmem:v43+s10+$0x0], $0xffff;
	[tilespmem:s30+$0x32C0] =	vst v39  }
0xe9: {  	v47 =	vshrl.u32 v45, $0x1;
	v26 =	vmul.f32 v51, v26;
	v46 =	vmul.f32 v53, v38;
	v51 =	vld.idx.msk [tilespmem:v36+s10+$0x0], $0xffff;
	[tilespmem:s30+$0x32D0] =	vst v63  }
0xea: {  	v48 =	vand.u32 $0x7FFFFFC0, v47;
	v28 =	vand.u32 v7, v60;
	v29 =	vld.idx.msk [tilespmem:v52+s9+$0x0], $0xffff;
	v25 =	vadd.f32 v25, v32;
	[tilespmem:s30+$0x32E0] =	vst v39  }
0xeb: {  	v50 =	vor.u32 v1, v48;
	v35 =	vld.idx.msk [tilespmem:v54+s9+$0x0], $0xffff;
	v26 =	vadd.f32 v46, v26;
	[tilespmem:s30+$0x32F0] =	vst v63  }
0xec: {  	v53 =	vor.u32 v4, v48;
	v37 =	vld.idx.msk [tilespmem:v56+s9+$0x0], $0xffff;
	[tilespmem:s30+$0x72C0] =	vst v25  }
0xed: {  	v55 =	vor.u32 v5, v48;
	v30 =	vld.idx.msk [tilespmem:v30+s9+$0x0], $0xffff;
	v52 =	vshll.u32 v45, $0x6;
	[tilespmem:s30+$0x72D0] =	vst v26  }
0xee: {  	v56 =	vor.u32 v6, v48;
	v54 =	vand.u32 $0x1FC0, v52;
	v27 =	vld.idx.msk [tilespmem:v27+s10+$0x0], $0xffff;
	[tilespmem:s30+$0x72E0] =	vst v25  }
0xef: {  	v59 =	vor.u32 v5, v52;
	v57 =	vor.u32 v1, v54;
	[tilespmem:s30+$0x72F0] =	vst v26;
	v28 =	vld.idx.msk [tilespmem:v28+s10+$0x0], $0xffff  }
0xf0: {  	v58 =	vor.u32 v4, v52;
	v26 =	vand.u32 v8, v59;
	v31 =	vld.idx.msk [tilespmem:v50+s9+$0x0], $0xffff  }
0xf1: {  	v36 =	vor.u32 v6, v52;
	v39 =	vand.u32 v7, v58;
	v38 =	vld.idx.msk [tilespmem:v53+s9+$0x0], $0xffff  }
0xf2: {  	v36 =	vand.u32 v9, v36;
	v40 =	vld.idx.msk [tilespmem:v55+s9+$0x0], $0xffff  }
0xf3: {  	v61 =	vmul.f32 v49, v37;
	v25 =	vld.idx.msk [tilespmem:v56+s9+$0x0], $0xffff;
	v60 =	vmul.f32 v27, v29  }
0xf4: {  	v47 =	vperm.xlane v24, v15;
	v45 =	vperm.xlane v23, v16;
	v32 =	vld.idx.msk [tilespmem:v57+s10+$0x0], $0xffff  }
0xf5: {  	v27 =	vmul.f32 v27, v37;
	v29 =	vmul.f32 v49, v29;
	v26 =	vld.idx.msk [tilespmem:v26+s10+$0x0], $0xffff;
	v41 =	vsub.f32 v60, v61  }
0xf6: {  	v55 =	vshll.u32 v47, $0x6;
	v63 =	vmul.f32 v51, v30;
	v48 =	vmul.f32 v51, v35;
	v51 =	vld.idx.msk [tilespmem:v39+s10+$0x0], $0xffff  }
0xf7: {  	v58 =	vand.u32 $0x1FC0, v55;
	v53 =	vld.idx.msk [tilespmem:v36+s10+$0x0], $0xffff;
	v62 =	vmul.f32 v28, v35;
	v27 =	vadd.f32 v29, v27;
	[tilespmem:s30+$0x36C0] =	vst v41  }
0xf8: {  	v43 =	vor.u32 v5, v55;
	v49 =	vshrl.u32 v47, $0x1;
	v36 =	vor.u32 v6, v55;
	[tilespmem:s30+$0x36E0] =	vst v41  }
0xf9: {  	v28 =	vmul.f32 v28, v30;
	v50 =	vand.u32 $0x7FFFFFC0, v49;
	v46 =	vsub.f32 v62, v63;
	[tilespmem:s30+$0x76C0] =	vst v27  }
0xfa: {  	v43 =	vand.u32 v8, v43;
	v36 =	vand.u32 v9, v36;
	v52 =	vor.u32 v1, v50;
	[tilespmem:s30+$0x76E0] =	vst v27  }
0xfb: {  	v28 =	vadd.f32 v48, v28;
	[tilespmem:s30+$0x36D0] =	vst v46;
	v57 =	vmul.f32 v32, v31;
	v59 =	vmul.f32 v26, v40  }
0xfc: {  	v54 =	vor.u32 v4, v50;
	[tilespmem:s30+$0x36F0] =	vst v46;
	v61 =	vmul.f32 v51, v38;
	v62 =	vmul.f32 v53, v25  }
0xfd: {  	v56 =	vor.u32 v5, v50;
	v29 =	vor.u32 v6, v50;
	[tilespmem:s30+$0x76D0] =	vst v28;
	v39 =	vsub.f32 v57, v59  }
0xfe: {  	v60 =	vor.u32 v4, v55;
	v27 =	vor.u32 v1, v58;
	[tilespmem:s30+$0x76F0] =	vst v28;
	v63 =	vsub.f32 v61, v62  }
0xff: {  	v32 =	vmul.f32 v32, v40;
	v26 =	vmul.f32 v26, v31;
	v49 =	vld.idx.msk [tilespmem:v43+s10+$0x0], $0xffff;
	[tilespmem:s30+$0x3300] =	vst v39  }
0x100: {  	v47 =	vshrl.u32 v45, $0x1;
	v25 =	vmul.f32 v51, v25;
	v46 =	vmul.f32 v53, v38;
	v51 =	vld.idx.msk [tilespmem:v36+s10+$0x0], $0xffff;
	[tilespmem:s30+$0x3310] =	vst v63  }
0x101: {  	v48 =	vand.u32 $0x7FFFFFC0, v47;
	v28 =	vand.u32 v7, v60;
	v30 =	vld.idx.msk [tilespmem:v52+s9+$0x0], $0xffff;
	v26 =	vadd.f32 v26, v32;
	[tilespmem:s30+$0x3320] =	vst v39  }
0x102: {  	v50 =	vor.u32 v1, v48;
	v35 =	vld.idx.msk [tilespmem:v54+s9+$0x0], $0xffff;
	v25 =	vadd.f32 v46, v25;
	[tilespmem:s30+$0x3330] =	vst v63  }
0x103: {  	v53 =	vor.u32 v4, v48;
	v37 =	vld.idx.msk [tilespmem:v56+s9+$0x0], $0xffff;
	[tilespmem:s30+$0x7300] =	vst v26  }
0x104: {  	v55 =	vor.u32 v5, v48;
	v29 =	vld.idx.msk [tilespmem:v29+s9+$0x0], $0xffff;
	v52 =	vshll.u32 v45, $0x6;
	[tilespmem:s30+$0x7310] =	vst v25  }
0x105: {  	v56 =	vor.u32 v6, v48;
	v54 =	vand.u32 $0x1FC0, v52;
	v27 =	vld.idx.msk [tilespmem:v27+s10+$0x0], $0xffff;
	[tilespmem:s30+$0x7320] =	vst v26  }
0x106: {  	v59 =	vor.u32 v5, v52;
	v57 =	vor.u32 v1, v54;
	[tilespmem:s30+$0x7330] =	vst v25;
	v28 =	vld.idx.msk [tilespmem:v28+s10+$0x0], $0xffff  }
0x107: {  	v58 =	vor.u32 v4, v52;
	v25 =	vand.u32 v8, v59;
	v31 =	vld.idx.msk [tilespmem:v50+s9+$0x0], $0xffff  }
0x108: {  	v36 =	vor.u32 v6, v52;
	v39 =	vand.u32 v7, v58;
	v38 =	vld.idx.msk [tilespmem:v53+s9+$0x0], $0xffff  }
0x109: {  	v36 =	vand.u32 v9, v36;
	v40 =	vld.idx.msk [tilespmem:v55+s9+$0x0], $0xffff  }
0x10a: {  	v61 =	vmul.f32 v49, v37;
	v26 =	vld.idx.msk [tilespmem:v56+s9+$0x0], $0xffff;
	v60 =	vmul.f32 v27, v30  }
0x10b: {  	v47 =	vperm.xlane v24, v16;
	v45 =	vperm.xlane v23, v17;
	v32 =	vld.idx.msk [tilespmem:v57+s10+$0x0], $0xffff  }
0x10c: {  	v27 =	vmul.f32 v27, v37;
	v30 =	vmul.f32 v49, v30;
	v25 =	vld.idx.msk [tilespmem:v25+s10+$0x0], $0xffff;
	v41 =	vsub.f32 v60, v61  }
0x10d: {  	v55 =	vshll.u32 v47, $0x6;
	v63 =	vmul.f32 v51, v29;
	v48 =	vmul.f32 v51, v35;
	v51 =	vld.idx.msk [tilespmem:v39+s10+$0x0], $0xffff  }
0x10e: {  	v58 =	vand.u32 $0x1FC0, v55;
	v53 =	vld.idx.msk [tilespmem:v36+s10+$0x0], $0xffff;
	v62 =	vmul.f32 v28, v35;
	v27 =	vadd.f32 v30, v27;
	[tilespmem:s30+$0x3700] =	vst v41  }
0x10f: {  	v43 =	vor.u32 v5, v55;
	v49 =	vshrl.u32 v47, $0x1;
	v36 =	vor.u32 v6, v55;
	[tilespmem:s30+$0x3720] =	vst v41  }
0x110: {  	v28 =	vmul.f32 v28, v29;
	v50 =	vand.u32 $0x7FFFFFC0, v49;
	v46 =	vsub.f32 v62, v63;
	[tilespmem:s30+$0x7700] =	vst v27  }
0x111: {  	v43 =	vand.u32 v8, v43;
	v36 =	vand.u32 v9, v36;
	v52 =	vor.u32 v1, v50;
	[tilespmem:s30+$0x7720] =	vst v27  }
0x112: {  	v28 =	vadd.f32 v48, v28;
	[tilespmem:s30+$0x3710] =	vst v46;
	v57 =	vmul.f32 v32, v31;
	v59 =	vmul.f32 v25, v40  }
0x113: {  	v54 =	vor.u32 v4, v50;
	[tilespmem:s30+$0x3730] =	vst v46;
	v61 =	vmul.f32 v51, v38;
	v62 =	vmul.f32 v53, v26  }
0x114: {  	v56 =	vor.u32 v5, v50;
	v30 =	vor.u32 v6, v50;
	[tilespmem:s30+$0x7710] =	vst v28;
	v39 =	vsub.f32 v57, v59  }
0x115: {  	v60 =	vor.u32 v4, v55;
	v27 =	vor.u32 v1, v58;
	[tilespmem:s30+$0x7730] =	vst v28;
	v63 =	vsub.f32 v61, v62  }
0x116: {  	v32 =	vmul.f32 v32, v40;
	v25 =	vmul.f32 v25, v31;
	v49 =	vld.idx.msk [tilespmem:v43+s10+$0x0], $0xffff;
	[tilespmem:s30+$0x3340] =	vst v39  }
0x117: {  	v47 =	vshrl.u32 v45, $0x1;
	v26 =	vmul.f32 v51, v26;
	v46 =	vmul.f32 v53, v38;
	v51 =	vld.idx.msk [tilespmem:v36+s10+$0x0], $0xffff;
	[tilespmem:s30+$0x3350] =	vst v63  }
0x118: {  	v48 =	vand.u32 $0x7FFFFFC0, v47;
	v28 =	vand.u32 v7, v60;
	v29 =	vld.idx.msk [tilespmem:v52+s9+$0x0], $0xffff;
	v25 =	vadd.f32 v25, v32;
	[tilespmem:s30+$0x3360] =	vst v39  }
0x119: {  	v50 =	vor.u32 v1, v48;
	v35 =	vld.idx.msk [tilespmem:v54+s9+$0x0], $0xffff;
	v26 =	vadd.f32 v46, v26;
	[tilespmem:s30+$0x3370] =	vst v63  }
0x11a: {  	v53 =	vor.u32 v4, v48;
	v37 =	vld.idx.msk [tilespmem:v56+s9+$0x0], $0xffff;
	[tilespmem:s30+$0x7340] =	vst v25  }
0x11b: {  	v55 =	vor.u32 v5, v48;
	v30 =	vld.idx.msk [tilespmem:v30+s9+$0x0], $0xffff;
	v52 =	vshll.u32 v45, $0x6;
	[tilespmem:s30+$0x7350] =	vst v26  }
0x11c: {  	v56 =	vor.u32 v6, v48;
	v54 =	vand.u32 $0x1FC0, v52;
	v27 =	vld.idx.msk [tilespmem:v27+s10+$0x0], $0xffff;
	[tilespmem:s30+$0x7360] =	vst v25  }
0x11d: {  	v59 =	vor.u32 v5, v52;
	v57 =	vor.u32 v1, v54;
	[tilespmem:s30+$0x7370] =	vst v26;
	v28 =	vld.idx.msk [tilespmem:v28+s10+$0x0], $0xffff  }
0x11e: {  	v58 =	vor.u32 v4, v52;
	v26 =	vand.u32 v8, v59;
	v31 =	vld.idx.msk [tilespmem:v50+s9+$0x0], $0xffff  }
0x11f: {  	v36 =	vor.u32 v6, v52;
	v39 =	vand.u32 v7, v58;
	v38 =	vld.idx.msk [tilespmem:v53+s9+$0x0], $0xffff  }
0x120: {  	v36 =	vand.u32 v9, v36;
	v40 =	vld.idx.msk [tilespmem:v55+s9+$0x0], $0xffff  }
0x121: {  	v61 =	vmul.f32 v49, v37;
	v25 =	vld.idx.msk [tilespmem:v56+s9+$0x0], $0xffff;
	v60 =	vmul.f32 v27, v29  }
0x122: {  	v47 =	vperm.xlane v24, v17;
	v45 =	vperm.xlane v23, v18;
	v32 =	vld.idx.msk [tilespmem:v57+s10+$0x0], $0xffff  }
0x123: {  	v27 =	vmul.f32 v27, v37;
	v29 =	vmul.f32 v49, v29;
	v26 =	vld.idx.msk [tilespmem:v26+s10+$0x0], $0xffff;
	v41 =	vsub.f32 v60, v61  }
0x124: {  	v55 =	vshll.u32 v47, $0x6;
	v63 =	vmul.f32 v51, v30;
	v48 =	vmul.f32 v51, v35;
	v51 =	vld.idx.msk [tilespmem:v39+s10+$0x0], $0xffff  }
0x125: {  	v58 =	vand.u32 $0x1FC0, v55;
	v53 =	vld.idx.msk [tilespmem:v36+s10+$0x0], $0xffff;
	v62 =	vmul.f32 v28, v35;
	v27 =	vadd.f32 v29, v27;
	[tilespmem:s30+$0x3740] =	vst v41  }
0x126: {  	v43 =	vor.u32 v5, v55;
	v49 =	vshrl.u32 v47, $0x1;
	v36 =	vor.u32 v6, v55;
	[tilespmem:s30+$0x3760] =	vst v41  }
0x127: {  	v28 =	vmul.f32 v28, v30;
	v50 =	vand.u32 $0x7FFFFFC0, v49;
	v46 =	vsub.f32 v62, v63;
	[tilespmem:s30+$0x7740] =	vst v27  }
0x128: {  	v43 =	vand.u32 v8, v43;
	v36 =	vand.u32 v9, v36;
	v52 =	vor.u32 v1, v50;
	[tilespmem:s30+$0x7760] =	vst v27  }
0x129: {  	v28 =	vadd.f32 v48, v28;
	[tilespmem:s30+$0x3750] =	vst v46;
	v57 =	vmul.f32 v32, v31;
	v59 =	vmul.f32 v26, v40  }
0x12a: {  	v54 =	vor.u32 v4, v50;
	[tilespmem:s30+$0x3770] =	vst v46;
	v61 =	vmul.f32 v51, v38;
	v62 =	vmul.f32 v53, v25  }
0x12b: {  	v56 =	vor.u32 v5, v50;
	v29 =	vor.u32 v6, v50;
	[tilespmem:s30+$0x7750] =	vst v28;
	v39 =	vsub.f32 v57, v59  }
0x12c: {  	v60 =	vor.u32 v4, v55;
	v27 =	vor.u32 v1, v58;
	[tilespmem:s30+$0x7770] =	vst v28;
	v63 =	vsub.f32 v61, v62  }
0x12d: {  	v32 =	vmul.f32 v32, v40;
	v26 =	vmul.f32 v26, v31;
	v49 =	vld.idx.msk [tilespmem:v43+s10+$0x0], $0xffff;
	[tilespmem:s30+$0x3380] =	vst v39  }
0x12e: {  	v47 =	vshrl.u32 v45, $0x1;
	v25 =	vmul.f32 v51, v25;
	v46 =	vmul.f32 v53, v38;
	v51 =	vld.idx.msk [tilespmem:v36+s10+$0x0], $0xffff;
	[tilespmem:s30+$0x3390] =	vst v63  }
0x12f: {  	v48 =	vand.u32 $0x7FFFFFC0, v47;
	v28 =	vand.u32 v7, v60;
	v30 =	vld.idx.msk [tilespmem:v52+s9+$0x0], $0xffff;
	v26 =	vadd.f32 v26, v32;
	[tilespmem:s30+$0x33A0] =	vst v39  }
0x130: {  	v50 =	vor.u32 v1, v48;
	v35 =	vld.idx.msk [tilespmem:v54+s9+$0x0], $0xffff;
	v25 =	vadd.f32 v46, v25;
	[tilespmem:s30+$0x33B0] =	vst v63  }
0x131: {  	v53 =	vor.u32 v4, v48;
	v37 =	vld.idx.msk [tilespmem:v56+s9+$0x0], $0xffff;
	[tilespmem:s30+$0x7380] =	vst v26  }
0x132: {  	v55 =	vor.u32 v5, v48;
	v29 =	vld.idx.msk [tilespmem:v29+s9+$0x0], $0xffff;
	v52 =	vshll.u32 v45, $0x6;
	[tilespmem:s30+$0x7390] =	vst v25  }
0x133: {  	v56 =	vor.u32 v6, v48;
	v54 =	vand.u32 $0x1FC0, v52;
	v27 =	vld.idx.msk [tilespmem:v27+s10+$0x0], $0xffff;
	[tilespmem:s30+$0x73A0] =	vst v26  }
0x134: {  	v59 =	vor.u32 v5, v52;
	v57 =	vor.u32 v1, v54;
	[tilespmem:s30+$0x73B0] =	vst v25;
	v28 =	vld.idx.msk [tilespmem:v28+s10+$0x0], $0xffff  }
0x135: {  	v58 =	vor.u32 v4, v52;
	v25 =	vand.u32 v8, v59;
	v31 =	vld.idx.msk [tilespmem:v50+s9+$0x0], $0xffff  }
0x136: {  	v36 =	vor.u32 v6, v52;
	v39 =	vand.u32 v7, v58;
	v38 =	vld.idx.msk [tilespmem:v53+s9+$0x0], $0xffff  }
0x137: {  	v36 =	vand.u32 v9, v36;
	v40 =	vld.idx.msk [tilespmem:v55+s9+$0x0], $0xffff  }
0x138: {  	v61 =	vmul.f32 v49, v37;
	v26 =	vld.idx.msk [tilespmem:v56+s9+$0x0], $0xffff;
	v60 =	vmul.f32 v27, v30  }
0x139: {  	v47 =	vperm.xlane v24, v18;
	v45 =	vperm.xlane v23, v19;
	v32 =	vld.idx.msk [tilespmem:v57+s10+$0x0], $0xffff  }
0x13a: {  	v27 =	vmul.f32 v27, v37;
	v30 =	vmul.f32 v49, v30;
	v25 =	vld.idx.msk [tilespmem:v25+s10+$0x0], $0xffff;
	v41 =	vsub.f32 v60, v61  }
0x13b: {  	v55 =	vshll.u32 v47, $0x6;
	v63 =	vmul.f32 v51, v29;
	v48 =	vmul.f32 v51, v35;
	v51 =	vld.idx.msk [tilespmem:v39+s10+$0x0], $0xffff  }
0x13c: {  	v58 =	vand.u32 $0x1FC0, v55;
	v53 =	vld.idx.msk [tilespmem:v36+s10+$0x0], $0xffff;
	v62 =	vmul.f32 v28, v35;
	v27 =	vadd.f32 v30, v27;
	[tilespmem:s30+$0x3780] =	vst v41  }
0x13d: {  	v43 =	vor.u32 v5, v55;
	v49 =	vshrl.u32 v47, $0x1;
	v36 =	vor.u32 v6, v55;
	[tilespmem:s30+$0x37A0] =	vst v41  }
0x13e: {  	v28 =	vmul.f32 v28, v29;
	v50 =	vand.u32 $0x7FFFFFC0, v49;
	v46 =	vsub.f32 v62, v63;
	[tilespmem:s30+$0x7780] =	vst v27  }
0x13f: {  	v43 =	vand.u32 v8, v43;
	v36 =	vand.u32 v9, v36;
	v52 =	vor.u32 v1, v50;
	[tilespmem:s30+$0x77A0] =	vst v27  }
0x140: {  	v28 =	vadd.f32 v48, v28;
	[tilespmem:s30+$0x3790] =	vst v46;
	v57 =	vmul.f32 v32, v31;
	v59 =	vmul.f32 v25, v40  }
0x141: {  	v54 =	vor.u32 v4, v50;
	[tilespmem:s30+$0x37B0] =	vst v46;
	v61 =	vmul.f32 v51, v38;
	v62 =	vmul.f32 v53, v26  }
0x142: {  	v56 =	vor.u32 v5, v50;
	v30 =	vor.u32 v6, v50;
	[tilespmem:s30+$0x7790] =	vst v28;
	v39 =	vsub.f32 v57, v59  }
0x143: {  	v60 =	vor.u32 v4, v55;
	v27 =	vor.u32 v1, v58;
	[tilespmem:s30+$0x77B0] =	vst v28;
	v63 =	vsub.f32 v61, v62  }
0x144: {  	v32 =	vmul.f32 v32, v40;
	v25 =	vmul.f32 v25, v31;
	v49 =	vld.idx.msk [tilespmem:v43+s10+$0x0], $0xffff;
	[tilespmem:s30+$0x33C0] =	vst v39  }
0x145: {  	v47 =	vshrl.u32 v45, $0x1;
	v26 =	vmul.f32 v51, v26;
	v46 =	vmul.f32 v53, v38;
	v51 =	vld.idx.msk [tilespmem:v36+s10+$0x0], $0xffff;
	[tilespmem:s30+$0x33D0] =	vst v63  }
0x146: {  	v48 =	vand.u32 $0x7FFFFFC0, v47;
	v28 =	vand.u32 v7, v60;
	v29 =	vld.idx.msk [tilespmem:v52+s9+$0x0], $0xffff;
	v25 =	vadd.f32 v25, v32;
	[tilespmem:s30+$0x33E0] =	vst v39  }
0x147: {  	v50 =	vor.u32 v1, v48;
	v35 =	vld.idx.msk [tilespmem:v54+s9+$0x0], $0xffff;
	v26 =	vadd.f32 v46, v26;
	[tilespmem:s30+$0x33F0] =	vst v63  }
0x148: {  	v53 =	vor.u32 v4, v48;
	v37 =	vld.idx.msk [tilespmem:v56+s9+$0x0], $0xffff;
	[tilespmem:s30+$0x73C0] =	vst v25  }
0x149: {  	v55 =	vor.u32 v5, v48;
	v30 =	vld.idx.msk [tilespmem:v30+s9+$0x0], $0xffff;
	v52 =	vshll.u32 v45, $0x6;
	[tilespmem:s30+$0x73D0] =	vst v26  }
0x14a: {  	v56 =	vor.u32 v6, v48;
	v54 =	vand.u32 $0x1FC0, v52;
	v27 =	vld.idx.msk [tilespmem:v27+s10+$0x0], $0xffff;
	[tilespmem:s30+$0x73E0] =	vst v25  }
0x14b: {  	v59 =	vor.u32 v5, v52;
	v57 =	vor.u32 v1, v54;
	[tilespmem:s30+$0x73F0] =	vst v26;
	v28 =	vld.idx.msk [tilespmem:v28+s10+$0x0], $0xffff  }
0x14c: {  	v58 =	vor.u32 v4, v52;
	v26 =	vand.u32 v8, v59;
	v31 =	vld.idx.msk [tilespmem:v50+s9+$0x0], $0xffff  }
0x14d: {  	v36 =	vor.u32 v6, v52;
	v39 =	vand.u32 v7, v58;
	v38 =	vld.idx.msk [tilespmem:v53+s9+$0x0], $0xffff  }
0x14e: {  	v36 =	vand.u32 v9, v36;
	v40 =	vld.idx.msk [tilespmem:v55+s9+$0x0], $0xffff  }
0x14f: {  	v61 =	vmul.f32 v49, v37;
	v25 =	vld.idx.msk [tilespmem:v56+s9+$0x0], $0xffff;
	v60 =	vmul.f32 v27, v29  }
0x150: {  	v48 =	vperm.xlane v24, v19;
	v46 =	vperm.xlane v23, v20;
	v32 =	vld.idx.msk [tilespmem:v57+s10+$0x0], $0xffff  }
0x151: {  	v27 =	vmul.f32 v27, v37;
	v29 =	vmul.f32 v49, v29;
	v26 =	vld.idx.msk [tilespmem:v26+s10+$0x0], $0xffff;
	v41 =	vsub.f32 v60, v61  }
0x152: {  	v50 =	vshrl.u32 v48, $0x1;
	v63 =	vmul.f32 v51, v30;
	v56 =	vshll.u32 v48, $0x6;
	v52 =	vld.idx.msk [tilespmem:v39+s10+$0x0], $0xffff  }
0x153: {  	v59 =	vand.u32 $0x1FC0, v56;
	v54 =	vld.idx.msk [tilespmem:v36+s10+$0x0], $0xffff;
	v62 =	vmul.f32 v28, v35;
	v27 =	vadd.f32 v29, v27;
	[tilespmem:s30+$0x37C0] =	vst v41  }
0x154: {  	v43 =	vor.u32 v5, v56;
	v49 =	vmul.f32 v51, v35;
	v51 =	vand.u32 $0x7FFFFFC0, v50;
	[tilespmem:s30+$0x37E0] =	vst v41  }
0x155: {  	v43 =	vand.u32 v8, v43;
	v28 =	vmul.f32 v28, v30;
	v47 =	vsub.f32 v62, v63;
	[tilespmem:s30+$0x77C0] =	vst v27  }
0x156: {  	v36 =	vor.u32 v6, v56;
	v53 =	vor.u32 v1, v51;
	v57 =	vor.u32 v5, v51;
	[tilespmem:s30+$0x77E0] =	vst v27  }
0x157: {  	v28 =	vadd.f32 v49, v28;
	[tilespmem:s30+$0x37D0] =	vst v47;
	v58 =	vmul.f32 v32, v31;
	v60 =	vmul.f32 v26, v40  }
0x158: {  	v55 =	vor.u32 v4, v51;
	[tilespmem:s30+$0x37F0] =	vst v47;
	v62 =	vmul.f32 v52, v38;
	v63 =	vmul.f32 v54, v25  }
0x159: {  	v36 =	vand.u32 v9, v36;
	v27 =	vor.u32 v1, v59;
	[tilespmem:s30+$0x77D0] =	vst v28;
	v39 =	vsub.f32 v58, v60  }
0x15a: {  	v29 =	vor.u32 v6, v51;
	v61 =	vor.u32 v4, v56;
	[tilespmem:s30+$0x77F0] =	vst v28;
	v45 =	vsub.f32 v62, v63  }
0x15b: {  	v32 =	vmul.f32 v32, v40;
	v26 =	vmul.f32 v26, v31;
	v30 =	vld.idx.msk [tilespmem:v53+s9+$0x0], $0xffff;
	[tilespmem:s30+$0x3400] =	vst v39  }
0x15c: {  	v48 =	vshrl.u32 v46, $0x1;
	v25 =	vmul.f32 v52, v25;
	v47 =	vmul.f32 v54, v38;
	v37 =	vld.idx.msk [tilespmem:v57+s9+$0x0], $0xffff;
	[tilespmem:s30+$0x3410] =	vst v45  }
0x15d: {  	v49 =	vand.u32 $0x7FFFFFC0, v48;
	v28 =	vand.u32 v7, v61;
	v50 =	vld.idx.msk [tilespmem:v43+s10+$0x0], $0xffff;
	v26 =	vadd.f32 v26, v32;
	[tilespmem:s30+$0x3420] =	vst v39  }
0x15e: {  	v51 =	vor.u32 v1, v49;
	v25 =	vadd.f32 v47, v25;
	v27 =	vld.idx.msk [tilespmem:v27+s10+$0x0], $0xffff;
	[tilespmem:s30+$0x3430] =	vst v45  }
0x15f: {  	v54 =	vor.u32 v4, v49;
	v35 =	vld.idx.msk [tilespmem:v55+s9+$0x0], $0xffff;
	v53 =	vshll.u32 v46, $0x6;
	[tilespmem:s30+$0x7400] =	vst v26  }
0x160: {  	v56 =	vor.u32 v5, v49;
	v52 =	vld.idx.msk [tilespmem:v36+s10+$0x0], $0xffff;
	v57 =	vor.u32 v6, v49;
	v55 =	vand.u32 $0x1FC0, v53;
	[tilespmem:s30+$0x7410] =	vst v25  }
0x161: {  	v29 =	vld.idx.msk [tilespmem:v29+s9+$0x0], $0xffff;
	v42 =	vor.u32 v5, v53;
	v58 =	vor.u32 v1, v55;
	[tilespmem:s30+$0x7420] =	vst v26  }
0x162: {  	v59 =	vor.u32 v4, v53;
	v42 =	vand.u32 v8, v42;
	[tilespmem:s30+$0x7430] =	vst v25;
	v28 =	vld.idx.msk [tilespmem:v28+s10+$0x0], $0xffff  }
0x163: {  	v36 =	vor.u32 v6, v53;
	v31 =	vld.idx.msk [tilespmem:v51+s9+$0x0], $0xffff;
	v61 =	vmul.f32 v50, v37;
	v60 =	vmul.f32 v27, v30  }
0x164: {  	v48 =	vperm.xlane v24, v20;
	v36 =	vand.u32 v9, v36;
	v25 =	vand.u32 v7, v59;
	v38 =	vld.idx.msk [tilespmem:v54+s9+$0x0], $0xffff  }
0x165: {  	v40 =	vld.idx.msk [tilespmem:v56+s9+$0x0], $0xffff;
	v27 =	vmul.f32 v27, v37;
	v30 =	vmul.f32 v50, v30;
	v39 =	vsub.f32 v60, v61  }
0x166: {  	v63 =	vmul.f32 v52, v29;
	v32 =	vld.idx.msk [tilespmem:v58+s10+$0x0], $0xffff  }
0x167: {  	v56 =	vshll.u32 v48, $0x6;
	v53 =	vld.idx.msk [tilespmem:v42+s10+$0x0], $0xffff;
	v62 =	vmul.f32 v28, v35;
	v27 =	vadd.f32 v30, v27;
	[tilespmem:s30+$0x3800] =	vst v39  }
0x168: {  	v26 =	vld.idx.msk [tilespmem:v57+s9+$0x0], $0xffff;
	v49 =	vmul.f32 v52, v35;
	v59 =	vor.u32 v4, v56;
	v50 =	vshrl.u32 v48, $0x1;
	[tilespmem:s30+$0x3820] =	vst v39  }
0x169: {  	v55 =	vld.idx.msk [tilespmem:v36+s10+$0x0], $0xffff;
	v28 =	vmul.f32 v28, v29;
	v51 =	vand.u32 $0x7FFFFFC0, v50;
	v47 =	vsub.f32 v62, v63;
	[tilespmem:s30+$0x7800] =	vst v27  }
0x16a: {  	v58 =	vand.u32 $0x1FC0, v56;
	v36 =	vor.u32 v6, v56;
	v25 =	vld.idx.msk [tilespmem:v25+s10+$0x0], $0xffff;
	v52 =	vor.u32 v1, v51;
	[tilespmem:s30+$0x7820] =	vst v27  }
0x16b: {  	v54 =	vor.u32 v4, v51;
	v57 =	vor.u32 v5, v51;
	v28 =	vadd.f32 v49, v28;
	[tilespmem:s30+$0x3810] =	vst v47  }
0x16c: {  	v61 =	vor.u32 v5, v56;
	v60 =	vmul.f32 v32, v31;
	v42 =	vmul.f32 v53, v40;
	[tilespmem:s30+$0x3830] =	vst v47  }
0x16d: {  	v36 =	vand.u32 v9, v36;
	v41 =	vand.u32 v8, v61;
	v27 =	vor.u32 v1, v58;
	[tilespmem:s30+$0x7810] =	vst v28  }
0x16e: {  	v32 =	vmul.f32 v32, v40;
	v31 =	vmul.f32 v53, v31;
	[tilespmem:s30+$0x7830] =	vst v28;
	v39 =	vsub.f32 v60, v42  }
0x16f: {  	v30 =	vor.u32 v6, v51;
	v63 =	vmul.f32 v55, v26;
	v47 =	vperm.xlane v23, v21;
	v29 =	vld.idx.msk [tilespmem:v52+s9+$0x0], $0xffff  }
0x170: {  	v62 =	vmul.f32 v25, v38;
	v31 =	vadd.f32 v31, v32;
	v34 =	vld.idx.msk [tilespmem:v54+s9+$0x0], $0xffff;
	[tilespmem:s30+$0x3440] =	vst v39  }
0x171: {  	v48 =	vmul.f32 v55, v38;
	v28 =	vand.u32 v7, v59;
	v37 =	vld.idx.msk [tilespmem:v57+s9+$0x0], $0xffff;
	v49 =	vshrl.u32 v47, $0x1;
	[tilespmem:s30+$0x3460] =	vst v39  }
0x172: {  	v25 =	vmul.f32 v25, v26;
	v46 =	vsub.f32 v62, v63;
	v50 =	vld.idx.msk [tilespmem:v41+s10+$0x0], $0xffff;
	v51 =	vand.u32 $0x7FFFFFC0, v49;
	[tilespmem:s30+$0x7440] =	vst v31  }
0x173: {  	[tilespmem:s30+$0x7460] =	vst v31;
	v27 =	vld.idx.msk [tilespmem:v27+s10+$0x0], $0xffff;
	v54 =	vor.u32 v1, v51  }
0x174: {  	v30 =	vld.idx.msk [tilespmem:v30+s9+$0x0], $0xffff;
	v25 =	vadd.f32 v48, v25;
	v53 =	vshll.u32 v47, $0x6;
	[tilespmem:s30+$0x3450] =	vst v46;
	v56 =	vor.u32 v4, v51  }
0x175: {  	v52 =	vld.idx.msk [tilespmem:v36+s10+$0x0], $0xffff;
	v55 =	vand.u32 $0x1FC0, v53;
	[tilespmem:s30+$0x3470] =	vst v46;
	v57 =	vor.u32 v5, v51  }
0x176: {  	v58 =	vor.u32 v4, v53;
	v61 =	vor.u32 v5, v53;
	[tilespmem:s30+$0x7450] =	vst v25;
	v32 =	vor.u32 v6, v51  }
0x177: {  	v26 =	vor.u32 v6, v53;
	v38 =	vor.u32 v1, v55;
	[tilespmem:s30+$0x7470] =	vst v25;
	v28 =	vld.idx.msk [tilespmem:v28+s10+$0x0], $0xffff  }
0x178: {  	v31 =	vand.u32 v7, v58;
	v60 =	vmul.f32 v50, v37;
	v59 =	vmul.f32 v27, v29;
	v36 =	vld.idx.msk [tilespmem:v54+s9+$0x0], $0xffff  }
0x179: {  	v47 =	vperm.xlane v24, v21;
	v25 =	vand.u32 v8, v61;
	v26 =	vand.u32 v9, v26;
	v39 =	vld.idx.msk [tilespmem:v56+s9+$0x0], $0xffff  }
0x17a: {  	v27 =	vmul.f32 v27, v37;
	v29 =	vmul.f32 v50, v29;
	v48 =	vld.idx.msk [tilespmem:v57+s9+$0x0], $0xffff;
	v41 =	vsub.f32 v59, v60  }
0x17b: {  	v63 =	vmul.f32 v52, v30;
	v49 =	vmul.f32 v52, v34;
	v32 =	vld.idx.msk [tilespmem:v32+s9+$0x0], $0xffff  }
0x17c: {  	v52 =	vld.idx.msk [tilespmem:v38+s10+$0x0], $0xffff;
	v62 =	vmul.f32 v28, v34;
	v27 =	vadd.f32 v29, v27;
	[tilespmem:s30+$0x3840] =	vst v41  }
0x17d: {  	v50 =	vshrl.u32 v47, $0x1;
	v31 =	vld.idx.msk [tilespmem:v31+s10+$0x0], $0xffff;
	[tilespmem:s30+$0x3860] =	vst v41  }
0x17e: {  	v25 =	vld.idx.msk [tilespmem:v25+s10+$0x0], $0xffff;
	v28 =	vmul.f32 v28, v30;
	v51 =	vand.u32 $0x7FFFFFC0, v50;
	v46 =	vsub.f32 v62, v63;
	[tilespmem:s30+$0x7840] =	vst v27  }
0x17f: {  	v55 =	vshll.u32 v47, $0x6;
	v26 =	vld.idx.msk [tilespmem:v26+s10+$0x0], $0xffff;
	v53 =	vor.u32 v1, v51;
	[tilespmem:s30+$0x7860] =	vst v27  }
0x180: {  	v56 =	vor.u32 v5, v51;
	v59 =	vor.u32 v5, v55;
	v28 =	vadd.f32 v49, v28;
	[tilespmem:s30+$0x3850] =	vst v46  }
0x181: {  	v57 =	vand.u32 $0x1FC0, v55;
	v40 =	vand.u32 v8, v59;
	[tilespmem:s30+$0x3870] =	vst v46  }
0x182: {  	v23 =	vperm.xlane v23, v22;
	v37 =	vor.u32 v6, v55;
	v27 =	vor.u32 v1, v57;
	[tilespmem:s30+$0x7850] =	vst v28  }
0x183: {  	v37 =	vand.u32 v9, v37;
	[tilespmem:s30+$0x7870] =	vst v28;
	v60 =	vmul.f32 v52, v36;
	v61 =	vmul.f32 v25, v48  }
0x184: {  	v54 =	vor.u32 v4, v51;
	v62 =	vmul.f32 v31, v39;
	v63 =	vmul.f32 v26, v32;
	v30 =	vld.idx.msk [tilespmem:v53+s9+$0x0], $0xffff  }
0x185: {  	v58 =	vor.u32 v4, v55;
	v29 =	vor.u32 v6, v51;
	v38 =	vld.idx.msk [tilespmem:v56+s9+$0x0], $0xffff;
	v41 =	vsub.f32 v60, v61  }
0x186: {  	v28 =	vand.u32 v7, v58;
	v33 =	vmul.f32 v52, v48;
	v47 =	vsub.f32 v62, v63;
	v48 =	vld.idx.msk [tilespmem:v40+s10+$0x0], $0xffff  }
0x187: {  	v24 =	vperm.xlane v24, v22;
	v49 =	vshrl.u32 v23, $0x1;
	v25 =	vmul.f32 v25, v36;
	v27 =	vld.idx.msk [tilespmem:v27+s10+$0x0], $0xffff;
	[tilespmem:s30+$0x3480] =	vst v41  }
0x188: {  	v23 =	vshll.u32 v23, $0x6;
	v31 =	vmul.f32 v31, v32;
	v26 =	vmul.f32 v26, v39;
	v50 =	vld.idx.msk [tilespmem:v37+s10+$0x0], $0xffff;
	[tilespmem:s30+$0x3490] =	vst v47  }
0x189: {  	v57 =	vor.u32 v4, v23;
	v32 =	vand.u32 $0x7FFFFFC0, v49;
	v34 =	vld.idx.msk [tilespmem:v54+s9+$0x0], $0xffff;
	v25 =	vadd.f32 v25, v33;
	[tilespmem:s30+$0x34A0] =	vst v41  }
0x18a: {  	v52 =	vor.u32 v1, v32;
	v29 =	vld.idx.msk [tilespmem:v29+s9+$0x0], $0xffff;
	v26 =	vadd.f32 v26, v31;
	[tilespmem:s30+$0x34B0] =	vst v47  }
0x18b: {  	v51 =	vand.u32 $0x1FC0, v23;
	v53 =	vor.u32 v4, v32;
	v54 =	vor.u32 v5, v32;
	[tilespmem:s30+$0x7480] =	vst v25;
	v28 =	vld.idx.msk [tilespmem:v28+s10+$0x0], $0xffff  }
0x18c: {  	v61 =	vor.u32 v5, v23;
	[tilespmem:s30+$0x7490] =	vst v26;
	v56 =	vmul.f32 v48, v38;
	v55 =	vmul.f32 v27, v30  }
0x18d: {  	v31 =	vor.u32 v1, v51;
	v23 =	vor.u32 v6, v23;
	v40 =	vand.u32 v8, v61;
	[tilespmem:s30+$0x74A0] =	vst v25  }
0x18e: {  	[tilespmem:s30+$0x74B0] =	vst v26;
	v27 =	vmul.f32 v27, v38;
	v30 =	vmul.f32 v48, v30;
	v60 =	vsub.f32 v55, v56  }
0x18f: {  	v32 =	vor.u32 v6, v32;
	v23 =	vand.u32 v9, v23;
	v33 =	vld.idx.msk [tilespmem:v52+s9+$0x0], $0xffff;
	v59 =	vmul.f32 v50, v29  }
0x190: {  	v63 =	vld.idx.msk [tilespmem:v53+s9+$0x0], $0xffff;
	v58 =	vmul.f32 v28, v34;
	v27 =	vadd.f32 v30, v27;
	[tilespmem:s30+$0x3880] =	vst v60  }
0x191: {  	v46 =	vshrl.u32 v24, $0x1;
	v25 =	vand.u32 v7, v57;
	v45 =	vmul.f32 v50, v34;
	v47 =	vld.idx.msk [tilespmem:v54+s9+$0x0], $0xffff;
	[tilespmem:s30+$0x38A0] =	vst v60  }
0x192: {  	v31 =	vld.idx.msk [tilespmem:v31+s10+$0x0], $0xffff;
	v48 =	vand.u32 $0x7FFFFFC0, v46;
	v28 =	vmul.f32 v28, v29;
	v62 =	vsub.f32 v58, v59;
	[tilespmem:s30+$0x7880] =	vst v27  }
0x193: {  	v24 =	vshll.u32 v24, $0x6;
	v52 =	vld.idx.msk [tilespmem:v40+s10+$0x0], $0xffff;
	v50 =	vor.u32 v1, v48;
	[tilespmem:s30+$0x78A0] =	vst v27  }
0x194: {  	v34 =	vor.u32 v5, v48;
	v55 =	vor.u32 v5, v24;
	v28 =	vadd.f32 v45, v28;
	[tilespmem:s30+$0x3890] =	vst v62  }
0x195: {  	v49 =	vld.idx.msk [tilespmem:v32+s9+$0x0], $0xffff;
	v53 =	vand.u32 $0x1FC0, v24;
	v38 =	vand.u32 v8, v55;
	[tilespmem:s30+$0x38B0] =	vst v62  }
0x196: {  	v54 =	vor.u32 v4, v24;
	v23 =	vld.idx.msk [tilespmem:v23+s10+$0x0], $0xffff;
	v27 =	vor.u32 v1, v53;
	[tilespmem:s30+$0x7890] =	vst v28  }
0x197: {  	v25 =	vld.idx.msk [tilespmem:v25+s10+$0x0], $0xffff;
	v51 =	vor.u32 v4, v48;
	v26 =	vor.u32 v6, v48;
	[tilespmem:s30+$0x78B0] =	vst v28  }
0x198: {  	v24 =	vor.u32 v6, v24;
	v56 =	vmul.f32 v31, v33;
	v40 =	vmul.f32 v52, v47;
	v29 =	vld.idx.msk [tilespmem:v50+s9+$0x0], $0xffff  }
0x199: {  	v24 =	vand.u32 v9, v24;
	v31 =	vmul.f32 v31, v47;
	v34 =	vld.idx.msk [tilespmem:v34+s9+$0x0], $0xffff  }
0x19a: {  	v33 =	vmul.f32 v52, v33;
	v28 =	vand.u32 v7, v54;
	v39 =	vsub.f32 v56, v40;
	v38 =	vld.idx.msk [tilespmem:v38+s10+$0x0], $0xffff  }
0x19b: {  	v58 =	vmul.f32 v23, v49;
	v27 =	vld.idx.msk [tilespmem:v27+s10+$0x0], $0xffff  }
0x19c: {  	v57 =	vmul.f32 v25, v63;
	v32 =	vld.idx.msk [tilespmem:v51+s9+$0x0], $0xffff;
	v31 =	vadd.f32 v33, v31;
	[tilespmem:s30+$0x34C0] =	vst v39  }
0x19d: {  	v23 =	vmul.f32 v23, v63;
	v26 =	vld.idx.msk [tilespmem:v26+s9+$0x0], $0xffff;
	[tilespmem:s30+$0x34E0] =	vst v39  }
0x19e: {  	v25 =	vmul.f32 v25, v49;
	v59 =	vsub.f32 v57, v58;
	v24 =	vld.idx.msk [tilespmem:v24+s10+$0x0], $0xffff;
	[tilespmem:s30+$0x74C0] =	vst v31  }
0x19f: {  	[tilespmem:s30+$0x74E0] =	vst v31;
	v28 =	vld.idx.msk [tilespmem:v28+s10+$0x0], $0xffff  }
0x1a0: {  	v23 =	vadd.f32 v23, v25;
	[tilespmem:s30+$0x34D0] =	vst v59;
	v61 =	vmul.f32 v38, v34;
	v60 =	vmul.f32 v27, v29  }
0x1a1: {  	[tilespmem:s30+$0x34F0] =	vst v59  }
0x1a2: {  	[tilespmem:s30+$0x74D0] =	vst v23;
	v27 =	vmul.f32 v27, v34;
	v29 =	vmul.f32 v38, v29;
	v25 =	vsub.f32 v60, v61  }
0x1a3: {  	[tilespmem:s30+$0x74F0] =	vst v23  }
0x1a4: {  	v63 =	vmul.f32 v24, v26;
	v62 =	vmul.f32 v28, v32;
	v27 =	vadd.f32 v29, v27;
	[tilespmem:s30+$0x38C0] =	vst v25  }
0x1a5: {  	[tilespmem:s30+$0x38E0] =	vst v25  }
0x1a6: {  	p0 =	slt.u32 s17, $0xE;
	v24 =	vmul.f32 v24, v32;
	v26 =	vmul.f32 v28, v26;
	v23 =	vsub.f32 v62, v63;
	[tilespmem:s30+$0x78C0] =	vst v27  }
.Ltmp0:
0x1a7: {  	[tilespmem:s30+$0x78E0] =	vst v27;
	(pc) =	sbr.rel @p0 .LBB2_2-.Ltmp0, $4  }
0x1a8: {  	v24 =	vadd.f32 v24, v26;
	[tilespmem:s30+$0x38D0] =	vst v23  }
0x1a9: {  	[tilespmem:s30+$0x38F0] =	vst v23  }
0x1aa: {  	s31 =	sadd.s32 $0x2, s17;
	[tilespmem:s30+$0x78D0] =	vst v24  }
0x1ab: {  	s17 =	smov.u32 s31;
	[tilespmem:s30+$0x78F0] =	vst v24  }
0x1ac: {  	[hbm4b:s6+s1] =	stream.linear.scatter [tilespmem:s14], [sflag:$0x1], $0x4000, $0x38;
	[tilespmem:$0xB100] =	vst v63  }
0x1ad: {  	s16 =	sadd.s32 $0x1, s16  }
0x1ae: {  	[hbm4b:s7+s1] =	stream.linear.scatter [tilespmem:s15], [sflag:$0x2], $0x4000, $0x38;
	[tilespmem:$0xB100] =	vst v63  }
0x1af: {  	p0 =	sne.s32 s16, s8;
	_ =	swait.ge [sflag:s11], $0x4000  }
.Ltmp1:
0x1b0: {  	[sflag:s11] =	ssyncset.done $0x0;
	(pc) =	sbr.rel @p0 .LBB2_1-.Ltmp1, $4  }
0x1b1: {  	[sflag:s11] =	ssyncadd.s32 $0xFFFFC000  }
0x1b2: {  	_ =	swait.ge [sflag:s12], $0x4000  }
0x1b3: {  	[sflag:s12] =	ssyncset.done $0x0  }
0x1b4: {  	[sflag:s12] =	ssyncadd.s32 $0xFFFFC000  }
0x1b5: {  	_ =	sfence.sel $0x180000  }
0x1b6: {  	[bflag:$0x0] =	sbarrier.arrive $0xFFFF  }
0x1b7: {  	p0 =	sne.s32 s2, $0x0;
	_ =	strace $0x90000047  }
0x1b8: {  	s0 =	sadd.s32 @!p0 $0x100000, s0;
	[bflag:$0x2] =	sbarrier.arrive $0xFFFF  }
0x1b9: {  	[sflag:s0] =	ssyncadd.tile.s32 @!p0 $0x1;
	_ =	shalt  }
.Lfunc_end2:
_tile_overlayer_lowered:
.L_overlay_start_2:
0x1ba: {  	(tag) =	ssettag $0x2  }
0x1bb: {  	s0 =	rddreg [dreg:$0x0];
	s2 =	stileid.u32  }
0x1bc: {  	s1 =	rddreg [dreg:$0x1];
	p0 =	sne.s32 s2, $0x0  }
0x1bd: {  	s3 =	rddreg [dreg:$0x2];
	[bflag:$0x3] =	sbarrier.arrive $0xFFFF;
	s2 =	simm.s32 @!p0 $0x1C04  }
0x1be: {  	[timem:s3], [sflag:s2] =	dma.local @!p0 [hbm:s0], s1  }
0x1bf: {  	s0 =	simm.s32 @!p0 $0x4  }
0x1c0: {  	_ =	swait.ge @!p0 [sflag:s0], s1  }
0x1c1: {  	s1 =	ssub.s32 @!p0 $0x0, s1;
	[sflag:s0] =	ssyncset.done @!p0 $0x0  }
0x1c2: {  	[sflag:s0] =	ssyncadd.s32 @!p0 s1  }
0x1c3: {  	[bflag:$0x3] =	sbarrier.arrive $0xFFFF  }
0x1c4: {  	_ =	shalt  }

</sc_bundles>
